<compile_context>
chip_gen: v7x
topology: tpu7x:2x2x1
jax: 0.10.2.dev20260603
libtpu: 0.0.44.dev20260713+nightly
codegen_flags: <defaults>
</compile_context>

<pallas_src>
import jax
import jax.numpy as jnp
from jax import lax
from jax.experimental import pallas as pl
from jax.experimental.pallas import tpu as pltpu
from jax.experimental.pallas import tpu_sc as plsc

BATCH = 16384
EMBED = 64
NC = 2
NS = 16
LANES = 16
NW = NC * NS
BPW = BATCH // NW
CHUNK = 128
NCHUNK = BPW // CHUNK


def _mf_body(uid_hbm, sid_hbm, utab_hbm, stab_hbm, out_hbm,
             uid_v, sid_v, urows, srows, outv, sem_idx, sem_u, sem_s):
    wid = lax.axis_index("s") * NC + lax.axis_index("c")
    base = wid * BPW

    idx_copies = []
    for i in range(NCHUNK):
        idx_copies.append(pltpu.async_copy(
            uid_hbm.at[pl.ds(base + i * CHUNK, CHUNK)], uid_v.at[i], sem_idx))
        idx_copies.append(pltpu.async_copy(
            sid_hbm.at[pl.ds(base + i * CHUNK, CHUNK)], sid_v.at[i], sem_idx))
    for c in idx_copies:
        c.wait()

    u_copies = [pltpu.async_copy(utab_hbm.at[uid_v.at[i]],
                                 urows.at[pl.ds(i * CHUNK, CHUNK)], sem_u)
                for i in range(NCHUNK)]
    s_copies = [pltpu.async_copy(stab_hbm.at[sid_v.at[i]],
                                 srows.at[pl.ds(i * CHUNK, CHUNK)], sem_s)
                for i in range(NCHUNK)]
    for c in u_copies:
        c.wait()
    for c in s_copies:
        c.wait()

    lane = lax.iota(jnp.int32, LANES)

    def group(t, _):
        ps = []
        for r in range(LANES):
            urow = urows.at[t * LANES + r]
            srow = srows.at[t * LANES + r]
            p = None
            for c in range(EMBED // LANES):
                uv = urow[pl.ds(c * LANES, LANES)]
                sv = srow[pl.ds(c * LANES, LANES)]
                pr = uv * sv
                p = pr if p is None else p + pr
            ps.append(p)
        k = 1
        while len(ps) > 1:
            idx = jnp.bitwise_xor(lane, k)
            mask = jnp.bitwise_and(lane, k) == 0
            nxt = []
            for i in range(0, len(ps), 2):
                a, b = ps[i], ps[i + 1]
                pa = a.at[idx].get(mode="promise_in_bounds")
                pb = b.at[idx].get(mode="promise_in_bounds")
                nxt.append(jnp.where(mask, a + pa, b + pb))
            ps = nxt
            k *= 2
        dot = ps[0]
        rating = 10.0 / (1.0 + jnp.exp(-dot))
        outv[pl.ds(t * LANES, LANES)] = rating
        return _

    lax.fori_loop(0, BPW // LANES, group, None)

    pltpu.sync_copy(outv, out_hbm.at[pl.ds(base, BPW)])


def kernel(user_id, song_id, user_embedding, song_embedding):
    mesh = plsc.VectorSubcoreMesh(core_axis_name="c", subcore_axis_name="s")
    k = pl.kernel(
        _mf_body,
        mesh=mesh,
        compiler_params=pltpu.CompilerParams(
            needs_layout_passes=False, use_tc_tiling_on_sc=False),
        out_type=jax.ShapeDtypeStruct((BATCH,), jnp.float32),
        scratch_types=[
            pltpu.VMEM((NCHUNK, CHUNK), jnp.int32),
            pltpu.VMEM((NCHUNK, CHUNK), jnp.int32),
            pltpu.VMEM((BPW, EMBED), jnp.float32),
            pltpu.VMEM((BPW, EMBED), jnp.float32),
            pltpu.VMEM((BPW,), jnp.float32),
            pltpu.SemaphoreType.DMA,
            pltpu.SemaphoreType.DMA,
            pltpu.SemaphoreType.DMA,
        ],
    )
    return k(user_id.astype(jnp.int32), song_id.astype(jnp.int32),
             user_embedding, song_embedding)

# --- scband reference (transcript-rebuilt; emitter-appended) ---
"""Pipeline reference for scband-matrix-factorization-29403346108831 (READ-ONLY COPY).

The authoritative reference and input builder live on the scoring server;
editing this copy changes nothing except your own understanding.
"""

import jax, jax.numpy as jnp
import numpy as np

NUM_USERS = 100000
NUM_SONGS = 1000000
EMBED = 64
BATCH = 16384

def setup_inputs(seed: int = 0) -> dict:
    key = jax.random.key(seed)
    k1, k2, k3, k4 = jax.random.split(key, 4)
    user_id = jax.random.randint(k1, (BATCH,), 0, NUM_USERS, dtype=jnp.int64 if jax.config.jax_enable_x64 else jnp.int32)
    song_id = jax.random.randint(k2, (BATCH,), 0, NUM_SONGS, dtype=jnp.int64 if jax.config.jax_enable_x64 else jnp.int32)
    user_embedding = 0.1 * jax.random.normal(k3, (NUM_USERS, EMBED), dtype=jnp.float32)
    song_embedding = 0.1 * jax.random.normal(k4, (NUM_SONGS, EMBED), dtype=jnp.float32)
    return {"user_id": user_id, "song_id": song_id, "user_embedding": user_embedding, "song_embedding": song_embedding}

def reference(user_id, song_id, user_embedding, song_embedding):
    u = jnp.take(user_embedding, user_id, axis=0)
    s = jnp.take(song_embedding, song_id, axis=0)
    dot_product = jnp.sum(u * s, axis=1)
    output = jax.nn.sigmoid(dot_product)
    rating = 10.0 * output
    return rating

if __name__ == "__main__":
    import jax
    _d = setup_inputs()
    print(jax.jit(kernel)(*tuple(_d.values())))

</pallas_src>

<mosaic_0001>
#map = affine_map<(d0, d1) -> (0)>
#map1 = affine_map<(d0, d1) -> (0, 0)>
module attributes {stable_mosaic.version = 14 : i64} {
  func.func @_mf_body(%arg0: i32, %arg1: i32, %arg2: memref<16384xi32, #tpu.memory_space<hbm>>, %arg3: memref<16384xi32, #tpu.memory_space<hbm>>, %arg4: memref<100000x64xf32, #tpu.memory_space<hbm>>, %arg5: memref<1000000x64xf32, #tpu.memory_space<hbm>>, %arg6: memref<16384xf32, #tpu.memory_space<hbm>>, %arg7: memref<4x128xi32, #tpu.memory_space<vmem>>, %arg8: memref<4x128xi32, #tpu.memory_space<vmem>>, %arg9: memref<512x64xf32, #tpu.memory_space<vmem>>, %arg10: memref<512x64xf32, #tpu.memory_space<vmem>>, %arg11: memref<512xf32, #tpu.memory_space<vmem>>, %arg12: memref<!tpu.dma_semaphore, #tpu.memory_space<semaphore_mem>>, %arg13: memref<!tpu.dma_semaphore, #tpu.memory_space<semaphore_mem>>, %arg14: memref<!tpu.dma_semaphore, #tpu.memory_space<semaphore_mem>>) attributes {dimension_semantics = [#tpu.dimension_semantics<core_parallel>, #tpu.dimension_semantics<subcore_parallel>], iteration_bounds = array<i64: 2, 16>, scalar_prefetch = 0 : i64, scratch_operands = 8 : i64, tpu.core_type = #tpu.core_type<sc_vector_subcore>, window_params = [{transform_indices = #map}, {transform_indices = #map}, {transform_indices = #map1}, {transform_indices = #map1}, {transform_indices = #map}]} {
    %mul3A = arith.constant 2 : i32
    %mul3A_0 = arith.muli %arg1, %mul3A : i32
    %add3A = arith.addi %mul3A_0, %arg0 : i32
    %mul3A_1 = arith.constant 512 : i32
    %mul3A_2 = arith.muli %add3A, %mul3A_1 : i32
    %add3A_3 = arith.constant 0 : i32
    %add3A_4 = arith.addi %mul3A_2, %add3A_3 : i32
    %dma_start3A = arith.constant 0 : i32
    %dma_start3A_5 = arith.constant 0 : i32
    %dma_start3A_6 = tpu.memref_slice %arg7[%dma_start3A, %dma_start3A_5] : memref<4x128xi32, #tpu.memory_space<vmem>> -> memref<1x128xi32, #tpu.memory_space<vmem>>
    %dma_start3A_7 = tpu.memref_squeeze %dma_start3A_6 : memref<1x128xi32, #tpu.memory_space<vmem>> -> memref<128xi32, #tpu.memory_space<vmem>>
    %dma_start3A_8 = tpu.memref_slice %arg2[%add3A_4] : memref<16384xi32, #tpu.memory_space<hbm>> -> memref<128xi32, #tpu.memory_space<hbm>>
    %dma_start3A_9 = arith.constant 0 : i32
    %dma_start3A_10 = tpu.memref_slice %arg7[%dma_start3A, %dma_start3A_9] : memref<4x128xi32, #tpu.memory_space<vmem>> -> memref<1x128xi32, #tpu.memory_space<vmem>>
    %dma_start3A_11 = tpu.memref_squeeze %dma_start3A_10 : memref<1x128xi32, #tpu.memory_space<vmem>> -> memref<128xi32, #tpu.memory_space<vmem>>
    %dma_start3A_12 = tpu.memref_slice %arg2[%add3A_4] : memref<16384xi32, #tpu.memory_space<hbm>> -> memref<128xi32, #tpu.memory_space<hbm>>
    tpu.enqueue_dma source(%dma_start3A_12 : memref<128xi32, #tpu.memory_space<hbm>>) target(%dma_start3A_11 : memref<128xi32, #tpu.memory_space<vmem>>) target_semaphore(%arg12 : memref<!tpu.dma_semaphore, #tpu.memory_space<semaphore_mem>>)
    %add3A_13 = arith.constant 0 : i32
    %add3A_14 = arith.addi %mul3A_2, %add3A_13 : i32
    %dma_start3A_15 = arith.constant 0 : i32
    %dma_start3A_16 = arith.constant 0 : i32
    %dma_start3A_17 = tpu.memref_slice %arg8[%dma_start3A_15, %dma_start3A_16] : memref<4x128xi32, #tpu.memory_space<vmem>> -> memref<1x128xi32, #tpu.memory_space<vmem>>
    %dma_start3A_18 = tpu.memref_squeeze %dma_start3A_17 : memref<1x128xi32, #tpu.memory_space<vmem>> -> memref<128xi32, #tpu.memory_space<vmem>>
    %dma_start3A_19 = tpu.memref_slice %arg3[%add3A_14] : memref<16384xi32, #tpu.memory_space<hbm>> -> memref<128xi32, #tpu.memory_space<hbm>>
    %dma_start3A_20 = arith.constant 0 : i32
    %dma_start3A_21 = tpu.memref_slice %arg8[%dma_start3A_15, %dma_start3A_20] : memref<4x128xi32, #tpu.memory_space<vmem>> -> memref<1x128xi32, #tpu.memory_space<vmem>>
    %dma_start3A_22 = tpu.memref_squeeze %dma_start3A_21 : memref<1x128xi32, #tpu.memory_space<vmem>> -> memref<128xi32, #tpu.memory_space<vmem>>
    %dma_start3A_23 = tpu.memref_slice %arg3[%add3A_14] : memref<16384xi32, #tpu.memory_space<hbm>> -> memref<128xi32, #tpu.memory_space<hbm>>
    tpu.enqueue_dma source(%dma_start3A_23 : memref<128xi32, #tpu.memory_space<hbm>>) target(%dma_start3A_22 : memref<128xi32, #tpu.memory_space<vmem>>) target_semaphore(%arg12 : memref<!tpu.dma_semaphore, #tpu.memory_space<semaphore_mem>>)
    %add3A_24 = arith.constant 128 : i32
    %add3A_25 = arith.addi %mul3A_2, %add3A_24 : i32
    %dma_start3A_26 = arith.constant 1 : i32
    %dma_start3A_27 = arith.constant 0 : i32
    %dma_start3A_28 = tpu.memref_slice %arg7[%dma_start3A_26, %dma_start3A_27] : memref<4x128xi32, #tpu.memory_space<vmem>> -> memref<1x128xi32, #tpu.memory_space<vmem>>
    %dma_start3A_29 = tpu.memref_squeeze %dma_start3A_28 : memref<1x128xi32, #tpu.memory_space<vmem>> -> memref<128xi32, #tpu.memory_space<vmem>>
    %dma_start3A_30 = tpu.memref_slice %arg2[%add3A_25] : memref<16384xi32, #tpu.memory_space<hbm>> -> memref<128xi32, #tpu.memory_space<hbm>>
    %dma_start3A_31 = arith.constant 0 : i32
    %dma_start3A_32 = tpu.memref_slice %arg7[%dma_start3A_26, %dma_start3A_31] : memref<4x128xi32, #tpu.memory_space<vmem>> -> memref<1x128xi32, #tpu.memory_space<vmem>>
    %dma_start3A_33 = tpu.memref_squeeze %dma_start3A_32 : memref<1x128xi32, #tpu.memory_space<vmem>> -> memref<128xi32, #tpu.memory_space<vmem>>
    %dma_start3A_34 = tpu.memref_slice %arg2[%add3A_25] : memref<16384xi32, #tpu.memory_space<hbm>> -> memref<128xi32, #tpu.memory_space<hbm>>
    tpu.enqueue_dma source(%dma_start3A_34 : memref<128xi32, #tpu.memory_space<hbm>>) target(%dma_start3A_33 : memref<128xi32, #tpu.memory_space<vmem>>) target_semaphore(%arg12 : memref<!tpu.dma_semaphore, #tpu.memory_space<semaphore_mem>>)
    %add3A_35 = arith.constant 128 : i32
    %add3A_36 = arith.addi %mul3A_2, %add3A_35 : i32
    %dma_start3A_37 = arith.constant 1 : i32
    %dma_start3A_38 = arith.constant 0 : i32
    %dma_start3A_39 = tpu.memref_slice %arg8[%dma_start3A_37, %dma_start3A_38] : memref<4x128xi32, #tpu.memory_space<vmem>> -> memref<1x128xi32, #tpu.memory_space<vmem>>
    %dma_start3A_40 = tpu.memref_squeeze %dma_start3A_39 : memref<1x128xi32, #tpu.memory_space<vmem>> -> memref<128xi32, #tpu.memory_space<vmem>>
    %dma_start3A_41 = tpu.memref_slice %arg3[%add3A_36] : memref<16384xi32, #tpu.memory_space<hbm>> -> memref<128xi32, #tpu.memory_space<hbm>>
    %dma_start3A_42 = arith.constant 0 : i32
    %dma_start3A_43 = tpu.memref_slice %arg8[%dma_start3A_37, %dma_start3A_42] : memref<4x128xi32, #tpu.memory_space<vmem>> -> memref<1x128xi32, #tpu.memory_space<vmem>>
    %dma_start3A_44 = tpu.memref_squeeze %dma_start3A_43 : memref<1x128xi32, #tpu.memory_space<vmem>> -> memref<128xi32, #tpu.memory_space<vmem>>
    %dma_start3A_45 = tpu.memref_slice %arg3[%add3A_36] : memref<16384xi32, #tpu.memory_space<hbm>> -> memref<128xi32, #tpu.memory_space<hbm>>
    tpu.enqueue_dma source(%dma_start3A_45 : memref<128xi32, #tpu.memory_space<hbm>>) target(%dma_start3A_44 : memref<128xi32, #tpu.memory_space<vmem>>) target_semaphore(%arg12 : memref<!tpu.dma_semaphore, #tpu.memory_space<semaphore_mem>>)
    %add3A_46 = arith.constant 256 : i32
    %add3A_47 = arith.addi %mul3A_2, %add3A_46 : i32
    %dma_start3A_48 = arith.constant 2 : i32
    %dma_start3A_49 = arith.constant 0 : i32
    %dma_start3A_50 = tpu.memref_slice %arg7[%dma_start3A_48, %dma_start3A_49] : memref<4x128xi32, #tpu.memory_space<vmem>> -> memref<1x128xi32, #tpu.memory_space<vmem>>
    %dma_start3A_51 = tpu.memref_squeeze %dma_start3A_50 : memref<1x128xi32, #tpu.memory_space<vmem>> -> memref<128xi32, #tpu.memory_space<vmem>>
    %dma_start3A_52 = tpu.memref_slice %arg2[%add3A_47] : memref<16384xi32, #tpu.memory_space<hbm>> -> memref<128xi32, #tpu.memory_space<hbm>>
    %dma_start3A_53 = arith.constant 0 : i32
    %dma_start3A_54 = tpu.memref_slice %arg7[%dma_start3A_48, %dma_start3A_53] : memref<4x128xi32, #tpu.memory_space<vmem>> -> memref<1x128xi32, #tpu.memory_space<vmem>>
    %dma_start3A_55 = tpu.memref_squeeze %dma_start3A_54 : memref<1x128xi32, #tpu.memory_space<vmem>> -> memref<128xi32, #tpu.memory_space<vmem>>
    %dma_start3A_56 = tpu.memref_slice %arg2[%add3A_47] : memref<16384xi32, #tpu.memory_space<hbm>> -> memref<128xi32, #tpu.memory_space<hbm>>
    tpu.enqueue_dma source(%dma_start3A_56 : memref<128xi32, #tpu.memory_space<hbm>>) target(%dma_start3A_55 : memref<128xi32, #tpu.memory_space<vmem>>) target_semaphore(%arg12 : memref<!tpu.dma_semaphore, #tpu.memory_space<semaphore_mem>>)
    %add3A_57 = arith.constant 256 : i32
    %add3A_58 = arith.addi %mul3A_2, %add3A_57 : i32
    %dma_start3A_59 = arith.constant 2 : i32
    %dma_start3A_60 = arith.constant 0 : i32
    %dma_start3A_61 = tpu.memref_slice %arg8[%dma_start3A_59, %dma_start3A_60] : memref<4x128xi32, #tpu.memory_space<vmem>> -> memref<1x128xi32, #tpu.memory_space<vmem>>
    %dma_start3A_62 = tpu.memref_squeeze %dma_start3A_61 : memref<1x128xi32, #tpu.memory_space<vmem>> -> memref<128xi32, #tpu.memory_space<vmem>>
    %dma_start3A_63 = tpu.memref_slice %arg3[%add3A_58] : memref<16384xi32, #tpu.memory_space<hbm>> -> memref<128xi32, #tpu.memory_space<hbm>>
    %dma_start3A_64 = arith.constant 0 : i32
    %dma_start3A_65 = tpu.memref_slice %arg8[%dma_start3A_59, %dma_start3A_64] : memref<4x128xi32, #tpu.memory_space<vmem>> -> memref<1x128xi32, #tpu.memory_space<vmem>>
    %dma_start3A_66 = tpu.memref_squeeze %dma_start3A_65 : memref<1x128xi32, #tpu.memory_space<vmem>> -> memref<128xi32, #tpu.memory_space<vmem>>
    %dma_start3A_67 = tpu.memref_slice %arg3[%add3A_58] : memref<16384xi32, #tpu.memory_space<hbm>> -> memref<128xi32, #tpu.memory_space<hbm>>
    tpu.enqueue_dma source(%dma_start3A_67 : memref<128xi32, #tpu.memory_space<hbm>>) target(%dma_start3A_66 : memref<128xi32, #tpu.memory_space<vmem>>) target_semaphore(%arg12 : memref<!tpu.dma_semaphore, #tpu.memory_space<semaphore_mem>>)
    %add3A_68 = arith.constant 384 : i32
    %add3A_69 = arith.addi %mul3A_2, %add3A_68 : i32
    %dma_start3A_70 = arith.constant 3 : i32
    %dma_start3A_71 = arith.constant 0 : i32
    %dma_start3A_72 = tpu.memref_slice %arg7[%dma_start3A_70, %dma_start3A_71] : memref<4x128xi32, #tpu.memory_space<vmem>> -> memref<1x128xi32, #tpu.memory_space<vmem>>
    %dma_start3A_73 = tpu.memref_squeeze %dma_start3A_72 : memref<1x128xi32, #tpu.memory_space<vmem>> -> memref<128xi32, #tpu.memory_space<vmem>>
    %dma_start3A_74 = tpu.memref_slice %arg2[%add3A_69] : memref<16384xi32, #tpu.memory_space<hbm>> -> memref<128xi32, #tpu.memory_space<hbm>>
    %dma_start3A_75 = arith.constant 0 : i32
    %dma_start3A_76 = tpu.memref_slice %arg7[%dma_start3A_70, %dma_start3A_75] : memref<4x128xi32, #tpu.memory_space<vmem>> -> memref<1x128xi32, #tpu.memory_space<vmem>>
    %dma_start3A_77 = tpu.memref_squeeze %dma_start3A_76 : memref<1x128xi32, #tpu.memory_space<vmem>> -> memref<128xi32, #tpu.memory_space<vmem>>
    %dma_start3A_78 = tpu.memref_slice %arg2[%add3A_69] : memref<16384xi32, #tpu.memory_space<hbm>> -> memref<128xi32, #tpu.memory_space<hbm>>
    tpu.enqueue_dma source(%dma_start3A_78 : memref<128xi32, #tpu.memory_space<hbm>>) target(%dma_start3A_77 : memref<128xi32, #tpu.memory_space<vmem>>) target_semaphore(%arg12 : memref<!tpu.dma_semaphore, #tpu.memory_space<semaphore_mem>>)
    %add3A_79 = arith.constant 384 : i32
    %add3A_80 = arith.addi %mul3A_2, %add3A_79 : i32
    %dma_start3A_81 = arith.constant 3 : i32
    %dma_start3A_82 = arith.constant 0 : i32
    %dma_start3A_83 = tpu.memref_slice %arg8[%dma_start3A_81, %dma_start3A_82] : memref<4x128xi32, #tpu.memory_space<vmem>> -> memref<1x128xi32, #tpu.memory_space<vmem>>
    %dma_start3A_84 = tpu.memref_squeeze %dma_start3A_83 : memref<1x128xi32, #tpu.memory_space<vmem>> -> memref<128xi32, #tpu.memory_space<vmem>>
    %dma_start3A_85 = tpu.memref_slice %arg3[%add3A_80] : memref<16384xi32, #tpu.memory_space<hbm>> -> memref<128xi32, #tpu.memory_space<hbm>>
    %dma_start3A_86 = arith.constant 0 : i32
    %dma_start3A_87 = tpu.memref_slice %arg8[%dma_start3A_81, %dma_start3A_86] : memref<4x128xi32, #tpu.memory_space<vmem>> -> memref<1x128xi32, #tpu.memory_space<vmem>>
    %dma_start3A_88 = tpu.memref_squeeze %dma_start3A_87 : memref<1x128xi32, #tpu.memory_space<vmem>> -> memref<128xi32, #tpu.memory_space<vmem>>
    %dma_start3A_89 = tpu.memref_slice %arg3[%add3A_80] : memref<16384xi32, #tpu.memory_space<hbm>> -> memref<128xi32, #tpu.memory_space<hbm>>
    tpu.enqueue_dma source(%dma_start3A_89 : memref<128xi32, #tpu.memory_space<hbm>>) target(%dma_start3A_88 : memref<128xi32, #tpu.memory_space<vmem>>) target_semaphore(%arg12 : memref<!tpu.dma_semaphore, #tpu.memory_space<semaphore_mem>>)
    %dma_wait3A = arith.constant 0 : i32
    %dma_wait3A_90 = arith.constant 0 : i32
    %dma_wait3A_91 = tpu.memref_slice %arg7[%dma_wait3A, %dma_wait3A_90] : memref<4x128xi32, #tpu.memory_space<vmem>> -> memref<1x128xi32, #tpu.memory_space<vmem>>
    %dma_wait3A_92 = tpu.memref_squeeze %dma_wait3A_91 : memref<1x128xi32, #tpu.memory_space<vmem>> -> memref<128xi32, #tpu.memory_space<vmem>>
    %dma_wait3A_93 = tpu.memref_slice %arg2[%add3A_4] : memref<16384xi32, #tpu.memory_space<hbm>> -> memref<128xi32, #tpu.memory_space<hbm>>
    %dma_wait3A_94 = arith.constant 0 : i32
    %dma_wait3A_95 = tpu.memref_slice %arg7[%dma_wait3A, %dma_wait3A_94] : memref<4x128xi32, #tpu.memory_space<vmem>> -> memref<1x128xi32, #tpu.memory_space<vmem>>
    %dma_wait3A_96 = tpu.memref_squeeze %dma_wait3A_95 : memref<1x128xi32, #tpu.memory_space<vmem>> -> memref<128xi32, #tpu.memory_space<vmem>>
    %dma_wait3A_97 = tpu.memref_slice %arg2[%add3A_4] : memref<16384xi32, #tpu.memory_space<hbm>> -> memref<128xi32, #tpu.memory_space<hbm>>
    tpu.wait_dma2 semaphore(%arg12 : memref<!tpu.dma_semaphore, #tpu.memory_space<semaphore_mem>>) src(%dma_wait3A_97 : memref<128xi32, #tpu.memory_space<hbm>>) dst(%dma_wait3A_96 : memref<128xi32, #tpu.memory_space<vmem>>)
    %dma_wait3A_98 = arith.constant 0 : i32
    %dma_wait3A_99 = arith.constant 0 : i32
    %dma_wait3A_100 = tpu.memref_slice %arg8[%dma_wait3A_98, %dma_wait3A_99] : memref<4x128xi32, #tpu.memory_space<vmem>> -> memref<1x128xi32, #tpu.memory_space<vmem>>
    %dma_wait3A_101 = tpu.memref_squeeze %dma_wait3A_100 : memref<1x128xi32, #tpu.memory_space<vmem>> -> memref<128xi32, #tpu.memory_space<vmem>>
    %dma_wait3A_102 = tpu.memref_slice %arg3[%add3A_14] : memref<16384xi32, #tpu.memory_space<hbm>> -> memref<128xi32, #tpu.memory_space<hbm>>
    %dma_wait3A_103 = arith.constant 0 : i32
    %dma_wait3A_104 = tpu.memref_slice %arg8[%dma_wait3A_98, %dma_wait3A_103] : memref<4x128xi32, #tpu.memory_space<vmem>> -> memref<1x128xi32, #tpu.memory_space<vmem>>
    %dma_wait3A_105 = tpu.memref_squeeze %dma_wait3A_104 : memref<1x128xi32, #tpu.memory_space<vmem>> -> memref<128xi32, #tpu.memory_space<vmem>>
    %dma_wait3A_106 = tpu.memref_slice %arg3[%add3A_14] : memref<16384xi32, #tpu.memory_space<hbm>> -> memref<128xi32, #tpu.memory_space<hbm>>
    tpu.wait_dma2 semaphore(%arg12 : memref<!tpu.dma_semaphore, #tpu.memory_space<semaphore_mem>>) src(%dma_wait3A_106 : memref<128xi32, #tpu.memory_space<hbm>>) dst(%dma_wait3A_105 : memref<128xi32, #tpu.memory_space<vmem>>)
    %dma_wait3A_107 = arith.constant 1 : i32
    %dma_wait3A_108 = arith.constant 0 : i32
    %dma_wait3A_109 = tpu.memref_slice %arg7[%dma_wait3A_107, %dma_wait3A_108] : memref<4x128xi32, #tpu.memory_space<vmem>> -> memref<1x128xi32, #tpu.memory_space<vmem>>
    %dma_wait3A_110 = tpu.memref_squeeze %dma_wait3A_109 : memref<1x128xi32, #tpu.memory_space<vmem>> -> memref<128xi32, #tpu.memory_space<vmem>>
    %dma_wait3A_111 = tpu.memref_slice %arg2[%add3A_25] : memref<16384xi32, #tpu.memory_space<hbm>> -> memref<128xi32, #tpu.memory_space<hbm>>
    %dma_wait3A_112 = arith.constant 0 : i32
    %dma_wait3A_113 = tpu.memref_slice %arg7[%dma_wait3A_107, %dma_wait3A_112] : memref<4x128xi32, #tpu.memory_space<vmem>> -> memref<1x128xi32, #tpu.memory_space<vmem>>
    %dma_wait3A_114 = tpu.memref_squeeze %dma_wait3A_113 : memref<1x128xi32, #tpu.memory_space<vmem>> -> memref<128xi32, #tpu.memory_space<vmem>>
    %dma_wait3A_115 = tpu.memref_slice %arg2[%add3A_25] : memref<16384xi32, #tpu.memory_space<hbm>> -> memref<128xi32, #tpu.memory_space<hbm>>
    tpu.wait_dma2 semaphore(%arg12 : memref<!tpu.dma_semaphore, #tpu.memory_space<semaphore_mem>>) src(%dma_wait3A_115 : memref<128xi32, #tpu.memory_space<hbm>>) dst(%dma_wait3A_114 : memref<128xi32, #tpu.memory_space<vmem>>)
    %dma_wait3A_116 = arith.constant 1 : i32
    %dma_wait3A_117 = arith.constant 0 : i32
    %dma_wait3A_118 = tpu.memref_slice %arg8[%dma_wait3A_116, %dma_wait3A_117] : memref<4x128xi32, #tpu.memory_space<vmem>> -> memref<1x128xi32, #tpu.memory_space<vmem>>
    %dma_wait3A_119 = tpu.memref_squeeze %dma_wait3A_118 : memref<1x128xi32, #tpu.memory_space<vmem>> -> memref<128xi32, #tpu.memory_space<vmem>>
    %dma_wait3A_120 = tpu.memref_slice %arg3[%add3A_36] : memref<16384xi32, #tpu.memory_space<hbm>> -> memref<128xi32, #tpu.memory_space<hbm>>
    %dma_wait3A_121 = arith.constant 0 : i32
    %dma_wait3A_122 = tpu.memref_slice %arg8[%dma_wait3A_116, %dma_wait3A_121] : memref<4x128xi32, #tpu.memory_space<vmem>> -> memref<1x128xi32, #tpu.memory_space<vmem>>
    %dma_wait3A_123 = tpu.memref_squeeze %dma_wait3A_122 : memref<1x128xi32, #tpu.memory_space<vmem>> -> memref<128xi32, #tpu.memory_space<vmem>>
    %dma_wait3A_124 = tpu.memref_slice %arg3[%add3A_36] : memref<16384xi32, #tpu.memory_space<hbm>> -> memref<128xi32, #tpu.memory_space<hbm>>
    tpu.wait_dma2 semaphore(%arg12 : memref<!tpu.dma_semaphore, #tpu.memory_space<semaphore_mem>>) src(%dma_wait3A_124 : memref<128xi32, #tpu.memory_space<hbm>>) dst(%dma_wait3A_123 : memref<128xi32, #tpu.memory_space<vmem>>)
    %dma_wait3A_125 = arith.constant 2 : i32
    %dma_wait3A_126 = arith.constant 0 : i32
    %dma_wait3A_127 = tpu.memref_slice %arg7[%dma_wait3A_125, %dma_wait3A_126] : memref<4x128xi32, #tpu.memory_space<vmem>> -> memref<1x128xi32, #tpu.memory_space<vmem>>
    %dma_wait3A_128 = tpu.memref_squeeze %dma_wait3A_127 : memref<1x128xi32, #tpu.memory_space<vmem>> -> memref<128xi32, #tpu.memory_space<vmem>>
    %dma_wait3A_129 = tpu.memref_slice %arg2[%add3A_47] : memref<16384xi32, #tpu.memory_space<hbm>> -> memref<128xi32, #tpu.memory_space<hbm>>
    %dma_wait3A_130 = arith.constant 0 : i32
    %dma_wait3A_131 = tpu.memref_slice %arg7[%dma_wait3A_125, %dma_wait3A_130] : memref<4x128xi32, #tpu.memory_space<vmem>> -> memref<1x128xi32, #tpu.memory_space<vmem>>
    %dma_wait3A_132 = tpu.memref_squeeze %dma_wait3A_131 : memref<1x128xi32, #tpu.memory_space<vmem>> -> memref<128xi32, #tpu.memory_space<vmem>>
    %dma_wait3A_133 = tpu.memref_slice %arg2[%add3A_47] : memref<16384xi32, #tpu.memory_space<hbm>> -> memref<128xi32, #tpu.memory_space<hbm>>
    tpu.wait_dma2 semaphore(%arg12 : memref<!tpu.dma_semaphore, #tpu.memory_space<semaphore_mem>>) src(%dma_wait3A_133 : memref<128xi32, #tpu.memory_space<hbm>>) dst(%dma_wait3A_132 : memref<128xi32, #tpu.memory_space<vmem>>)
    %dma_wait3A_134 = arith.constant 2 : i32
    %dma_wait3A_135 = arith.constant 0 : i32
    %dma_wait3A_136 = tpu.memref_slice %arg8[%dma_wait3A_134, %dma_wait3A_135] : memref<4x128xi32, #tpu.memory_space<vmem>> -> memref<1x128xi32, #tpu.memory_space<vmem>>
    %dma_wait3A_137 = tpu.memref_squeeze %dma_wait3A_136 : memref<1x128xi32, #tpu.memory_space<vmem>> -> memref<128xi32, #tpu.memory_space<vmem>>
    %dma_wait3A_138 = tpu.memref_slice %arg3[%add3A_58] : memref<16384xi32, #tpu.memory_space<hbm>> -> memref<128xi32, #tpu.memory_space<hbm>>
    %dma_wait3A_139 = arith.constant 0 : i32
    %dma_wait3A_140 = tpu.memref_slice %arg8[%dma_wait3A_134, %dma_wait3A_139] : memref<4x128xi32, #tpu.memory_space<vmem>> -> memref<1x128xi32, #tpu.memory_space<vmem>>
    %dma_wait3A_141 = tpu.memref_squeeze %dma_wait3A_140 : memref<1x128xi32, #tpu.memory_space<vmem>> -> memref<128xi32, #tpu.memory_space<vmem>>
    %dma_wait3A_142 = tpu.memref_slice %arg3[%add3A_58] : memref<16384xi32, #tpu.memory_space<hbm>> -> memref<128xi32, #tpu.memory_space<hbm>>
    tpu.wait_dma2 semaphore(%arg12 : memref<!tpu.dma_semaphore, #tpu.memory_space<semaphore_mem>>) src(%dma_wait3A_142 : memref<128xi32, #tpu.memory_space<hbm>>) dst(%dma_wait3A_141 : memref<128xi32, #tpu.memory_space<vmem>>)
    %dma_wait3A_143 = arith.constant 3 : i32
    %dma_wait3A_144 = arith.constant 0 : i32
    %dma_wait3A_145 = tpu.memref_slice %arg7[%dma_wait3A_143, %dma_wait3A_144] : memref<4x128xi32, #tpu.memory_space<vmem>> -> memref<1x128xi32, #tpu.memory_space<vmem>>
    %dma_wait3A_146 = tpu.memref_squeeze %dma_wait3A_145 : memref<1x128xi32, #tpu.memory_space<vmem>> -> memref<128xi32, #tpu.memory_space<vmem>>
    %dma_wait3A_147 = tpu.memref_slice %arg2[%add3A_69] : memref<16384xi32, #tpu.memory_space<hbm>> -> memref<128xi32, #tpu.memory_space<hbm>>
    %dma_wait3A_148 = arith.constant 0 : i32
    %dma_wait3A_149 = tpu.memref_slice %arg7[%dma_wait3A_143, %dma_wait3A_148] : memref<4x128xi32, #tpu.memory_space<vmem>> -> memref<1x128xi32, #tpu.memory_space<vmem>>
    %dma_wait3A_150 = tpu.memref_squeeze %dma_wait3A_149 : memref<1x128xi32, #tpu.memory_space<vmem>> -> memref<128xi32, #tpu.memory_space<vmem>>
    %dma_wait3A_151 = tpu.memref_slice %arg2[%add3A_69] : memref<16384xi32, #tpu.memory_space<hbm>> -> memref<128xi32, #tpu.memory_space<hbm>>
    tpu.wait_dma2 semaphore(%arg12 : memref<!tpu.dma_semaphore, #tpu.memory_space<semaphore_mem>>) src(%dma_wait3A_151 : memref<128xi32, #tpu.memory_space<hbm>>) dst(%dma_wait3A_150 : memref<128xi32, #tpu.memory_space<vmem>>)
    %dma_wait3A_152 = arith.constant 3 : i32
    %dma_wait3A_153 = arith.constant 0 : i32
    %dma_wait3A_154 = tpu.memref_slice %arg8[%dma_wait3A_152, %dma_wait3A_153] : memref<4x128xi32, #tpu.memory_space<vmem>> -> memref<1x128xi32, #tpu.memory_space<vmem>>
    %dma_wait3A_155 = tpu.memref_squeeze %dma_wait3A_154 : memref<1x128xi32, #tpu.memory_space<vmem>> -> memref<128xi32, #tpu.memory_space<vmem>>
    %dma_wait3A_156 = tpu.memref_slice %arg3[%add3A_80] : memref<16384xi32, #tpu.memory_space<hbm>> -> memref<128xi32, #tpu.memory_space<hbm>>
    %dma_wait3A_157 = arith.constant 0 : i32
    %dma_wait3A_158 = tpu.memref_slice %arg8[%dma_wait3A_152, %dma_wait3A_157] : memref<4x128xi32, #tpu.memory_space<vmem>> -> memref<1x128xi32, #tpu.memory_space<vmem>>
    %dma_wait3A_159 = tpu.memref_squeeze %dma_wait3A_158 : memref<1x128xi32, #tpu.memory_space<vmem>> -> memref<128xi32, #tpu.memory_space<vmem>>
    %dma_wait3A_160 = tpu.memref_slice %arg3[%add3A_80] : memref<16384xi32, #tpu.memory_space<hbm>> -> memref<128xi32, #tpu.memory_space<hbm>>
    tpu.wait_dma2 semaphore(%arg12 : memref<!tpu.dma_semaphore, #tpu.memory_space<semaphore_mem>>) src(%dma_wait3A_160 : memref<128xi32, #tpu.memory_space<hbm>>) dst(%dma_wait3A_159 : memref<128xi32, #tpu.memory_space<vmem>>)
    %dma_start3A_161 = arith.constant 0 : i32
    %dma_start3A_162 = arith.constant 0 : i32
    %dma_start3A_163 = arith.constant 0 : i32
    %dma_start3A_164 = tpu.memref_slice %arg9[%dma_start3A_162, %dma_start3A_163] : memref<512x64xf32, #tpu.memory_space<vmem>> -> memref<128x64xf32, #tpu.memory_space<vmem>>
    %dma_start3A_165 = arith.constant 0 : i32
    %dma_start3A_166 = tpu.memref_slice %arg7[%dma_start3A_161, %dma_start3A_165] : memref<4x128xi32, #tpu.memory_space<vmem>> -> memref<1x128xi32, #tpu.memory_space<vmem>>
    %dma_start3A_167 = tpu.memref_squeeze %dma_start3A_166 : memref<1x128xi32, #tpu.memory_space<vmem>> -> memref<128xi32, #tpu.memory_space<vmem>>
    %dma_start3A_168 = arith.constant 0 : i32
    %dma_start3A_169 = arith.constant 0 : i32
    %dma_start3A_170 = tpu.memref_slice %arg4[%dma_start3A_168, %dma_start3A_169] : memref<100000x64xf32, #tpu.memory_space<hbm>> -> memref<100000x64xf32, #tpu.memory_space<hbm>>
    tpu.enqueue_indirect_dma source(%dma_start3A_170 : memref<100000x64xf32, #tpu.memory_space<hbm>>) target(%dma_start3A_164 : memref<128x64xf32, #tpu.memory_space<vmem>>) offsets(%dma_start3A_167 : memref<128xi32, #tpu.memory_space<vmem>>) semaphore(%arg13 : memref<!tpu.dma_semaphore, #tpu.memory_space<semaphore_mem>>)
    %dma_start3A_171 = arith.constant 1 : i32
    %dma_start3A_172 = arith.constant 128 : i32
    %dma_start3A_173 = arith.constant 0 : i32
    %dma_start3A_174 = tpu.memref_slice %arg9[%dma_start3A_172, %dma_start3A_173] : memref<512x64xf32, #tpu.memory_space<vmem>> -> memref<128x64xf32, #tpu.memory_space<vmem>>
    %dma_start3A_175 = arith.constant 0 : i32
    %dma_start3A_176 = tpu.memref_slice %arg7[%dma_start3A_171, %dma_start3A_175] : memref<4x128xi32, #tpu.memory_space<vmem>> -> memref<1x128xi32, #tpu.memory_space<vmem>>
    %dma_start3A_177 = tpu.memref_squeeze %dma_start3A_176 : memref<1x128xi32, #tpu.memory_space<vmem>> -> memref<128xi32, #tpu.memory_space<vmem>>
    %dma_start3A_178 = arith.constant 0 : i32
    %dma_start3A_179 = arith.constant 0 : i32
    %dma_start3A_180 = tpu.memref_slice %arg4[%dma_start3A_178, %dma_start3A_179] : memref<100000x64xf32, #tpu.memory_space<hbm>> -> memref<100000x64xf32, #tpu.memory_space<hbm>>
    tpu.enqueue_indirect_dma source(%dma_start3A_180 : memref<100000x64xf32, #tpu.memory_space<hbm>>) target(%dma_start3A_174 : memref<128x64xf32, #tpu.memory_space<vmem>>) offsets(%dma_start3A_177 : memref<128xi32, #tpu.memory_space<vmem>>) semaphore(%arg13 : memref<!tpu.dma_semaphore, #tpu.memory_space<semaphore_mem>>)
    %dma_start3A_181 = arith.constant 2 : i32
    %dma_start3A_182 = arith.constant 256 : i32
    %dma_start3A_183 = arith.constant 0 : i32
    %dma_start3A_184 = tpu.memref_slice %arg9[%dma_start3A_182, %dma_start3A_183] : memref<512x64xf32, #tpu.memory_space<vmem>> -> memref<128x64xf32, #tpu.memory_space<vmem>>
    %dma_start3A_185 = arith.constant 0 : i32
    %dma_start3A_186 = tpu.memref_slice %arg7[%dma_start3A_181, %dma_start3A_185] : memref<4x128xi32, #tpu.memory_space<vmem>> -> memref<1x128xi32, #tpu.memory_space<vmem>>
    %dma_start3A_187 = tpu.memref_squeeze %dma_start3A_186 : memref<1x128xi32, #tpu.memory_space<vmem>> -> memref<128xi32, #tpu.memory_space<vmem>>
    %dma_start3A_188 = arith.constant 0 : i32
    %dma_start3A_189 = arith.constant 0 : i32
    %dma_start3A_190 = tpu.memref_slice %arg4[%dma_start3A_188, %dma_start3A_189] : memref<100000x64xf32, #tpu.memory_space<hbm>> -> memref<100000x64xf32, #tpu.memory_space<hbm>>
    tpu.enqueue_indirect_dma source(%dma_start3A_190 : memref<100000x64xf32, #tpu.memory_space<hbm>>) target(%dma_start3A_184 : memref<128x64xf32, #tpu.memory_space<vmem>>) offsets(%dma_start3A_187 : memref<128xi32, #tpu.memory_space<vmem>>) semaphore(%arg13 : memref<!tpu.dma_semaphore, #tpu.memory_space<semaphore_mem>>)
    %dma_start3A_191 = arith.constant 3 : i32
    %dma_start3A_192 = arith.constant 384 : i32
    %dma_start3A_193 = arith.constant 0 : i32
    %dma_start3A_194 = tpu.memref_slice %arg9[%dma_start3A_192, %dma_start3A_193] : memref<512x64xf32, #tpu.memory_space<vmem>> -> memref<128x64xf32, #tpu.memory_space<vmem>>
    %dma_start3A_195 = arith.constant 0 : i32
    %dma_start3A_196 = tpu.memref_slice %arg7[%dma_start3A_191, %dma_start3A_195] : memref<4x128xi32, #tpu.memory_space<vmem>> -> memref<1x128xi32, #tpu.memory_space<vmem>>
    %dma_start3A_197 = tpu.memref_squeeze %dma_start3A_196 : memref<1x128xi32, #tpu.memory_space<vmem>> -> memref<128xi32, #tpu.memory_space<vmem>>
    %dma_start3A_198 = arith.constant 0 : i32
    %dma_start3A_199 = arith.constant 0 : i32
    %dma_start3A_200 = tpu.memref_slice %arg4[%dma_start3A_198, %dma_start3A_199] : memref<100000x64xf32, #tpu.memory_space<hbm>> -> memref<100000x64xf32, #tpu.memory_space<hbm>>
    tpu.enqueue_indirect_dma source(%dma_start3A_200 : memref<100000x64xf32, #tpu.memory_space<hbm>>) target(%dma_start3A_194 : memref<128x64xf32, #tpu.memory_space<vmem>>) offsets(%dma_start3A_197 : memref<128xi32, #tpu.memory_space<vmem>>) semaphore(%arg13 : memref<!tpu.dma_semaphore, #tpu.memory_space<semaphore_mem>>)
    %dma_start3A_201 = arith.constant 0 : i32
    %dma_start3A_202 = arith.constant 0 : i32
    %dma_start3A_203 = arith.constant 0 : i32
    %dma_start3A_204 = tpu.memref_slice %arg10[%dma_start3A_202, %dma_start3A_203] : memref<512x64xf32, #tpu.memory_space<vmem>> -> memref<128x64xf32, #tpu.memory_space<vmem>>
    %dma_start3A_205 = arith.constant 0 : i32
    %dma_start3A_206 = tpu.memref_slice %arg8[%dma_start3A_201, %dma_start3A_205] : memref<4x128xi32, #tpu.memory_space<vmem>> -> memref<1x128xi32, #tpu.memory_space<vmem>>
    %dma_start3A_207 = tpu.memref_squeeze %dma_start3A_206 : memref<1x128xi32, #tpu.memory_space<vmem>> -> memref<128xi32, #tpu.memory_space<vmem>>
    %dma_start3A_208 = arith.constant 0 : i32
    %dma_start3A_209 = arith.constant 0 : i32
    %dma_start3A_210 = tpu.memref_slice %arg5[%dma_start3A_208, %dma_start3A_209] : memref<1000000x64xf32, #tpu.memory_space<hbm>> -> memref<1000000x64xf32, #tpu.memory_space<hbm>>
    tpu.enqueue_indirect_dma source(%dma_start3A_210 : memref<1000000x64xf32, #tpu.memory_space<hbm>>) target(%dma_start3A_204 : memref<128x64xf32, #tpu.memory_space<vmem>>) offsets(%dma_start3A_207 : memref<128xi32, #tpu.memory_space<vmem>>) semaphore(%arg14 : memref<!tpu.dma_semaphore, #tpu.memory_space<semaphore_mem>>)
    %dma_start3A_211 = arith.constant 1 : i32
    %dma_start3A_212 = arith.constant 128 : i32
    %dma_start3A_213 = arith.constant 0 : i32
    %dma_start3A_214 = tpu.memref_slice %arg10[%dma_start3A_212, %dma_start3A_213] : memref<512x64xf32, #tpu.memory_space<vmem>> -> memref<128x64xf32, #tpu.memory_space<vmem>>
    %dma_start3A_215 = arith.constant 0 : i32
    %dma_start3A_216 = tpu.memref_slice %arg8[%dma_start3A_211, %dma_start3A_215] : memref<4x128xi32, #tpu.memory_space<vmem>> -> memref<1x128xi32, #tpu.memory_space<vmem>>
    %dma_start3A_217 = tpu.memref_squeeze %dma_start3A_216 : memref<1x128xi32, #tpu.memory_space<vmem>> -> memref<128xi32, #tpu.memory_space<vmem>>
    %dma_start3A_218 = arith.constant 0 : i32
    %dma_start3A_219 = arith.constant 0 : i32
    %dma_start3A_220 = tpu.memref_slice %arg5[%dma_start3A_218, %dma_start3A_219] : memref<1000000x64xf32, #tpu.memory_space<hbm>> -> memref<1000000x64xf32, #tpu.memory_space<hbm>>
    tpu.enqueue_indirect_dma source(%dma_start3A_220 : memref<1000000x64xf32, #tpu.memory_space<hbm>>) target(%dma_start3A_214 : memref<128x64xf32, #tpu.memory_space<vmem>>) offsets(%dma_start3A_217 : memref<128xi32, #tpu.memory_space<vmem>>) semaphore(%arg14 : memref<!tpu.dma_semaphore, #tpu.memory_space<semaphore_mem>>)
    %dma_start3A_221 = arith.constant 2 : i32
    %dma_start3A_222 = arith.constant 256 : i32
    %dma_start3A_223 = arith.constant 0 : i32
    %dma_start3A_224 = tpu.memref_slice %arg10[%dma_start3A_222, %dma_start3A_223] : memref<512x64xf32, #tpu.memory_space<vmem>> -> memref<128x64xf32, #tpu.memory_space<vmem>>
    %dma_start3A_225 = arith.constant 0 : i32
    %dma_start3A_226 = tpu.memref_slice %arg8[%dma_start3A_221, %dma_start3A_225] : memref<4x128xi32, #tpu.memory_space<vmem>> -> memref<1x128xi32, #tpu.memory_space<vmem>>
    %dma_start3A_227 = tpu.memref_squeeze %dma_start3A_226 : memref<1x128xi32, #tpu.memory_space<vmem>> -> memref<128xi32, #tpu.memory_space<vmem>>
    %dma_start3A_228 = arith.constant 0 : i32
    %dma_start3A_229 = arith.constant 0 : i32
    %dma_start3A_230 = tpu.memref_slice %arg5[%dma_start3A_228, %dma_start3A_229] : memref<1000000x64xf32, #tpu.memory_space<hbm>> -> memref<1000000x64xf32, #tpu.memory_space<hbm>>
    tpu.enqueue_indirect_dma source(%dma_start3A_230 : memref<1000000x64xf32, #tpu.memory_space<hbm>>) target(%dma_start3A_224 : memref<128x64xf32, #tpu.memory_space<vmem>>) offsets(%dma_start3A_227 : memref<128xi32, #tpu.memory_space<vmem>>) semaphore(%arg14 : memref<!tpu.dma_semaphore, #tpu.memory_space<semaphore_mem>>)
    %dma_start3A_231 = arith.constant 3 : i32
    %dma_start3A_232 = arith.constant 384 : i32
    %dma_start3A_233 = arith.constant 0 : i32
    %dma_start3A_234 = tpu.memref_slice %arg10[%dma_start3A_232, %dma_start3A_233] : memref<512x64xf32, #tpu.memory_space<vmem>> -> memref<128x64xf32, #tpu.memory_space<vmem>>
    %dma_start3A_235 = arith.constant 0 : i32
    %dma_start3A_236 = tpu.memref_slice %arg8[%dma_start3A_231, %dma_start3A_235] : memref<4x128xi32, #tpu.memory_space<vmem>> -> memref<1x128xi32, #tpu.memory_space<vmem>>
    %dma_start3A_237 = tpu.memref_squeeze %dma_start3A_236 : memref<1x128xi32, #tpu.memory_space<vmem>> -> memref<128xi32, #tpu.memory_space<vmem>>
    %dma_start3A_238 = arith.constant 0 : i32
    %dma_start3A_239 = arith.constant 0 : i32
    %dma_start3A_240 = tpu.memref_slice %arg5[%dma_start3A_238, %dma_start3A_239] : memref<1000000x64xf32, #tpu.memory_space<hbm>> -> memref<1000000x64xf32, #tpu.memory_space<hbm>>
    tpu.enqueue_indirect_dma source(%dma_start3A_240 : memref<1000000x64xf32, #tpu.memory_space<hbm>>) target(%dma_start3A_234 : memref<128x64xf32, #tpu.memory_space<vmem>>) offsets(%dma_start3A_237 : memref<128xi32, #tpu.memory_space<vmem>>) semaphore(%arg14 : memref<!tpu.dma_semaphore, #tpu.memory_space<semaphore_mem>>)
    %dma_wait3A_241 = arith.constant 0 : i32
    %dma_wait3A_242 = arith.constant 0 : i32
    %dma_wait3A_243 = arith.constant 0 : i32
    %dma_wait3A_244 = tpu.memref_slice %arg9[%dma_wait3A_242, %dma_wait3A_243] : memref<512x64xf32, #tpu.memory_space<vmem>> -> memref<128x64xf32, #tpu.memory_space<vmem>>
    %dma_wait3A_245 = arith.constant 0 : i32
    %dma_wait3A_246 = tpu.memref_slice %arg7[%dma_wait3A_241, %dma_wait3A_245] : memref<4x128xi32, #tpu.memory_space<vmem>> -> memref<1x128xi32, #tpu.memory_space<vmem>>
    %dma_wait3A_247 = tpu.memref_squeeze %dma_wait3A_246 : memref<1x128xi32, #tpu.memory_space<vmem>> -> memref<128xi32, #tpu.memory_space<vmem>>
    %dma_wait3A_248 = arith.constant 0 : i32
    %dma_wait3A_249 = arith.constant 0 : i32
    %dma_wait3A_250 = tpu.memref_slice %arg4[%dma_wait3A_248, %dma_wait3A_249] : memref<100000x64xf32, #tpu.memory_space<hbm>> -> memref<100000x64xf32, #tpu.memory_space<hbm>>
    tpu.wait_indirect_dma semaphore(%arg13 : memref<!tpu.dma_semaphore, #tpu.memory_space<semaphore_mem>>) src(%dma_wait3A_250 : memref<100000x64xf32, #tpu.memory_space<hbm>>) dst(%dma_wait3A_244 : memref<128x64xf32, #tpu.memory_space<vmem>>)
    %dma_wait3A_251 = arith.constant 1 : i32
    %dma_wait3A_252 = arith.constant 128 : i32
    %dma_wait3A_253 = arith.constant 0 : i32
    %dma_wait3A_254 = tpu.memref_slice %arg9[%dma_wait3A_252, %dma_wait3A_253] : memref<512x64xf32, #tpu.memory_space<vmem>> -> memref<128x64xf32, #tpu.memory_space<vmem>>
    %dma_wait3A_255 = arith.constant 0 : i32
    %dma_wait3A_256 = tpu.memref_slice %arg7[%dma_wait3A_251, %dma_wait3A_255] : memref<4x128xi32, #tpu.memory_space<vmem>> -> memref<1x128xi32, #tpu.memory_space<vmem>>
    %dma_wait3A_257 = tpu.memref_squeeze %dma_wait3A_256 : memref<1x128xi32, #tpu.memory_space<vmem>> -> memref<128xi32, #tpu.memory_space<vmem>>
    %dma_wait3A_258 = arith.constant 0 : i32
    %dma_wait3A_259 = arith.constant 0 : i32
    %dma_wait3A_260 = tpu.memref_slice %arg4[%dma_wait3A_258, %dma_wait3A_259] : memref<100000x64xf32, #tpu.memory_space<hbm>> -> memref<100000x64xf32, #tpu.memory_space<hbm>>
    tpu.wait_indirect_dma semaphore(%arg13 : memref<!tpu.dma_semaphore, #tpu.memory_space<semaphore_mem>>) src(%dma_wait3A_260 : memref<100000x64xf32, #tpu.memory_space<hbm>>) dst(%dma_wait3A_254 : memref<128x64xf32, #tpu.memory_space<vmem>>)
    %dma_wait3A_261 = arith.constant 2 : i32
    %dma_wait3A_262 = arith.constant 256 : i32
    %dma_wait3A_263 = arith.constant 0 : i32
    %dma_wait3A_264 = tpu.memref_slice %arg9[%dma_wait3A_262, %dma_wait3A_263] : memref<512x64xf32, #tpu.memory_space<vmem>> -> memref<128x64xf32, #tpu.memory_space<vmem>>
    %dma_wait3A_265 = arith.constant 0 : i32
    %dma_wait3A_266 = tpu.memref_slice %arg7[%dma_wait3A_261, %dma_wait3A_265] : memref<4x128xi32, #tpu.memory_space<vmem>> -> memref<1x128xi32, #tpu.memory_space<vmem>>
    %dma_wait3A_267 = tpu.memref_squeeze %dma_wait3A_266 : memref<1x128xi32, #tpu.memory_space<vmem>> -> memref<128xi32, #tpu.memory_space<vmem>>
    %dma_wait3A_268 = arith.constant 0 : i32
    %dma_wait3A_269 = arith.constant 0 : i32
    %dma_wait3A_270 = tpu.memref_slice %arg4[%dma_wait3A_268, %dma_wait3A_269] : memref<100000x64xf32, #tpu.memory_space<hbm>> -> memref<100000x64xf32, #tpu.memory_space<hbm>>
    tpu.wait_indirect_dma semaphore(%arg13 : memref<!tpu.dma_semaphore, #tpu.memory_space<semaphore_mem>>) src(%dma_wait3A_270 : memref<100000x64xf32, #tpu.memory_space<hbm>>) dst(%dma_wait3A_264 : memref<128x64xf32, #tpu.memory_space<vmem>>)
    %dma_wait3A_271 = arith.constant 3 : i32
    %dma_wait3A_272 = arith.constant 384 : i32
    %dma_wait3A_273 = arith.constant 0 : i32
    %dma_wait3A_274 = tpu.memref_slice %arg9[%dma_wait3A_272, %dma_wait3A_273] : memref<512x64xf32, #tpu.memory_space<vmem>> -> memref<128x64xf32, #tpu.memory_space<vmem>>
    %dma_wait3A_275 = arith.constant 0 : i32
    %dma_wait3A_276 = tpu.memref_slice %arg7[%dma_wait3A_271, %dma_wait3A_275] : memref<4x128xi32, #tpu.memory_space<vmem>> -> memref<1x128xi32, #tpu.memory_space<vmem>>
    %dma_wait3A_277 = tpu.memref_squeeze %dma_wait3A_276 : memref<1x128xi32, #tpu.memory_space<vmem>> -> memref<128xi32, #tpu.memory_space<vmem>>
    %dma_wait3A_278 = arith.constant 0 : i32
    %dma_wait3A_279 = arith.constant 0 : i32
    %dma_wait3A_280 = tpu.memref_slice %arg4[%dma_wait3A_278, %dma_wait3A_279] : memref<100000x64xf32, #tpu.memory_space<hbm>> -> memref<100000x64xf32, #tpu.memory_space<hbm>>
    tpu.wait_indirect_dma semaphore(%arg13 : memref<!tpu.dma_semaphore, #tpu.memory_space<semaphore_mem>>) src(%dma_wait3A_280 : memref<100000x64xf32, #tpu.memory_space<hbm>>) dst(%dma_wait3A_274 : memref<128x64xf32, #tpu.memory_space<vmem>>)
    %dma_wait3A_281 = arith.constant 0 : i32
    %dma_wait3A_282 = arith.constant 0 : i32
    %dma_wait3A_283 = arith.constant 0 : i32
    %dma_wait3A_284 = tpu.memref_slice %arg10[%dma_wait3A_282, %dma_wait3A_283] : memref<512x64xf32, #tpu.memory_space<vmem>> -> memref<128x64xf32, #tpu.memory_space<vmem>>
    %dma_wait3A_285 = arith.constant 0 : i32
    %dma_wait3A_286 = tpu.memref_slice %arg8[%dma_wait3A_281, %dma_wait3A_285] : memref<4x128xi32, #tpu.memory_space<vmem>> -> memref<1x128xi32, #tpu.memory_space<vmem>>
    %dma_wait3A_287 = tpu.memref_squeeze %dma_wait3A_286 : memref<1x128xi32, #tpu.memory_space<vmem>> -> memref<128xi32, #tpu.memory_space<vmem>>
    %dma_wait3A_288 = arith.constant 0 : i32
    %dma_wait3A_289 = arith.constant 0 : i32
    %dma_wait3A_290 = tpu.memref_slice %arg5[%dma_wait3A_288, %dma_wait3A_289] : memref<1000000x64xf32, #tpu.memory_space<hbm>> -> memref<1000000x64xf32, #tpu.memory_space<hbm>>
    tpu.wait_indirect_dma semaphore(%arg14 : memref<!tpu.dma_semaphore, #tpu.memory_space<semaphore_mem>>) src(%dma_wait3A_290 : memref<1000000x64xf32, #tpu.memory_space<hbm>>) dst(%dma_wait3A_284 : memref<128x64xf32, #tpu.memory_space<vmem>>)
    %dma_wait3A_291 = arith.constant 1 : i32
    %dma_wait3A_292 = arith.constant 128 : i32
    %dma_wait3A_293 = arith.constant 0 : i32
    %dma_wait3A_294 = tpu.memref_slice %arg10[%dma_wait3A_292, %dma_wait3A_293] : memref<512x64xf32, #tpu.memory_space<vmem>> -> memref<128x64xf32, #tpu.memory_space<vmem>>
    %dma_wait3A_295 = arith.constant 0 : i32
    %dma_wait3A_296 = tpu.memref_slice %arg8[%dma_wait3A_291, %dma_wait3A_295] : memref<4x128xi32, #tpu.memory_space<vmem>> -> memref<1x128xi32, #tpu.memory_space<vmem>>
    %dma_wait3A_297 = tpu.memref_squeeze %dma_wait3A_296 : memref<1x128xi32, #tpu.memory_space<vmem>> -> memref<128xi32, #tpu.memory_space<vmem>>
    %dma_wait3A_298 = arith.constant 0 : i32
    %dma_wait3A_299 = arith.constant 0 : i32
    %dma_wait3A_300 = tpu.memref_slice %arg5[%dma_wait3A_298, %dma_wait3A_299] : memref<1000000x64xf32, #tpu.memory_space<hbm>> -> memref<1000000x64xf32, #tpu.memory_space<hbm>>
    tpu.wait_indirect_dma semaphore(%arg14 : memref<!tpu.dma_semaphore, #tpu.memory_space<semaphore_mem>>) src(%dma_wait3A_300 : memref<1000000x64xf32, #tpu.memory_space<hbm>>) dst(%dma_wait3A_294 : memref<128x64xf32, #tpu.memory_space<vmem>>)
    %dma_wait3A_301 = arith.constant 2 : i32
    %dma_wait3A_302 = arith.constant 256 : i32
    %dma_wait3A_303 = arith.constant 0 : i32
    %dma_wait3A_304 = tpu.memref_slice %arg10[%dma_wait3A_302, %dma_wait3A_303] : memref<512x64xf32, #tpu.memory_space<vmem>> -> memref<128x64xf32, #tpu.memory_space<vmem>>
    %dma_wait3A_305 = arith.constant 0 : i32
    %dma_wait3A_306 = tpu.memref_slice %arg8[%dma_wait3A_301, %dma_wait3A_305] : memref<4x128xi32, #tpu.memory_space<vmem>> -> memref<1x128xi32, #tpu.memory_space<vmem>>
    %dma_wait3A_307 = tpu.memref_squeeze %dma_wait3A_306 : memref<1x128xi32, #tpu.memory_space<vmem>> -> memref<128xi32, #tpu.memory_space<vmem>>
    %dma_wait3A_308 = arith.constant 0 : i32
    %dma_wait3A_309 = arith.constant 0 : i32
    %dma_wait3A_310 = tpu.memref_slice %arg5[%dma_wait3A_308, %dma_wait3A_309] : memref<1000000x64xf32, #tpu.memory_space<hbm>> -> memref<1000000x64xf32, #tpu.memory_space<hbm>>
    tpu.wait_indirect_dma semaphore(%arg14 : memref<!tpu.dma_semaphore, #tpu.memory_space<semaphore_mem>>) src(%dma_wait3A_310 : memref<1000000x64xf32, #tpu.memory_space<hbm>>) dst(%dma_wait3A_304 : memref<128x64xf32, #tpu.memory_space<vmem>>)
    %dma_wait3A_311 = arith.constant 3 : i32
    %dma_wait3A_312 = arith.constant 384 : i32
    %dma_wait3A_313 = arith.constant 0 : i32
    %dma_wait3A_314 = tpu.memref_slice %arg10[%dma_wait3A_312, %dma_wait3A_313] : memref<512x64xf32, #tpu.memory_space<vmem>> -> memref<128x64xf32, #tpu.memory_space<vmem>>
    %dma_wait3A_315 = arith.constant 0 : i32
    %dma_wait3A_316 = tpu.memref_slice %arg8[%dma_wait3A_311, %dma_wait3A_315] : memref<4x128xi32, #tpu.memory_space<vmem>> -> memref<1x128xi32, #tpu.memory_space<vmem>>
    %dma_wait3A_317 = tpu.memref_squeeze %dma_wait3A_316 : memref<1x128xi32, #tpu.memory_space<vmem>> -> memref<128xi32, #tpu.memory_space<vmem>>
    %dma_wait3A_318 = arith.constant 0 : i32
    %dma_wait3A_319 = arith.constant 0 : i32
    %dma_wait3A_320 = tpu.memref_slice %arg5[%dma_wait3A_318, %dma_wait3A_319] : memref<1000000x64xf32, #tpu.memory_space<hbm>> -> memref<1000000x64xf32, #tpu.memory_space<hbm>>
    tpu.wait_indirect_dma semaphore(%arg14 : memref<!tpu.dma_semaphore, #tpu.memory_space<semaphore_mem>>) src(%dma_wait3A_320 : memref<1000000x64xf32, #tpu.memory_space<hbm>>) dst(%dma_wait3A_314 : memref<128x64xf32, #tpu.memory_space<vmem>>)
    %iota3A = tpu.iota {dimensions = array<i32: 0>} : vector<16xi32>
    %scan3A = arith.constant 0 : i32
    %scan3A_321 = arith.constant 32 : i32
    %scan3A_322 = arith.addi %scan3A, %scan3A_321 : i32
    %scan3A_323 = arith.constant 1 : i32
    scf.for %scan3A_325 = %scan3A to %scan3A_322 step %scan3A_323  : i32 {
      %mul3A_326 = arith.constant 16 : i32
      %mul3A_327 = arith.muli %scan3A_325, %mul3A_326 : i32
      %add3A_328 = arith.constant 0 : i32
      %add3A_329 = arith.addi %mul3A_327, %add3A_328 : i32
      %mul3A_330 = arith.constant 16 : i32
      %mul3A_331 = arith.muli %scan3A_325, %mul3A_330 : i32
      %add3A_332 = arith.constant 0 : i32
      %add3A_333 = arith.addi %mul3A_331, %add3A_332 : i32
      %get3A = arith.constant 0 : i32
      %get3A_334 = tpu.memref_slice %arg9[%add3A_329, %get3A] : memref<512x64xf32, #tpu.memory_space<vmem>> -> memref<1x64xf32, #tpu.memory_space<vmem>>
      %get3A_335 = tpu.memref_squeeze %get3A_334 : memref<1x64xf32, #tpu.memory_space<vmem>> -> memref<64xf32, #tpu.memory_space<vmem>>
      %get3A_336 = arith.constant 0 : index
      %get3A_337 = tpu.vector_load %get3A_335[%get3A_336] {strides = array<i32>} : memref<64xf32, #tpu.memory_space<vmem>>, vector<16xf32>,
      %get3A_338 = arith.constant 0 : i32
      %get3A_339 = tpu.memref_slice %arg10[%add3A_333, %get3A_338] : memref<512x64xf32, #tpu.memory_space<vmem>> -> memref<1x64xf32, #tpu.memory_space<vmem>>
      %get3A_340 = tpu.memref_squeeze %get3A_339 : memref<1x64xf32, #tpu.memory_space<vmem>> -> memref<64xf32, #tpu.memory_space<vmem>>
      %get3A_341 = arith.constant 0 : index
      %get3A_342 = tpu.vector_load %get3A_340[%get3A_341] {strides = array<i32>} : memref<64xf32, #tpu.memory_space<vmem>>, vector<16xf32>,
      %mul3A_343 = arith.mulf %get3A_337, %get3A_342 : vector<16xf32>
      %get3A_344 = arith.constant 0 : i32
      %get3A_345 = tpu.memref_slice %arg9[%add3A_329, %get3A_344] : memref<512x64xf32, #tpu.memory_space<vmem>> -> memref<1x64xf32, #tpu.memory_space<vmem>>
      %get3A_346 = tpu.memref_squeeze %get3A_345 : memref<1x64xf32, #tpu.memory_space<vmem>> -> memref<64xf32, #tpu.memory_space<vmem>>
      %get3A_347 = arith.constant 16 : index
      %get3A_348 = tpu.vector_load %get3A_346[%get3A_347] {strides = array<i32>} : memref<64xf32, #tpu.memory_space<vmem>>, vector<16xf32>,
      %get3A_349 = arith.constant 0 : i32
      %get3A_350 = tpu.memref_slice %arg10[%add3A_333, %get3A_349] : memref<512x64xf32, #tpu.memory_space<vmem>> -> memref<1x64xf32, #tpu.memory_space<vmem>>
      %get3A_351 = tpu.memref_squeeze %get3A_350 : memref<1x64xf32, #tpu.memory_space<vmem>> -> memref<64xf32, #tpu.memory_space<vmem>>
      %get3A_352 = arith.constant 16 : index
      %get3A_353 = tpu.vector_load %get3A_351[%get3A_352] {strides = array<i32>} : memref<64xf32, #tpu.memory_space<vmem>>, vector<16xf32>,
      %mul3A_354 = arith.mulf %get3A_348, %get3A_353 : vector<16xf32>
      %add3A_355 = arith.addf %mul3A_343, %mul3A_354 : vector<16xf32>
      %get3A_356 = arith.constant 0 : i32
      %get3A_357 = tpu.memref_slice %arg9[%add3A_329, %get3A_356] : memref<512x64xf32, #tpu.memory_space<vmem>> -> memref<1x64xf32, #tpu.memory_space<vmem>>
      %get3A_358 = tpu.memref_squeeze %get3A_357 : memref<1x64xf32, #tpu.memory_space<vmem>> -> memref<64xf32, #tpu.memory_space<vmem>>
      %get3A_359 = arith.constant 32 : index
      %get3A_360 = tpu.vector_load %get3A_358[%get3A_359] {strides = array<i32>} : memref<64xf32, #tpu.memory_space<vmem>>, vector<16xf32>,
      %get3A_361 = arith.constant 0 : i32
      %get3A_362 = tpu.memref_slice %arg10[%add3A_333, %get3A_361] : memref<512x64xf32, #tpu.memory_space<vmem>> -> memref<1x64xf32, #tpu.memory_space<vmem>>
      %get3A_363 = tpu.memref_squeeze %get3A_362 : memref<1x64xf32, #tpu.memory_space<vmem>> -> memref<64xf32, #tpu.memory_space<vmem>>
      %get3A_364 = arith.constant 32 : index
      %get3A_365 = tpu.vector_load %get3A_363[%get3A_364] {strides = array<i32>} : memref<64xf32, #tpu.memory_space<vmem>>, vector<16xf32>,
      %mul3A_366 = arith.mulf %get3A_360, %get3A_365 : vector<16xf32>
      %add3A_367 = arith.addf %add3A_355, %mul3A_366 : vector<16xf32>
      %get3A_368 = arith.constant 0 : i32
      %get3A_369 = tpu.memref_slice %arg9[%add3A_329, %get3A_368] : memref<512x64xf32, #tpu.memory_space<vmem>> -> memref<1x64xf32, #tpu.memory_space<vmem>>
      %get3A_370 = tpu.memref_squeeze %get3A_369 : memref<1x64xf32, #tpu.memory_space<vmem>> -> memref<64xf32, #tpu.memory_space<vmem>>
      %get3A_371 = arith.constant 48 : index
      %get3A_372 = tpu.vector_load %get3A_370[%get3A_371] {strides = array<i32>} : memref<64xf32, #tpu.memory_space<vmem>>, vector<16xf32>,
      %get3A_373 = arith.constant 0 : i32
      %get3A_374 = tpu.memref_slice %arg10[%add3A_333, %get3A_373] : memref<512x64xf32, #tpu.memory_space<vmem>> -> memref<1x64xf32, #tpu.memory_space<vmem>>
      %get3A_375 = tpu.memref_squeeze %get3A_374 : memref<1x64xf32, #tpu.memory_space<vmem>> -> memref<64xf32, #tpu.memory_space<vmem>>
      %get3A_376 = arith.constant 48 : index
      %get3A_377 = tpu.vector_load %get3A_375[%get3A_376] {strides = array<i32>} : memref<64xf32, #tpu.memory_space<vmem>>, vector<16xf32>,
      %mul3A_378 = arith.mulf %get3A_372, %get3A_377 : vector<16xf32>
      %add3A_379 = arith.addf %add3A_367, %mul3A_378 : vector<16xf32>
      %mul3A_380 = arith.constant 16 : i32
      %mul3A_381 = arith.muli %scan3A_325, %mul3A_380 : i32
      %add3A_382 = arith.constant 1 : i32
      %add3A_383 = arith.addi %mul3A_381, %add3A_382 : i32
      %mul3A_384 = arith.constant 16 : i32
      %mul3A_385 = arith.muli %scan3A_325, %mul3A_384 : i32
      %add3A_386 = arith.constant 1 : i32
      %add3A_387 = arith.addi %mul3A_385, %add3A_386 : i32
      %get3A_388 = arith.constant 0 : i32
      %get3A_389 = tpu.memref_slice %arg9[%add3A_383, %get3A_388] : memref<512x64xf32, #tpu.memory_space<vmem>> -> memref<1x64xf32, #tpu.memory_space<vmem>>
      %get3A_390 = tpu.memref_squeeze %get3A_389 : memref<1x64xf32, #tpu.memory_space<vmem>> -> memref<64xf32, #tpu.memory_space<vmem>>
      %get3A_391 = arith.constant 0 : index
      %get3A_392 = tpu.vector_load %get3A_390[%get3A_391] {strides = array<i32>} : memref<64xf32, #tpu.memory_space<vmem>>, vector<16xf32>,
      %get3A_393 = arith.constant 0 : i32
      %get3A_394 = tpu.memref_slice %arg10[%add3A_387, %get3A_393] : memref<512x64xf32, #tpu.memory_space<vmem>> -> memref<1x64xf32, #tpu.memory_space<vmem>>
      %get3A_395 = tpu.memref_squeeze %get3A_394 : memref<1x64xf32, #tpu.memory_space<vmem>> -> memref<64xf32, #tpu.memory_space<vmem>>
      %get3A_396 = arith.constant 0 : index
      %get3A_397 = tpu.vector_load %get3A_395[%get3A_396] {strides = array<i32>} : memref<64xf32, #tpu.memory_space<vmem>>, vector<16xf32>,
      %mul3A_398 = arith.mulf %get3A_392, %get3A_397 : vector<16xf32>
      %get3A_399 = arith.constant 0 : i32
      %get3A_400 = tpu.memref_slice %arg9[%add3A_383, %get3A_399] : memref<512x64xf32, #tpu.memory_space<vmem>> -> memref<1x64xf32, #tpu.memory_space<vmem>>
      %get3A_401 = tpu.memref_squeeze %get3A_400 : memref<1x64xf32, #tpu.memory_space<vmem>> -> memref<64xf32, #tpu.memory_space<vmem>>
      %get3A_402 = arith.constant 16 : index
      %get3A_403 = tpu.vector_load %get3A_401[%get3A_402] {strides = array<i32>} : memref<64xf32, #tpu.memory_space<vmem>>, vector<16xf32>,
      %get3A_404 = arith.constant 0 : i32
      %get3A_405 = tpu.memref_slice %arg10[%add3A_387, %get3A_404] : memref<512x64xf32, #tpu.memory_space<vmem>> -> memref<1x64xf32, #tpu.memory_space<vmem>>
      %get3A_406 = tpu.memref_squeeze %get3A_405 : memref<1x64xf32, #tpu.memory_space<vmem>> -> memref<64xf32, #tpu.memory_space<vmem>>
      %get3A_407 = arith.constant 16 : index
      %get3A_408 = tpu.vector_load %get3A_406[%get3A_407] {strides = array<i32>} : memref<64xf32, #tpu.memory_space<vmem>>, vector<16xf32>,
      %mul3A_409 = arith.mulf %get3A_403, %get3A_408 : vector<16xf32>
      %add3A_410 = arith.addf %mul3A_398, %mul3A_409 : vector<16xf32>
      %get3A_411 = arith.constant 0 : i32
      %get3A_412 = tpu.memref_slice %arg9[%add3A_383, %get3A_411] : memref<512x64xf32, #tpu.memory_space<vmem>> -> memref<1x64xf32, #tpu.memory_space<vmem>>
      %get3A_413 = tpu.memref_squeeze %get3A_412 : memref<1x64xf32, #tpu.memory_space<vmem>> -> memref<64xf32, #tpu.memory_space<vmem>>
      %get3A_414 = arith.constant 32 : index
      %get3A_415 = tpu.vector_load %get3A_413[%get3A_414] {strides = array<i32>} : memref<64xf32, #tpu.memory_space<vmem>>, vector<16xf32>,
      %get3A_416 = arith.constant 0 : i32
      %get3A_417 = tpu.memref_slice %arg10[%add3A_387, %get3A_416] : memref<512x64xf32, #tpu.memory_space<vmem>> -> memref<1x64xf32, #tpu.memory_space<vmem>>
      %get3A_418 = tpu.memref_squeeze %get3A_417 : memref<1x64xf32, #tpu.memory_space<vmem>> -> memref<64xf32, #tpu.memory_space<vmem>>
      %get3A_419 = arith.constant 32 : index
      %get3A_420 = tpu.vector_load %get3A_418[%get3A_419] {strides = array<i32>} : memref<64xf32, #tpu.memory_space<vmem>>, vector<16xf32>,
      %mul3A_421 = arith.mulf %get3A_415, %get3A_420 : vector<16xf32>
      %add3A_422 = arith.addf %add3A_410, %mul3A_421 : vector<16xf32>
      %get3A_423 = arith.constant 0 : i32
      %get3A_424 = tpu.memref_slice %arg9[%add3A_383, %get3A_423] : memref<512x64xf32, #tpu.memory_space<vmem>> -> memref<1x64xf32, #tpu.memory_space<vmem>>
      %get3A_425 = tpu.memref_squeeze %get3A_424 : memref<1x64xf32, #tpu.memory_space<vmem>> -> memref<64xf32, #tpu.memory_space<vmem>>
      %get3A_426 = arith.constant 48 : index
      %get3A_427 = tpu.vector_load %get3A_425[%get3A_426] {strides = array<i32>} : memref<64xf32, #tpu.memory_space<vmem>>, vector<16xf32>,
      %get3A_428 = arith.constant 0 : i32
      %get3A_429 = tpu.memref_slice %arg10[%add3A_387, %get3A_428] : memref<512x64xf32, #tpu.memory_space<vmem>> -> memref<1x64xf32, #tpu.memory_space<vmem>>
      %get3A_430 = tpu.memref_squeeze %get3A_429 : memref<1x64xf32, #tpu.memory_space<vmem>> -> memref<64xf32, #tpu.memory_space<vmem>>
      %get3A_431 = arith.constant 48 : index
      %get3A_432 = tpu.vector_load %get3A_430[%get3A_431] {strides = array<i32>} : memref<64xf32, #tpu.memory_space<vmem>>, vector<16xf32>,
      %mul3A_433 = arith.mulf %get3A_427, %get3A_432 : vector<16xf32>
      %add3A_434 = arith.addf %add3A_422, %mul3A_433 : vector<16xf32>
      %mul3A_435 = arith.constant 16 : i32
      %mul3A_436 = arith.muli %scan3A_325, %mul3A_435 : i32
      %add3A_437 = arith.constant 2 : i32
      %add3A_438 = arith.addi %mul3A_436, %add3A_437 : i32
      %mul3A_439 = arith.constant 16 : i32
      %mul3A_440 = arith.muli %scan3A_325, %mul3A_439 : i32
      %add3A_441 = arith.constant 2 : i32
      %add3A_442 = arith.addi %mul3A_440, %add3A_441 : i32
      %get3A_443 = arith.constant 0 : i32
      %get3A_444 = tpu.memref_slice %arg9[%add3A_438, %get3A_443] : memref<512x64xf32, #tpu.memory_space<vmem>> -> memref<1x64xf32, #tpu.memory_space<vmem>>
      %get3A_445 = tpu.memref_squeeze %get3A_444 : memref<1x64xf32, #tpu.memory_space<vmem>> -> memref<64xf32, #tpu.memory_space<vmem>>
      %get3A_446 = arith.constant 0 : index
      %get3A_447 = tpu.vector_load %get3A_445[%get3A_446] {strides = array<i32>} : memref<64xf32, #tpu.memory_space<vmem>>, vector<16xf32>,
      %get3A_448 = arith.constant 0 : i32
      %get3A_449 = tpu.memref_slice %arg10[%add3A_442, %get3A_448] : memref<512x64xf32, #tpu.memory_space<vmem>> -> memref<1x64xf32, #tpu.memory_space<vmem>>
      %get3A_450 = tpu.memref_squeeze %get3A_449 : memref<1x64xf32, #tpu.memory_space<vmem>> -> memref<64xf32, #tpu.memory_space<vmem>>
      %get3A_451 = arith.constant 0 : index
      %get3A_452 = tpu.vector_load %get3A_450[%get3A_451] {strides = array<i32>} : memref<64xf32, #tpu.memory_space<vmem>>, vector<16xf32>,
      %mul3A_453 = arith.mulf %get3A_447, %get3A_452 : vector<16xf32>
      %get3A_454 = arith.constant 0 : i32
      %get3A_455 = tpu.memref_slice %arg9[%add3A_438, %get3A_454] : memref<512x64xf32, #tpu.memory_space<vmem>> -> memref<1x64xf32, #tpu.memory_space<vmem>>
      %get3A_456 = tpu.memref_squeeze %get3A_455 : memref<1x64xf32, #tpu.memory_space<vmem>> -> memref<64xf32, #tpu.memory_space<vmem>>
      %get3A_457 = arith.constant 16 : index
      %get3A_458 = tpu.vector_load %get3A_456[%get3A_457] {strides = array<i32>} : memref<64xf32, #tpu.memory_space<vmem>>, vector<16xf32>,
      %get3A_459 = arith.constant 0 : i32
      %get3A_460 = tpu.memref_slice %arg10[%add3A_442, %get3A_459] : memref<512x64xf32, #tpu.memory_space<vmem>> -> memref<1x64xf32, #tpu.memory_space<vmem>>
      %get3A_461 = tpu.memref_squeeze %get3A_460 : memref<1x64xf32, #tpu.memory_space<vmem>> -> memref<64xf32, #tpu.memory_space<vmem>>
      %get3A_462 = arith.constant 16 : index
      %get3A_463 = tpu.vector_load %get3A_461[%get3A_462] {strides = array<i32>} : memref<64xf32, #tpu.memory_space<vmem>>, vector<16xf32>,
      %mul3A_464 = arith.mulf %get3A_458, %get3A_463 : vector<16xf32>
      %add3A_465 = arith.addf %mul3A_453, %mul3A_464 : vector<16xf32>
      %get3A_466 = arith.constant 0 : i32
      %get3A_467 = tpu.memref_slice %arg9[%add3A_438, %get3A_466] : memref<512x64xf32, #tpu.memory_space<vmem>> -> memref<1x64xf32, #tpu.memory_space<vmem>>
      %get3A_468 = tpu.memref_squeeze %get3A_467 : memref<1x64xf32, #tpu.memory_space<vmem>> -> memref<64xf32, #tpu.memory_space<vmem>>
      %get3A_469 = arith.constant 32 : index
      %get3A_470 = tpu.vector_load %get3A_468[%get3A_469] {strides = array<i32>} : memref<64xf32, #tpu.memory_space<vmem>>, vector<16xf32>,
      %get3A_471 = arith.constant 0 : i32
      %get3A_472 = tpu.memref_slice %arg10[%add3A_442, %get3A_471] : memref<512x64xf32, #tpu.memory_space<vmem>> -> memref<1x64xf32, #tpu.memory_space<vmem>>
      %get3A_473 = tpu.memref_squeeze %get3A_472 : memref<1x64xf32, #tpu.memory_space<vmem>> -> memref<64xf32, #tpu.memory_space<vmem>>
      %get3A_474 = arith.constant 32 : index
      %get3A_475 = tpu.vector_load %get3A_473[%get3A_474] {strides = array<i32>} : memref<64xf32, #tpu.memory_space<vmem>>, vector<16xf32>,
      %mul3A_476 = arith.mulf %get3A_470, %get3A_475 : vector<16xf32>
      %add3A_477 = arith.addf %add3A_465, %mul3A_476 : vector<16xf32>
      %get3A_478 = arith.constant 0 : i32
      %get3A_479 = tpu.memref_slice %arg9[%add3A_438, %get3A_478] : memref<512x64xf32, #tpu.memory_space<vmem>> -> memref<1x64xf32, #tpu.memory_space<vmem>>
      %get3A_480 = tpu.memref_squeeze %get3A_479 : memref<1x64xf32, #tpu.memory_space<vmem>> -> memref<64xf32, #tpu.memory_space<vmem>>
      %get3A_481 = arith.constant 48 : index
      %get3A_482 = tpu.vector_load %get3A_480[%get3A_481] {strides = array<i32>} : memref<64xf32, #tpu.memory_space<vmem>>, vector<16xf32>,
      %get3A_483 = arith.constant 0 : i32
      %get3A_484 = tpu.memref_slice %arg10[%add3A_442, %get3A_483] : memref<512x64xf32, #tpu.memory_space<vmem>> -> memref<1x64xf32, #tpu.memory_space<vmem>>
      %get3A_485 = tpu.memref_squeeze %get3A_484 : memref<1x64xf32, #tpu.memory_space<vmem>> -> memref<64xf32, #tpu.memory_space<vmem>>
      %get3A_486 = arith.constant 48 : index
      %get3A_487 = tpu.vector_load %get3A_485[%get3A_486] {strides = array<i32>} : memref<64xf32, #tpu.memory_space<vmem>>, vector<16xf32>,
      %mul3A_488 = arith.mulf %get3A_482, %get3A_487 : vector<16xf32>
      %add3A_489 = arith.addf %add3A_477, %mul3A_488 : vector<16xf32>
      %mul3A_490 = arith.constant 16 : i32
      %mul3A_491 = arith.muli %scan3A_325, %mul3A_490 : i32
      %add3A_492 = arith.constant 3 : i32
      %add3A_493 = arith.addi %mul3A_491, %add3A_492 : i32
      %mul3A_494 = arith.constant 16 : i32
      %mul3A_495 = arith.muli %scan3A_325, %mul3A_494 : i32
      %add3A_496 = arith.constant 3 : i32
      %add3A_497 = arith.addi %mul3A_495, %add3A_496 : i32
      %get3A_498 = arith.constant 0 : i32
      %get3A_499 = tpu.memref_slice %arg9[%add3A_493, %get3A_498] : memref<512x64xf32, #tpu.memory_space<vmem>> -> memref<1x64xf32, #tpu.memory_space<vmem>>
      %get3A_500 = tpu.memref_squeeze %get3A_499 : memref<1x64xf32, #tpu.memory_space<vmem>> -> memref<64xf32, #tpu.memory_space<vmem>>
      %get3A_501 = arith.constant 0 : index
      %get3A_502 = tpu.vector_load %get3A_500[%get3A_501] {strides = array<i32>} : memref<64xf32, #tpu.memory_space<vmem>>, vector<16xf32>,
      %get3A_503 = arith.constant 0 : i32
      %get3A_504 = tpu.memref_slice %arg10[%add3A_497, %get3A_503] : memref<512x64xf32, #tpu.memory_space<vmem>> -> memref<1x64xf32, #tpu.memory_space<vmem>>
      %get3A_505 = tpu.memref_squeeze %get3A_504 : memref<1x64xf32, #tpu.memory_space<vmem>> -> memref<64xf32, #tpu.memory_space<vmem>>
      %get3A_506 = arith.constant 0 : index
      %get3A_507 = tpu.vector_load %get3A_505[%get3A_506] {strides = array<i32>} : memref<64xf32, #tpu.memory_space<vmem>>, vector<16xf32>,
      %mul3A_508 = arith.mulf %get3A_502, %get3A_507 : vector<16xf32>
      %get3A_509 = arith.constant 0 : i32
      %get3A_510 = tpu.memref_slice %arg9[%add3A_493, %get3A_509] : memref<512x64xf32, #tpu.memory_space<vmem>> -> memref<1x64xf32, #tpu.memory_space<vmem>>
      %get3A_511 = tpu.memref_squeeze %get3A_510 : memref<1x64xf32, #tpu.memory_space<vmem>> -> memref<64xf32, #tpu.memory_space<vmem>>
      %get3A_512 = arith.constant 16 : index
      %get3A_513 = tpu.vector_load %get3A_511[%get3A_512] {strides = array<i32>} : memref<64xf32, #tpu.memory_space<vmem>>, vector<16xf32>,
      %get3A_514 = arith.constant 0 : i32
      %get3A_515 = tpu.memref_slice %arg10[%add3A_497, %get3A_514] : memref<512x64xf32, #tpu.memory_space<vmem>> -> memref<1x64xf32, #tpu.memory_space<vmem>>
      %get3A_516 = tpu.memref_squeeze %get3A_515 : memref<1x64xf32, #tpu.memory_space<vmem>> -> memref<64xf32, #tpu.memory_space<vmem>>
      %get3A_517 = arith.constant 16 : index
      %get3A_518 = tpu.vector_load %get3A_516[%get3A_517] {strides = array<i32>} : memref<64xf32, #tpu.memory_space<vmem>>, vector<16xf32>,
      %mul3A_519 = arith.mulf %get3A_513, %get3A_518 : vector<16xf32>
      %add3A_520 = arith.addf %mul3A_508, %mul3A_519 : vector<16xf32>
      %get3A_521 = arith.constant 0 : i32
      %get3A_522 = tpu.memref_slice %arg9[%add3A_493, %get3A_521] : memref<512x64xf32, #tpu.memory_space<vmem>> -> memref<1x64xf32, #tpu.memory_space<vmem>>
      %get3A_523 = tpu.memref_squeeze %get3A_522 : memref<1x64xf32, #tpu.memory_space<vmem>> -> memref<64xf32, #tpu.memory_space<vmem>>
      %get3A_524 = arith.constant 32 : index
      %get3A_525 = tpu.vector_load %get3A_523[%get3A_524] {strides = array<i32>} : memref<64xf32, #tpu.memory_space<vmem>>, vector<16xf32>,
      %get3A_526 = arith.constant 0 : i32
      %get3A_527 = tpu.memref_slice %arg10[%add3A_497, %get3A_526] : memref<512x64xf32, #tpu.memory_space<vmem>> -> memref<1x64xf32, #tpu.memory_space<vmem>>
      %get3A_528 = tpu.memref_squeeze %get3A_527 : memref<1x64xf32, #tpu.memory_space<vmem>> -> memref<64xf32, #tpu.memory_space<vmem>>
      %get3A_529 = arith.constant 32 : index
      %get3A_530 = tpu.vector_load %get3A_528[%get3A_529] {strides = array<i32>} : memref<64xf32, #tpu.memory_space<vmem>>, vector<16xf32>,
      %mul3A_531 = arith.mulf %get3A_525, %get3A_530 : vector<16xf32>
      %add3A_532 = arith.addf %add3A_520, %mul3A_531 : vector<16xf32>
      %get3A_533 = arith.constant 0 : i32
      %get3A_534 = tpu.memref_slice %arg9[%add3A_493, %get3A_533] : memref<512x64xf32, #tpu.memory_space<vmem>> -> memref<1x64xf32, #tpu.memory_space<vmem>>
      %get3A_535 = tpu.memref_squeeze %get3A_534 : memref<1x64xf32, #tpu.memory_space<vmem>> -> memref<64xf32, #tpu.memory_space<vmem>>
      %get3A_536 = arith.constant 48 : index
      %get3A_537 = tpu.vector_load %get3A_535[%get3A_536] {strides = array<i32>} : memref<64xf32, #tpu.memory_space<vmem>>, vector<16xf32>,
      %get3A_538 = arith.constant 0 : i32
      %get3A_539 = tpu.memref_slice %arg10[%add3A_497, %get3A_538] : memref<512x64xf32, #tpu.memory_space<vmem>> -> memref<1x64xf32, #tpu.memory_space<vmem>>
      %get3A_540 = tpu.memref_squeeze %get3A_539 : memref<1x64xf32, #tpu.memory_space<vmem>> -> memref<64xf32, #tpu.memory_space<vmem>>
      %get3A_541 = arith.constant 48 : index
      %get3A_542 = tpu.vector_load %get3A_540[%get3A_541] {strides = array<i32>} : memref<64xf32, #tpu.memory_space<vmem>>, vector<16xf32>,
      %mul3A_543 = arith.mulf %get3A_537, %get3A_542 : vector<16xf32>
      %add3A_544 = arith.addf %add3A_532, %mul3A_543 : vector<16xf32>
      %mul3A_545 = arith.constant 16 : i32
      %mul3A_546 = arith.muli %scan3A_325, %mul3A_545 : i32
      %add3A_547 = arith.constant 4 : i32
      %add3A_548 = arith.addi %mul3A_546, %add3A_547 : i32
      %mul3A_549 = arith.constant 16 : i32
      %mul3A_550 = arith.muli %scan3A_325, %mul3A_549 : i32
      %add3A_551 = arith.constant 4 : i32
      %add3A_552 = arith.addi %mul3A_550, %add3A_551 : i32
      %get3A_553 = arith.constant 0 : i32
      %get3A_554 = tpu.memref_slice %arg9[%add3A_548, %get3A_553] : memref<512x64xf32, #tpu.memory_space<vmem>> -> memref<1x64xf32, #tpu.memory_space<vmem>>
      %get3A_555 = tpu.memref_squeeze %get3A_554 : memref<1x64xf32, #tpu.memory_space<vmem>> -> memref<64xf32, #tpu.memory_space<vmem>>
      %get3A_556 = arith.constant 0 : index
      %get3A_557 = tpu.vector_load %get3A_555[%get3A_556] {strides = array<i32>} : memref<64xf32, #tpu.memory_space<vmem>>, vector<16xf32>,
      %get3A_558 = arith.constant 0 : i32
      %get3A_559 = tpu.memref_slice %arg10[%add3A_552, %get3A_558] : memref<512x64xf32, #tpu.memory_space<vmem>> -> memref<1x64xf32, #tpu.memory_space<vmem>>
      %get3A_560 = tpu.memref_squeeze %get3A_559 : memref<1x64xf32, #tpu.memory_space<vmem>> -> memref<64xf32, #tpu.memory_space<vmem>>
      %get3A_561 = arith.constant 0 : index
      %get3A_562 = tpu.vector_load %get3A_560[%get3A_561] {strides = array<i32>} : memref<64xf32, #tpu.memory_space<vmem>>, vector<16xf32>,
      %mul3A_563 = arith.mulf %get3A_557, %get3A_562 : vector<16xf32>
      %get3A_564 = arith.constant 0 : i32
      %get3A_565 = tpu.memref_slice %arg9[%add3A_548, %get3A_564] : memref<512x64xf32, #tpu.memory_space<vmem>> -> memref<1x64xf32, #tpu.memory_space<vmem>>
      %get3A_566 = tpu.memref_squeeze %get3A_565 : memref<1x64xf32, #tpu.memory_space<vmem>> -> memref<64xf32, #tpu.memory_space<vmem>>
      %get3A_567 = arith.constant 16 : index
      %get3A_568 = tpu.vector_load %get3A_566[%get3A_567] {strides = array<i32>} : memref<64xf32, #tpu.memory_space<vmem>>, vector<16xf32>,
      %get3A_569 = arith.constant 0 : i32
      %get3A_570 = tpu.memref_slice %arg10[%add3A_552, %get3A_569] : memref<512x64xf32, #tpu.memory_space<vmem>> -> memref<1x64xf32, #tpu.memory_space<vmem>>
      %get3A_571 = tpu.memref_squeeze %get3A_570 : memref<1x64xf32, #tpu.memory_space<vmem>> -> memref<64xf32, #tpu.memory_space<vmem>>
      %get3A_572 = arith.constant 16 : index
      %get3A_573 = tpu.vector_load %get3A_571[%get3A_572] {strides = array<i32>} : memref<64xf32, #tpu.memory_space<vmem>>, vector<16xf32>,
      %mul3A_574 = arith.mulf %get3A_568, %get3A_573 : vector<16xf32>
      %add3A_575 = arith.addf %mul3A_563, %mul3A_574 : vector<16xf32>
      %get3A_576 = arith.constant 0 : i32
      %get3A_577 = tpu.memref_slice %arg9[%add3A_548, %get3A_576] : memref<512x64xf32, #tpu.memory_space<vmem>> -> memref<1x64xf32, #tpu.memory_space<vmem>>
      %get3A_578 = tpu.memref_squeeze %get3A_577 : memref<1x64xf32, #tpu.memory_space<vmem>> -> memref<64xf32, #tpu.memory_space<vmem>>
      %get3A_579 = arith.constant 32 : index
      %get3A_580 = tpu.vector_load %get3A_578[%get3A_579] {strides = array<i32>} : memref<64xf32, #tpu.memory_space<vmem>>, vector<16xf32>,
      %get3A_581 = arith.constant 0 : i32
      %get3A_582 = tpu.memref_slice %arg10[%add3A_552, %get3A_581] : memref<512x64xf32, #tpu.memory_space<vmem>> -> memref<1x64xf32, #tpu.memory_space<vmem>>
      %get3A_583 = tpu.memref_squeeze %get3A_582 : memref<1x64xf32, #tpu.memory_space<vmem>> -> memref<64xf32, #tpu.memory_space<vmem>>
      %get3A_584 = arith.constant 32 : index
      %get3A_585 = tpu.vector_load %get3A_583[%get3A_584] {strides = array<i32>} : memref<64xf32, #tpu.memory_space<vmem>>, vector<16xf32>,
      %mul3A_586 = arith.mulf %get3A_580, %get3A_585 : vector<16xf32>
      %add3A_587 = arith.addf %add3A_575, %mul3A_586 : vector<16xf32>
      %get3A_588 = arith.constant 0 : i32
      %get3A_589 = tpu.memref_slice %arg9[%add3A_548, %get3A_588] : memref<512x64xf32, #tpu.memory_space<vmem>> -> memref<1x64xf32, #tpu.memory_space<vmem>>
      %get3A_590 = tpu.memref_squeeze %get3A_589 : memref<1x64xf32, #tpu.memory_space<vmem>> -> memref<64xf32, #tpu.memory_space<vmem>>
      %get3A_591 = arith.constant 48 : index
      %get3A_592 = tpu.vector_load %get3A_590[%get3A_591] {strides = array<i32>} : memref<64xf32, #tpu.memory_space<vmem>>, vector<16xf32>,
      %get3A_593 = arith.constant 0 : i32
      %get3A_594 = tpu.memref_slice %arg10[%add3A_552, %get3A_593] : memref<512x64xf32, #tpu.memory_space<vmem>> -> memref<1x64xf32, #tpu.memory_space<vmem>>
      %get3A_595 = tpu.memref_squeeze %get3A_594 : memref<1x64xf32, #tpu.memory_space<vmem>> -> memref<64xf32, #tpu.memory_space<vmem>>
      %get3A_596 = arith.constant 48 : index
      %get3A_597 = tpu.vector_load %get3A_595[%get3A_596] {strides = array<i32>} : memref<64xf32, #tpu.memory_space<vmem>>, vector<16xf32>,
      %mul3A_598 = arith.mulf %get3A_592, %get3A_597 : vector<16xf32>
      %add3A_599 = arith.addf %add3A_587, %mul3A_598 : vector<16xf32>
      %mul3A_600 = arith.constant 16 : i32
      %mul3A_601 = arith.muli %scan3A_325, %mul3A_600 : i32
      %add3A_602 = arith.constant 5 : i32
      %add3A_603 = arith.addi %mul3A_601, %add3A_602 : i32
      %mul3A_604 = arith.constant 16 : i32
      %mul3A_605 = arith.muli %scan3A_325, %mul3A_604 : i32
      %add3A_606 = arith.constant 5 : i32
      %add3A_607 = arith.addi %mul3A_605, %add3A_606 : i32
      %get3A_608 = arith.constant 0 : i32
      %get3A_609 = tpu.memref_slice %arg9[%add3A_603, %get3A_608] : memref<512x64xf32, #tpu.memory_space<vmem>> -> memref<1x64xf32, #tpu.memory_space<vmem>>
      %get3A_610 = tpu.memref_squeeze %get3A_609 : memref<1x64xf32, #tpu.memory_space<vmem>> -> memref<64xf32, #tpu.memory_space<vmem>>
      %get3A_611 = arith.constant 0 : index
      %get3A_612 = tpu.vector_load %get3A_610[%get3A_611] {strides = array<i32>} : memref<64xf32, #tpu.memory_space<vmem>>, vector<16xf32>,
      %get3A_613 = arith.constant 0 : i32
      %get3A_614 = tpu.memref_slice %arg10[%add3A_607, %get3A_613] : memref<512x64xf32, #tpu.memory_space<vmem>> -> memref<1x64xf32, #tpu.memory_space<vmem>>
      %get3A_615 = tpu.memref_squeeze %get3A_614 : memref<1x64xf32, #tpu.memory_space<vmem>> -> memref<64xf32, #tpu.memory_space<vmem>>
      %get3A_616 = arith.constant 0 : index
      %get3A_617 = tpu.vector_load %get3A_615[%get3A_616] {strides = array<i32>} : memref<64xf32, #tpu.memory_space<vmem>>, vector<16xf32>,
      %mul3A_618 = arith.mulf %get3A_612, %get3A_617 : vector<16xf32>
      %get3A_619 = arith.constant 0 : i32
      %get3A_620 = tpu.memref_slice %arg9[%add3A_603, %get3A_619] : memref<512x64xf32, #tpu.memory_space<vmem>> -> memref<1x64xf32, #tpu.memory_space<vmem>>
      %get3A_621 = tpu.memref_squeeze %get3A_620 : memref<1x64xf32, #tpu.memory_space<vmem>> -> memref<64xf32, #tpu.memory_space<vmem>>
      %get3A_622 = arith.constant 16 : index
      %get3A_623 = tpu.vector_load %get3A_621[%get3A_622] {strides = array<i32>} : memref<64xf32, #tpu.memory_space<vmem>>, vector<16xf32>,
      %get3A_624 = arith.constant 0 : i32
      %get3A_625 = tpu.memref_slice %arg10[%add3A_607, %get3A_624] : memref<512x64xf32, #tpu.memory_space<vmem>> -> memref<1x64xf32, #tpu.memory_space<vmem>>
      %get3A_626 = tpu.memref_squeeze %get3A_625 : memref<1x64xf32, #tpu.memory_space<vmem>> -> memref<64xf32, #tpu.memory_space<vmem>>
      %get3A_627 = arith.constant 16 : index
      %get3A_628 = tpu.vector_load %get3A_626[%get3A_627] {strides = array<i32>} : memref<64xf32, #tpu.memory_space<vmem>>, vector<16xf32>,
      %mul3A_629 = arith.mulf %get3A_623, %get3A_628 : vector<16xf32>
      %add3A_630 = arith.addf %mul3A_618, %mul3A_629 : vector<16xf32>
      %get3A_631 = arith.constant 0 : i32
      %get3A_632 = tpu.memref_slice %arg9[%add3A_603, %get3A_631] : memref<512x64xf32, #tpu.memory_space<vmem>> -> memref<1x64xf32, #tpu.memory_space<vmem>>
      %get3A_633 = tpu.memref_squeeze %get3A_632 : memref<1x64xf32, #tpu.memory_space<vmem>> -> memref<64xf32, #tpu.memory_space<vmem>>
      %get3A_634 = arith.constant 32 : index
      %get3A_635 = tpu.vector_load %get3A_633[%get3A_634] {strides = array<i32>} : memref<64xf32, #tpu.memory_space<vmem>>, vector<16xf32>,
      %get3A_636 = arith.constant 0 : i32
      %get3A_637 = tpu.memref_slice %arg10[%add3A_607, %get3A_636] : memref<512x64xf32, #tpu.memory_space<vmem>> -> memref<1x64xf32, #tpu.memory_space<vmem>>
      %get3A_638 = tpu.memref_squeeze %get3A_637 : memref<1x64xf32, #tpu.memory_space<vmem>> -> memref<64xf32, #tpu.memory_space<vmem>>
      %get3A_639 = arith.constant 32 : index
      %get3A_640 = tpu.vector_load %get3A_638[%get3A_639] {strides = array<i32>} : memref<64xf32, #tpu.memory_space<vmem>>, vector<16xf32>,
      %mul3A_641 = arith.mulf %get3A_635, %get3A_640 : vector<16xf32>
      %add3A_642 = arith.addf %add3A_630, %mul3A_641 : vector<16xf32>
      %get3A_643 = arith.constant 0 : i32
      %get3A_644 = tpu.memref_slice %arg9[%add3A_603, %get3A_643] : memref<512x64xf32, #tpu.memory_space<vmem>> -> memref<1x64xf32, #tpu.memory_space<vmem>>
      %get3A_645 = tpu.memref_squeeze %get3A_644 : memref<1x64xf32, #tpu.memory_space<vmem>> -> memref<64xf32, #tpu.memory_space<vmem>>
      %get3A_646 = arith.constant 48 : index
      %get3A_647 = tpu.vector_load %get3A_645[%get3A_646] {strides = array<i32>} : memref<64xf32, #tpu.memory_space<vmem>>, vector<16xf32>,
      %get3A_648 = arith.constant 0 : i32
      %get3A_649 = tpu.memref_slice %arg10[%add3A_607, %get3A_648] : memref<512x64xf32, #tpu.memory_space<vmem>> -> memref<1x64xf32, #tpu.memory_space<vmem>>
      %get3A_650 = tpu.memref_squeeze %get3A_649 : memref<1x64xf32, #tpu.memory_space<vmem>> -> memref<64xf32, #tpu.memory_space<vmem>>
      %get3A_651 = arith.constant 48 : index
      %get3A_652 = tpu.vector_load %get3A_650[%get3A_651] {strides = array<i32>} : memref<64xf32, #tpu.memory_space<vmem>>, vector<16xf32>,
      %mul3A_653 = arith.mulf %get3A_647, %get3A_652 : vector<16xf32>
      %add3A_654 = arith.addf %add3A_642, %mul3A_653 : vector<16xf32>
      %mul3A_655 = arith.constant 16 : i32
      %mul3A_656 = arith.muli %scan3A_325, %mul3A_655 : i32
      %add3A_657 = arith.constant 6 : i32
      %add3A_658 = arith.addi %mul3A_656, %add3A_657 : i32
      %mul3A_659 = arith.constant 16 : i32
      %mul3A_660 = arith.muli %scan3A_325, %mul3A_659 : i32
      %add3A_661 = arith.constant 6 : i32
      %add3A_662 = arith.addi %mul3A_660, %add3A_661 : i32
      %get3A_663 = arith.constant 0 : i32
      %get3A_664 = tpu.memref_slice %arg9[%add3A_658, %get3A_663] : memref<512x64xf32, #tpu.memory_space<vmem>> -> memref<1x64xf32, #tpu.memory_space<vmem>>
      %get3A_665 = tpu.memref_squeeze %get3A_664 : memref<1x64xf32, #tpu.memory_space<vmem>> -> memref<64xf32, #tpu.memory_space<vmem>>
      %get3A_666 = arith.constant 0 : index
      %get3A_667 = tpu.vector_load %get3A_665[%get3A_666] {strides = array<i32>} : memref<64xf32, #tpu.memory_space<vmem>>, vector<16xf32>,
      %get3A_668 = arith.constant 0 : i32
      %get3A_669 = tpu.memref_slice %arg10[%add3A_662, %get3A_668] : memref<512x64xf32, #tpu.memory_space<vmem>> -> memref<1x64xf32, #tpu.memory_space<vmem>>
      %get3A_670 = tpu.memref_squeeze %get3A_669 : memref<1x64xf32, #tpu.memory_space<vmem>> -> memref<64xf32, #tpu.memory_space<vmem>>
      %get3A_671 = arith.constant 0 : index
      %get3A_672 = tpu.vector_load %get3A_670[%get3A_671] {strides = array<i32>} : memref<64xf32, #tpu.memory_space<vmem>>, vector<16xf32>,
      %mul3A_673 = arith.mulf %get3A_667, %get3A_672 : vector<16xf32>
      %get3A_674 = arith.constant 0 : i32
      %get3A_675 = tpu.memref_slice %arg9[%add3A_658, %get3A_674] : memref<512x64xf32, #tpu.memory_space<vmem>> -> memref<1x64xf32, #tpu.memory_space<vmem>>
      %get3A_676 = tpu.memref_squeeze %get3A_675 : memref<1x64xf32, #tpu.memory_space<vmem>> -> memref<64xf32, #tpu.memory_space<vmem>>
      %get3A_677 = arith.constant 16 : index
      %get3A_678 = tpu.vector_load %get3A_676[%get3A_677] {strides = array<i32>} : memref<64xf32, #tpu.memory_space<vmem>>, vector<16xf32>,
      %get3A_679 = arith.constant 0 : i32
      %get3A_680 = tpu.memref_slice %arg10[%add3A_662, %get3A_679] : memref<512x64xf32, #tpu.memory_space<vmem>> -> memref<1x64xf32, #tpu.memory_space<vmem>>
      %get3A_681 = tpu.memref_squeeze %get3A_680 : memref<1x64xf32, #tpu.memory_space<vmem>> -> memref<64xf32, #tpu.memory_space<vmem>>
      %get3A_682 = arith.constant 16 : index
      %get3A_683 = tpu.vector_load %get3A_681[%get3A_682] {strides = array<i32>} : memref<64xf32, #tpu.memory_space<vmem>>, vector<16xf32>,
      %mul3A_684 = arith.mulf %get3A_678, %get3A_683 : vector<16xf32>
      %add3A_685 = arith.addf %mul3A_673, %mul3A_684 : vector<16xf32>
      %get3A_686 = arith.constant 0 : i32
      %get3A_687 = tpu.memref_slice %arg9[%add3A_658, %get3A_686] : memref<512x64xf32, #tpu.memory_space<vmem>> -> memref<1x64xf32, #tpu.memory_space<vmem>>
      %get3A_688 = tpu.memref_squeeze %get3A_687 : memref<1x64xf32, #tpu.memory_space<vmem>> -> memref<64xf32, #tpu.memory_space<vmem>>
      %get3A_689 = arith.constant 32 : index
      %get3A_690 = tpu.vector_load %get3A_688[%get3A_689] {strides = array<i32>} : memref<64xf32, #tpu.memory_space<vmem>>, vector<16xf32>,
      %get3A_691 = arith.constant 0 : i32
      %get3A_692 = tpu.memref_slice %arg10[%add3A_662, %get3A_691] : memref<512x64xf32, #tpu.memory_space<vmem>> -> memref<1x64xf32, #tpu.memory_space<vmem>>
      %get3A_693 = tpu.memref_squeeze %get3A_692 : memref<1x64xf32, #tpu.memory_space<vmem>> -> memref<64xf32, #tpu.memory_space<vmem>>
      %get3A_694 = arith.constant 32 : index
      %get3A_695 = tpu.vector_load %get3A_693[%get3A_694] {strides = array<i32>} : memref<64xf32, #tpu.memory_space<vmem>>, vector<16xf32>,
      %mul3A_696 = arith.mulf %get3A_690, %get3A_695 : vector<16xf32>
      %add3A_697 = arith.addf %add3A_685, %mul3A_696 : vector<16xf32>
      %get3A_698 = arith.constant 0 : i32
      %get3A_699 = tpu.memref_slice %arg9[%add3A_658, %get3A_698] : memref<512x64xf32, #tpu.memory_space<vmem>> -> memref<1x64xf32, #tpu.memory_space<vmem>>
      %get3A_700 = tpu.memref_squeeze %get3A_699 : memref<1x64xf32, #tpu.memory_space<vmem>> -> memref<64xf32, #tpu.memory_space<vmem>>
      %get3A_701 = arith.constant 48 : index
      %get3A_702 = tpu.vector_load %get3A_700[%get3A_701] {strides = array<i32>} : memref<64xf32, #tpu.memory_space<vmem>>, vector<16xf32>,
      %get3A_703 = arith.constant 0 : i32
      %get3A_704 = tpu.memref_slice %arg10[%add3A_662, %get3A_703] : memref<512x64xf32, #tpu.memory_space<vmem>> -> memref<1x64xf32, #tpu.memory_space<vmem>>
      %get3A_705 = tpu.memref_squeeze %get3A_704 : memref<1x64xf32, #tpu.memory_space<vmem>> -> memref<64xf32, #tpu.memory_space<vmem>>
      %get3A_706 = arith.constant 48 : index
      %get3A_707 = tpu.vector_load %get3A_705[%get3A_706] {strides = array<i32>} : memref<64xf32, #tpu.memory_space<vmem>>, vector<16xf32>,
      %mul3A_708 = arith.mulf %get3A_702, %get3A_707 : vector<16xf32>
      %add3A_709 = arith.addf %add3A_697, %mul3A_708 : vector<16xf32>
      %mul3A_710 = arith.constant 16 : i32
      %mul3A_711 = arith.muli %scan3A_325, %mul3A_710 : i32
      %add3A_712 = arith.constant 7 : i32
      %add3A_713 = arith.addi %mul3A_711, %add3A_712 : i32
      %mul3A_714 = arith.constant 16 : i32
      %mul3A_715 = arith.muli %scan3A_325, %mul3A_714 : i32
      %add3A_716 = arith.constant 7 : i32
      %add3A_717 = arith.addi %mul3A_715, %add3A_716 : i32
      %get3A_718 = arith.constant 0 : i32
      %get3A_719 = tpu.memref_slice %arg9[%add3A_713, %get3A_718] : memref<512x64xf32, #tpu.memory_space<vmem>> -> memref<1x64xf32, #tpu.memory_space<vmem>>
      %get3A_720 = tpu.memref_squeeze %get3A_719 : memref<1x64xf32, #tpu.memory_space<vmem>> -> memref<64xf32, #tpu.memory_space<vmem>>
      %get3A_721 = arith.constant 0 : index
      %get3A_722 = tpu.vector_load %get3A_720[%get3A_721] {strides = array<i32>} : memref<64xf32, #tpu.memory_space<vmem>>, vector<16xf32>,
      %get3A_723 = arith.constant 0 : i32
      %get3A_724 = tpu.memref_slice %arg10[%add3A_717, %get3A_723] : memref<512x64xf32, #tpu.memory_space<vmem>> -> memref<1x64xf32, #tpu.memory_space<vmem>>
      %get3A_725 = tpu.memref_squeeze %get3A_724 : memref<1x64xf32, #tpu.memory_space<vmem>> -> memref<64xf32, #tpu.memory_space<vmem>>
      %get3A_726 = arith.constant 0 : index
      %get3A_727 = tpu.vector_load %get3A_725[%get3A_726] {strides = array<i32>} : memref<64xf32, #tpu.memory_space<vmem>>, vector<16xf32>,
      %mul3A_728 = arith.mulf %get3A_722, %get3A_727 : vector<16xf32>
      %get3A_729 = arith.constant 0 : i32
      %get3A_730 = tpu.memref_slice %arg9[%add3A_713, %get3A_729] : memref<512x64xf32, #tpu.memory_space<vmem>> -> memref<1x64xf32, #tpu.memory_space<vmem>>
      %get3A_731 = tpu.memref_squeeze %get3A_730 : memref<1x64xf32, #tpu.memory_space<vmem>> -> memref<64xf32, #tpu.memory_space<vmem>>
      %get3A_732 = arith.constant 16 : index
      %get3A_733 = tpu.vector_load %get3A_731[%get3A_732] {strides = array<i32>} : memref<64xf32, #tpu.memory_space<vmem>>, vector<16xf32>,
      %get3A_734 = arith.constant 0 : i32
      %get3A_735 = tpu.memref_slice %arg10[%add3A_717, %get3A_734] : memref<512x64xf32, #tpu.memory_space<vmem>> -> memref<1x64xf32, #tpu.memory_space<vmem>>
      %get3A_736 = tpu.memref_squeeze %get3A_735 : memref<1x64xf32, #tpu.memory_space<vmem>> -> memref<64xf32, #tpu.memory_space<vmem>>
      %get3A_737 = arith.constant 16 : index
      %get3A_738 = tpu.vector_load %get3A_736[%get3A_737] {strides = array<i32>} : memref<64xf32, #tpu.memory_space<vmem>>, vector<16xf32>,
      %mul3A_739 = arith.mulf %get3A_733, %get3A_738 : vector<16xf32>
      %add3A_740 = arith.addf %mul3A_728, %mul3A_739 : vector<16xf32>
      %get3A_741 = arith.constant 0 : i32
      %get3A_742 = tpu.memref_slice %arg9[%add3A_713, %get3A_741] : memref<512x64xf32, #tpu.memory_space<vmem>> -> memref<1x64xf32, #tpu.memory_space<vmem>>
      %get3A_743 = tpu.memref_squeeze %get3A_742 : memref<1x64xf32, #tpu.memory_space<vmem>> -> memref<64xf32, #tpu.memory_space<vmem>>
      %get3A_744 = arith.constant 32 : index
      %get3A_745 = tpu.vector_load %get3A_743[%get3A_744] {strides = array<i32>} : memref<64xf32, #tpu.memory_space<vmem>>, vector<16xf32>,
      %get3A_746 = arith.constant 0 : i32
      %get3A_747 = tpu.memref_slice %arg10[%add3A_717, %get3A_746] : memref<512x64xf32, #tpu.memory_space<vmem>> -> memref<1x64xf32, #tpu.memory_space<vmem>>
      %get3A_748 = tpu.memref_squeeze %get3A_747 : memref<1x64xf32, #tpu.memory_space<vmem>> -> memref<64xf32, #tpu.memory_space<vmem>>
      %get3A_749 = arith.constant 32 : index
      %get3A_750 = tpu.vector_load %get3A_748[%get3A_749] {strides = array<i32>} : memref<64xf32, #tpu.memory_space<vmem>>, vector<16xf32>,
      %mul3A_751 = arith.mulf %get3A_745, %get3A_750 : vector<16xf32>
      %add3A_752 = arith.addf %add3A_740, %mul3A_751 : vector<16xf32>
      %get3A_753 = arith.constant 0 : i32
      %get3A_754 = tpu.memref_slice %arg9[%add3A_713, %get3A_753] : memref<512x64xf32, #tpu.memory_space<vmem>> -> memref<1x64xf32, #tpu.memory_space<vmem>>
      %get3A_755 = tpu.memref_squeeze %get3A_754 : memref<1x64xf32, #tpu.memory_space<vmem>> -> memref<64xf32, #tpu.memory_space<vmem>>
      %get3A_756 = arith.constant 48 : index
      %get3A_757 = tpu.vector_load %get3A_755[%get3A_756] {strides = array<i32>} : memref<64xf32, #tpu.memory_space<vmem>>, vector<16xf32>,
      %get3A_758 = arith.constant 0 : i32
      %get3A_759 = tpu.memref_slice %arg10[%add3A_717, %get3A_758] : memref<512x64xf32, #tpu.memory_space<vmem>> -> memref<1x64xf32, #tpu.memory_space<vmem>>
      %get3A_760 = tpu.memref_squeeze %get3A_759 : memref<1x64xf32, #tpu.memory_space<vmem>> -> memref<64xf32, #tpu.memory_space<vmem>>
      %get3A_761 = arith.constant 48 : index
      %get3A_762 = tpu.vector_load %get3A_760[%get3A_761] {strides = array<i32>} : memref<64xf32, #tpu.memory_space<vmem>>, vector<16xf32>,
      %mul3A_763 = arith.mulf %get3A_757, %get3A_762 : vector<16xf32>
      %add3A_764 = arith.addf %add3A_752, %mul3A_763 : vector<16xf32>
      %mul3A_765 = arith.constant 16 : i32
      %mul3A_766 = arith.muli %scan3A_325, %mul3A_765 : i32
      %add3A_767 = arith.constant 8 : i32
      %add3A_768 = arith.addi %mul3A_766, %add3A_767 : i32
      %mul3A_769 = arith.constant 16 : i32
      %mul3A_770 = arith.muli %scan3A_325, %mul3A_769 : i32
      %add3A_771 = arith.constant 8 : i32
      %add3A_772 = arith.addi %mul3A_770, %add3A_771 : i32
      %get3A_773 = arith.constant 0 : i32
      %get3A_774 = tpu.memref_slice %arg9[%add3A_768, %get3A_773] : memref<512x64xf32, #tpu.memory_space<vmem>> -> memref<1x64xf32, #tpu.memory_space<vmem>>
      %get3A_775 = tpu.memref_squeeze %get3A_774 : memref<1x64xf32, #tpu.memory_space<vmem>> -> memref<64xf32, #tpu.memory_space<vmem>>
      %get3A_776 = arith.constant 0 : index
      %get3A_777 = tpu.vector_load %get3A_775[%get3A_776] {strides = array<i32>} : memref<64xf32, #tpu.memory_space<vmem>>, vector<16xf32>,
      %get3A_778 = arith.constant 0 : i32
      %get3A_779 = tpu.memref_slice %arg10[%add3A_772, %get3A_778] : memref<512x64xf32, #tpu.memory_space<vmem>> -> memref<1x64xf32, #tpu.memory_space<vmem>>
      %get3A_780 = tpu.memref_squeeze %get3A_779 : memref<1x64xf32, #tpu.memory_space<vmem>> -> memref<64xf32, #tpu.memory_space<vmem>>
      %get3A_781 = arith.constant 0 : index
      %get3A_782 = tpu.vector_load %get3A_780[%get3A_781] {strides = array<i32>} : memref<64xf32, #tpu.memory_space<vmem>>, vector<16xf32>,
      %mul3A_783 = arith.mulf %get3A_777, %get3A_782 : vector<16xf32>
      %get3A_784 = arith.constant 0 : i32
      %get3A_785 = tpu.memref_slice %arg9[%add3A_768, %get3A_784] : memref<512x64xf32, #tpu.memory_space<vmem>> -> memref<1x64xf32, #tpu.memory_space<vmem>>
      %get3A_786 = tpu.memref_squeeze %get3A_785 : memref<1x64xf32, #tpu.memory_space<vmem>> -> memref<64xf32, #tpu.memory_space<vmem>>
      %get3A_787 = arith.constant 16 : index
      %get3A_788 = tpu.vector_load %get3A_786[%get3A_787] {strides = array<i32>} : memref<64xf32, #tpu.memory_space<vmem>>, vector<16xf32>,
      %get3A_789 = arith.constant 0 : i32
      %get3A_790 = tpu.memref_slice %arg10[%add3A_772, %get3A_789] : memref<512x64xf32, #tpu.memory_space<vmem>> -> memref<1x64xf32, #tpu.memory_space<vmem>>
      %get3A_791 = tpu.memref_squeeze %get3A_790 : memref<1x64xf32, #tpu.memory_space<vmem>> -> memref<64xf32, #tpu.memory_space<vmem>>
      %get3A_792 = arith.constant 16 : index
      %get3A_793 = tpu.vector_load %get3A_791[%get3A_792] {strides = array<i32>} : memref<64xf32, #tpu.memory_space<vmem>>, vector<16xf32>,
      %mul3A_794 = arith.mulf %get3A_788, %get3A_793 : vector<16xf32>
      %add3A_795 = arith.addf %mul3A_783, %mul3A_794 : vector<16xf32>
      %get3A_796 = arith.constant 0 : i32
      %get3A_797 = tpu.memref_slice %arg9[%add3A_768, %get3A_796] : memref<512x64xf32, #tpu.memory_space<vmem>> -> memref<1x64xf32, #tpu.memory_space<vmem>>
      %get3A_798 = tpu.memref_squeeze %get3A_797 : memref<1x64xf32, #tpu.memory_space<vmem>> -> memref<64xf32, #tpu.memory_space<vmem>>
      %get3A_799 = arith.constant 32 : index
      %get3A_800 = tpu.vector_load %get3A_798[%get3A_799] {strides = array<i32>} : memref<64xf32, #tpu.memory_space<vmem>>, vector<16xf32>,
      %get3A_801 = arith.constant 0 : i32
      %get3A_802 = tpu.memref_slice %arg10[%add3A_772, %get3A_801] : memref<512x64xf32, #tpu.memory_space<vmem>> -> memref<1x64xf32, #tpu.memory_space<vmem>>
      %get3A_803 = tpu.memref_squeeze %get3A_802 : memref<1x64xf32, #tpu.memory_space<vmem>> -> memref<64xf32, #tpu.memory_space<vmem>>
      %get3A_804 = arith.constant 32 : index
      %get3A_805 = tpu.vector_load %get3A_803[%get3A_804] {strides = array<i32>} : memref<64xf32, #tpu.memory_space<vmem>>, vector<16xf32>,
      %mul3A_806 = arith.mulf %get3A_800, %get3A_805 : vector<16xf32>
      %add3A_807 = arith.addf %add3A_795, %mul3A_806 : vector<16xf32>
      %get3A_808 = arith.constant 0 : i32
      %get3A_809 = tpu.memref_slice %arg9[%add3A_768, %get3A_808] : memref<512x64xf32, #tpu.memory_space<vmem>> -> memref<1x64xf32, #tpu.memory_space<vmem>>
      %get3A_810 = tpu.memref_squeeze %get3A_809 : memref<1x64xf32, #tpu.memory_space<vmem>> -> memref<64xf32, #tpu.memory_space<vmem>>
      %get3A_811 = arith.constant 48 : index
      %get3A_812 = tpu.vector_load %get3A_810[%get3A_811] {strides = array<i32>} : memref<64xf32, #tpu.memory_space<vmem>>, vector<16xf32>,
      %get3A_813 = arith.constant 0 : i32
      %get3A_814 = tpu.memref_slice %arg10[%add3A_772, %get3A_813] : memref<512x64xf32, #tpu.memory_space<vmem>> -> memref<1x64xf32, #tpu.memory_space<vmem>>
      %get3A_815 = tpu.memref_squeeze %get3A_814 : memref<1x64xf32, #tpu.memory_space<vmem>> -> memref<64xf32, #tpu.memory_space<vmem>>
      %get3A_816 = arith.constant 48 : index
      %get3A_817 = tpu.vector_load %get3A_815[%get3A_816] {strides = array<i32>} : memref<64xf32, #tpu.memory_space<vmem>>, vector<16xf32>,
      %mul3A_818 = arith.mulf %get3A_812, %get3A_817 : vector<16xf32>
      %add3A_819 = arith.addf %add3A_807, %mul3A_818 : vector<16xf32>
      %mul3A_820 = arith.constant 16 : i32
      %mul3A_821 = arith.muli %scan3A_325, %mul3A_820 : i32
      %add3A_822 = arith.constant 9 : i32
      %add3A_823 = arith.addi %mul3A_821, %add3A_822 : i32
      %mul3A_824 = arith.constant 16 : i32
      %mul3A_825 = arith.muli %scan3A_325, %mul3A_824 : i32
      %add3A_826 = arith.constant 9 : i32
      %add3A_827 = arith.addi %mul3A_825, %add3A_826 : i32
      %get3A_828 = arith.constant 0 : i32
      %get3A_829 = tpu.memref_slice %arg9[%add3A_823, %get3A_828] : memref<512x64xf32, #tpu.memory_space<vmem>> -> memref<1x64xf32, #tpu.memory_space<vmem>>
      %get3A_830 = tpu.memref_squeeze %get3A_829 : memref<1x64xf32, #tpu.memory_space<vmem>> -> memref<64xf32, #tpu.memory_space<vmem>>
      %get3A_831 = arith.constant 0 : index
      %get3A_832 = tpu.vector_load %get3A_830[%get3A_831] {strides = array<i32>} : memref<64xf32, #tpu.memory_space<vmem>>, vector<16xf32>,
      %get3A_833 = arith.constant 0 : i32
      %get3A_834 = tpu.memref_slice %arg10[%add3A_827, %get3A_833] : memref<512x64xf32, #tpu.memory_space<vmem>> -> memref<1x64xf32, #tpu.memory_space<vmem>>
      %get3A_835 = tpu.memref_squeeze %get3A_834 : memref<1x64xf32, #tpu.memory_space<vmem>> -> memref<64xf32, #tpu.memory_space<vmem>>
      %get3A_836 = arith.constant 0 : index
      %get3A_837 = tpu.vector_load %get3A_835[%get3A_836] {strides = array<i32>} : memref<64xf32, #tpu.memory_space<vmem>>, vector<16xf32>,
      %mul3A_838 = arith.mulf %get3A_832, %get3A_837 : vector<16xf32>
      %get3A_839 = arith.constant 0 : i32
      %get3A_840 = tpu.memref_slice %arg9[%add3A_823, %get3A_839] : memref<512x64xf32, #tpu.memory_space<vmem>> -> memref<1x64xf32, #tpu.memory_space<vmem>>
      %get3A_841 = tpu.memref_squeeze %get3A_840 : memref<1x64xf32, #tpu.memory_space<vmem>> -> memref<64xf32, #tpu.memory_space<vmem>>
      %get3A_842 = arith.constant 16 : index
      %get3A_843 = tpu.vector_load %get3A_841[%get3A_842] {strides = array<i32>} : memref<64xf32, #tpu.memory_space<vmem>>, vector<16xf32>,
      %get3A_844 = arith.constant 0 : i32
      %get3A_845 = tpu.memref_slice %arg10[%add3A_827, %get3A_844] : memref<512x64xf32, #tpu.memory_space<vmem>> -> memref<1x64xf32, #tpu.memory_space<vmem>>
      %get3A_846 = tpu.memref_squeeze %get3A_845 : memref<1x64xf32, #tpu.memory_space<vmem>> -> memref<64xf32, #tpu.memory_space<vmem>>
      %get3A_847 = arith.constant 16 : index
      %get3A_848 = tpu.vector_load %get3A_846[%get3A_847] {strides = array<i32>} : memref<64xf32, #tpu.memory_space<vmem>>, vector<16xf32>,
      %mul3A_849 = arith.mulf %get3A_843, %get3A_848 : vector<16xf32>
      %add3A_850 = arith.addf %mul3A_838, %mul3A_849 : vector<16xf32>
      %get3A_851 = arith.constant 0 : i32
      %get3A_852 = tpu.memref_slice %arg9[%add3A_823, %get3A_851] : memref<512x64xf32, #tpu.memory_space<vmem>> -> memref<1x64xf32, #tpu.memory_space<vmem>>
      %get3A_853 = tpu.memref_squeeze %get3A_852 : memref<1x64xf32, #tpu.memory_space<vmem>> -> memref<64xf32, #tpu.memory_space<vmem>>
      %get3A_854 = arith.constant 32 : index
      %get3A_855 = tpu.vector_load %get3A_853[%get3A_854] {strides = array<i32>} : memref<64xf32, #tpu.memory_space<vmem>>, vector<16xf32>,
      %get3A_856 = arith.constant 0 : i32
      %get3A_857 = tpu.memref_slice %arg10[%add3A_827, %get3A_856] : memref<512x64xf32, #tpu.memory_space<vmem>> -> memref<1x64xf32, #tpu.memory_space<vmem>>
      %get3A_858 = tpu.memref_squeeze %get3A_857 : memref<1x64xf32, #tpu.memory_space<vmem>> -> memref<64xf32, #tpu.memory_space<vmem>>
      %get3A_859 = arith.constant 32 : index
      %get3A_860 = tpu.vector_load %get3A_858[%get3A_859] {strides = array<i32>} : memref<64xf32, #tpu.memory_space<vmem>>, vector<16xf32>,
      %mul3A_861 = arith.mulf %get3A_855, %get3A_860 : vector<16xf32>
      %add3A_862 = arith.addf %add3A_850, %mul3A_861 : vector<16xf32>
      %get3A_863 = arith.constant 0 : i32
      %get3A_864 = tpu.memref_slice %arg9[%add3A_823, %get3A_863] : memref<512x64xf32, #tpu.memory_space<vmem>> -> memref<1x64xf32, #tpu.memory_space<vmem>>
      %get3A_865 = tpu.memref_squeeze %get3A_864 : memref<1x64xf32, #tpu.memory_space<vmem>> -> memref<64xf32, #tpu.memory_space<vmem>>
      %get3A_866 = arith.constant 48 : index
      %get3A_867 = tpu.vector_load %get3A_865[%get3A_866] {strides = array<i32>} : memref<64xf32, #tpu.memory_space<vmem>>, vector<16xf32>,
      %get3A_868 = arith.constant 0 : i32
      %get3A_869 = tpu.memref_slice %arg10[%add3A_827, %get3A_868] : memref<512x64xf32, #tpu.memory_space<vmem>> -> memref<1x64xf32, #tpu.memory_space<vmem>>
      %get3A_870 = tpu.memref_squeeze %get3A_869 : memref<1x64xf32, #tpu.memory_space<vmem>> -> memref<64xf32, #tpu.memory_space<vmem>>
      %get3A_871 = arith.constant 48 : index
      %get3A_872 = tpu.vector_load %get3A_870[%get3A_871] {strides = array<i32>} : memref<64xf32, #tpu.memory_space<vmem>>, vector<16xf32>,
      %mul3A_873 = arith.mulf %get3A_867, %get3A_872 : vector<16xf32>
      %add3A_874 = arith.addf %add3A_862, %mul3A_873 : vector<16xf32>
      %mul3A_875 = arith.constant 16 : i32
      %mul3A_876 = arith.muli %scan3A_325, %mul3A_875 : i32
      %add3A_877 = arith.constant 10 : i32
      %add3A_878 = arith.addi %mul3A_876, %add3A_877 : i32
      %mul3A_879 = arith.constant 16 : i32
      %mul3A_880 = arith.muli %scan3A_325, %mul3A_879 : i32
      %add3A_881 = arith.constant 10 : i32
      %add3A_882 = arith.addi %mul3A_880, %add3A_881 : i32
      %get3A_883 = arith.constant 0 : i32
      %get3A_884 = tpu.memref_slice %arg9[%add3A_878, %get3A_883] : memref<512x64xf32, #tpu.memory_space<vmem>> -> memref<1x64xf32, #tpu.memory_space<vmem>>
      %get3A_885 = tpu.memref_squeeze %get3A_884 : memref<1x64xf32, #tpu.memory_space<vmem>> -> memref<64xf32, #tpu.memory_space<vmem>>
      %get3A_886 = arith.constant 0 : index
      %get3A_887 = tpu.vector_load %get3A_885[%get3A_886] {strides = array<i32>} : memref<64xf32, #tpu.memory_space<vmem>>, vector<16xf32>,
      %get3A_888 = arith.constant 0 : i32
      %get3A_889 = tpu.memref_slice %arg10[%add3A_882, %get3A_888] : memref<512x64xf32, #tpu.memory_space<vmem>> -> memref<1x64xf32, #tpu.memory_space<vmem>>
      %get3A_890 = tpu.memref_squeeze %get3A_889 : memref<1x64xf32, #tpu.memory_space<vmem>> -> memref<64xf32, #tpu.memory_space<vmem>>
      %get3A_891 = arith.constant 0 : index
      %get3A_892 = tpu.vector_load %get3A_890[%get3A_891] {strides = array<i32>} : memref<64xf32, #tpu.memory_space<vmem>>, vector<16xf32>,
      %mul3A_893 = arith.mulf %get3A_887, %get3A_892 : vector<16xf32>
      %get3A_894 = arith.constant 0 : i32
      %get3A_895 = tpu.memref_slice %arg9[%add3A_878, %get3A_894] : memref<512x64xf32, #tpu.memory_space<vmem>> -> memref<1x64xf32, #tpu.memory_space<vmem>>
      %get3A_896 = tpu.memref_squeeze %get3A_895 : memref<1x64xf32, #tpu.memory_space<vmem>> -> memref<64xf32, #tpu.memory_space<vmem>>
      %get3A_897 = arith.constant 16 : index
      %get3A_898 = tpu.vector_load %get3A_896[%get3A_897] {strides = array<i32>} : memref<64xf32, #tpu.memory_space<vmem>>, vector<16xf32>,
      %get3A_899 = arith.constant 0 : i32
      %get3A_900 = tpu.memref_slice %arg10[%add3A_882, %get3A_899] : memref<512x64xf32, #tpu.memory_space<vmem>> -> memref<1x64xf32, #tpu.memory_space<vmem>>
      %get3A_901 = tpu.memref_squeeze %get3A_900 : memref<1x64xf32, #tpu.memory_space<vmem>> -> memref<64xf32, #tpu.memory_space<vmem>>
      %get3A_902 = arith.constant 16 : index
      %get3A_903 = tpu.vector_load %get3A_901[%get3A_902] {strides = array<i32>} : memref<64xf32, #tpu.memory_space<vmem>>, vector<16xf32>,
      %mul3A_904 = arith.mulf %get3A_898, %get3A_903 : vector<16xf32>
      %add3A_905 = arith.addf %mul3A_893, %mul3A_904 : vector<16xf32>
      %get3A_906 = arith.constant 0 : i32
      %get3A_907 = tpu.memref_slice %arg9[%add3A_878, %get3A_906] : memref<512x64xf32, #tpu.memory_space<vmem>> -> memref<1x64xf32, #tpu.memory_space<vmem>>
      %get3A_908 = tpu.memref_squeeze %get3A_907 : memref<1x64xf32, #tpu.memory_space<vmem>> -> memref<64xf32, #tpu.memory_space<vmem>>
      %get3A_909 = arith.constant 32 : index
      %get3A_910 = tpu.vector_load %get3A_908[%get3A_909] {strides = array<i32>} : memref<64xf32, #tpu.memory_space<vmem>>, vector<16xf32>,
      %get3A_911 = arith.constant 0 : i32
      %get3A_912 = tpu.memref_slice %arg10[%add3A_882, %get3A_911] : memref<512x64xf32, #tpu.memory_space<vmem>> -> memref<1x64xf32, #tpu.memory_space<vmem>>
      %get3A_913 = tpu.memref_squeeze %get3A_912 : memref<1x64xf32, #tpu.memory_space<vmem>> -> memref<64xf32, #tpu.memory_space<vmem>>
      %get3A_914 = arith.constant 32 : index
      %get3A_915 = tpu.vector_load %get3A_913[%get3A_914] {strides = array<i32>} : memref<64xf32, #tpu.memory_space<vmem>>, vector<16xf32>,
      %mul3A_916 = arith.mulf %get3A_910, %get3A_915 : vector<16xf32>
      %add3A_917 = arith.addf %add3A_905, %mul3A_916 : vector<16xf32>
      %get3A_918 = arith.constant 0 : i32
      %get3A_919 = tpu.memref_slice %arg9[%add3A_878, %get3A_918] : memref<512x64xf32, #tpu.memory_space<vmem>> -> memref<1x64xf32, #tpu.memory_space<vmem>>
      %get3A_920 = tpu.memref_squeeze %get3A_919 : memref<1x64xf32, #tpu.memory_space<vmem>> -> memref<64xf32, #tpu.memory_space<vmem>>
      %get3A_921 = arith.constant 48 : index
      %get3A_922 = tpu.vector_load %get3A_920[%get3A_921] {strides = array<i32>} : memref<64xf32, #tpu.memory_space<vmem>>, vector<16xf32>,
      %get3A_923 = arith.constant 0 : i32
      %get3A_924 = tpu.memref_slice %arg10[%add3A_882, %get3A_923] : memref<512x64xf32, #tpu.memory_space<vmem>> -> memref<1x64xf32, #tpu.memory_space<vmem>>
      %get3A_925 = tpu.memref_squeeze %get3A_924 : memref<1x64xf32, #tpu.memory_space<vmem>> -> memref<64xf32, #tpu.memory_space<vmem>>
      %get3A_926 = arith.constant 48 : index
      %get3A_927 = tpu.vector_load %get3A_925[%get3A_926] {strides = array<i32>} : memref<64xf32, #tpu.memory_space<vmem>>, vector<16xf32>,
      %mul3A_928 = arith.mulf %get3A_922, %get3A_927 : vector<16xf32>
      %add3A_929 = arith.addf %add3A_917, %mul3A_928 : vector<16xf32>
      %mul3A_930 = arith.constant 16 : i32
      %mul3A_931 = arith.muli %scan3A_325, %mul3A_930 : i32
      %add3A_932 = arith.constant 11 : i32
      %add3A_933 = arith.addi %mul3A_931, %add3A_932 : i32
      %mul3A_934 = arith.constant 16 : i32
      %mul3A_935 = arith.muli %scan3A_325, %mul3A_934 : i32
      %add3A_936 = arith.constant 11 : i32
      %add3A_937 = arith.addi %mul3A_935, %add3A_936 : i32
      %get3A_938 = arith.constant 0 : i32
      %get3A_939 = tpu.memref_slice %arg9[%add3A_933, %get3A_938] : memref<512x64xf32, #tpu.memory_space<vmem>> -> memref<1x64xf32, #tpu.memory_space<vmem>>
      %get3A_940 = tpu.memref_squeeze %get3A_939 : memref<1x64xf32, #tpu.memory_space<vmem>> -> memref<64xf32, #tpu.memory_space<vmem>>
      %get3A_941 = arith.constant 0 : index
      %get3A_942 = tpu.vector_load %get3A_940[%get3A_941] {strides = array<i32>} : memref<64xf32, #tpu.memory_space<vmem>>, vector<16xf32>,
      %get3A_943 = arith.constant 0 : i32
      %get3A_944 = tpu.memref_slice %arg10[%add3A_937, %get3A_943] : memref<512x64xf32, #tpu.memory_space<vmem>> -> memref<1x64xf32, #tpu.memory_space<vmem>>
      %get3A_945 = tpu.memref_squeeze %get3A_944 : memref<1x64xf32, #tpu.memory_space<vmem>> -> memref<64xf32, #tpu.memory_space<vmem>>
      %get3A_946 = arith.constant 0 : index
      %get3A_947 = tpu.vector_load %get3A_945[%get3A_946] {strides = array<i32>} : memref<64xf32, #tpu.memory_space<vmem>>, vector<16xf32>,
      %mul3A_948 = arith.mulf %get3A_942, %get3A_947 : vector<16xf32>
      %get3A_949 = arith.constant 0 : i32
      %get3A_950 = tpu.memref_slice %arg9[%add3A_933, %get3A_949] : memref<512x64xf32, #tpu.memory_space<vmem>> -> memref<1x64xf32, #tpu.memory_space<vmem>>
      %get3A_951 = tpu.memref_squeeze %get3A_950 : memref<1x64xf32, #tpu.memory_space<vmem>> -> memref<64xf32, #tpu.memory_space<vmem>>
      %get3A_952 = arith.constant 16 : index
      %get3A_953 = tpu.vector_load %get3A_951[%get3A_952] {strides = array<i32>} : memref<64xf32, #tpu.memory_space<vmem>>, vector<16xf32>,
      %get3A_954 = arith.constant 0 : i32
      %get3A_955 = tpu.memref_slice %arg10[%add3A_937, %get3A_954] : memref<512x64xf32, #tpu.memory_space<vmem>> -> memref<1x64xf32, #tpu.memory_space<vmem>>
      %get3A_956 = tpu.memref_squeeze %get3A_955 : memref<1x64xf32, #tpu.memory_space<vmem>> -> memref<64xf32, #tpu.memory_space<vmem>>
      %get3A_957 = arith.constant 16 : index
      %get3A_958 = tpu.vector_load %get3A_956[%get3A_957] {strides = array<i32>} : memref<64xf32, #tpu.memory_space<vmem>>, vector<16xf32>,
      %mul3A_959 = arith.mulf %get3A_953, %get3A_958 : vector<16xf32>
      %add3A_960 = arith.addf %mul3A_948, %mul3A_959 : vector<16xf32>
      %get3A_961 = arith.constant 0 : i32
      %get3A_962 = tpu.memref_slice %arg9[%add3A_933, %get3A_961] : memref<512x64xf32, #tpu.memory_space<vmem>> -> memref<1x64xf32, #tpu.memory_space<vmem>>
      %get3A_963 = tpu.memref_squeeze %get3A_962 : memref<1x64xf32, #tpu.memory_space<vmem>> -> memref<64xf32, #tpu.memory_space<vmem>>
      %get3A_964 = arith.constant 32 : index
      %get3A_965 = tpu.vector_load %get3A_963[%get3A_964] {strides = array<i32>} : memref<64xf32, #tpu.memory_space<vmem>>, vector<16xf32>,
      %get3A_966 = arith.constant 0 : i32
      %get3A_967 = tpu.memref_slice %arg10[%add3A_937, %get3A_966] : memref<512x64xf32, #tpu.memory_space<vmem>> -> memref<1x64xf32, #tpu.memory_space<vmem>>
      %get3A_968 = tpu.memref_squeeze %get3A_967 : memref<1x64xf32, #tpu.memory_space<vmem>> -> memref<64xf32, #tpu.memory_space<vmem>>
      %get3A_969 = arith.constant 32 : index
      %get3A_970 = tpu.vector_load %get3A_968[%get3A_969] {strides = array<i32>} : memref<64xf32, #tpu.memory_space<vmem>>, vector<16xf32>,
      %mul3A_971 = arith.mulf %get3A_965, %get3A_970 : vector<16xf32>
      %add3A_972 = arith.addf %add3A_960, %mul3A_971 : vector<16xf32>
      %get3A_973 = arith.constant 0 : i32
      %get3A_974 = tpu.memref_slice %arg9[%add3A_933, %get3A_973] : memref<512x64xf32, #tpu.memory_space<vmem>> -> memref<1x64xf32, #tpu.memory_space<vmem>>
      %get3A_975 = tpu.memref_squeeze %get3A_974 : memref<1x64xf32, #tpu.memory_space<vmem>> -> memref<64xf32, #tpu.memory_space<vmem>>
      %get3A_976 = arith.constant 48 : index
      %get3A_977 = tpu.vector_load %get3A_975[%get3A_976] {strides = array<i32>} : memref<64xf32, #tpu.memory_space<vmem>>, vector<16xf32>,
      %get3A_978 = arith.constant 0 : i32
      %get3A_979 = tpu.memref_slice %arg10[%add3A_937, %get3A_978] : memref<512x64xf32, #tpu.memory_space<vmem>> -> memref<1x64xf32, #tpu.memory_space<vmem>>
      %get3A_980 = tpu.memref_squeeze %get3A_979 : memref<1x64xf32, #tpu.memory_space<vmem>> -> memref<64xf32, #tpu.memory_space<vmem>>
      %get3A_981 = arith.constant 48 : index
      %get3A_982 = tpu.vector_load %get3A_980[%get3A_981] {strides = array<i32>} : memref<64xf32, #tpu.memory_space<vmem>>, vector<16xf32>,
      %mul3A_983 = arith.mulf %get3A_977, %get3A_982 : vector<16xf32>
      %add3A_984 = arith.addf %add3A_972, %mul3A_983 : vector<16xf32>
      %mul3A_985 = arith.constant 16 : i32
      %mul3A_986 = arith.muli %scan3A_325, %mul3A_985 : i32
      %add3A_987 = arith.constant 12 : i32
      %add3A_988 = arith.addi %mul3A_986, %add3A_987 : i32
      %mul3A_989 = arith.constant 16 : i32
      %mul3A_990 = arith.muli %scan3A_325, %mul3A_989 : i32
      %add3A_991 = arith.constant 12 : i32
      %add3A_992 = arith.addi %mul3A_990, %add3A_991 : i32
      %get3A_993 = arith.constant 0 : i32
      %get3A_994 = tpu.memref_slice %arg9[%add3A_988, %get3A_993] : memref<512x64xf32, #tpu.memory_space<vmem>> -> memref<1x64xf32, #tpu.memory_space<vmem>>
      %get3A_995 = tpu.memref_squeeze %get3A_994 : memref<1x64xf32, #tpu.memory_space<vmem>> -> memref<64xf32, #tpu.memory_space<vmem>>
      %get3A_996 = arith.constant 0 : index
      %get3A_997 = tpu.vector_load %get3A_995[%get3A_996] {strides = array<i32>} : memref<64xf32, #tpu.memory_space<vmem>>, vector<16xf32>,
      %get3A_998 = arith.constant 0 : i32
      %get3A_999 = tpu.memref_slice %arg10[%add3A_992, %get3A_998] : memref<512x64xf32, #tpu.memory_space<vmem>> -> memref<1x64xf32, #tpu.memory_space<vmem>>
      %get3A_1000 = tpu.memref_squeeze %get3A_999 : memref<1x64xf32, #tpu.memory_space<vmem>> -> memref<64xf32, #tpu.memory_space<vmem>>
      %get3A_1001 = arith.constant 0 : index
      %get3A_1002 = tpu.vector_load %get3A_1000[%get3A_1001] {strides = array<i32>} : memref<64xf32, #tpu.memory_space<vmem>>, vector<16xf32>,
      %mul3A_1003 = arith.mulf %get3A_997, %get3A_1002 : vector<16xf32>
      %get3A_1004 = arith.constant 0 : i32
      %get3A_1005 = tpu.memref_slice %arg9[%add3A_988, %get3A_1004] : memref<512x64xf32, #tpu.memory_space<vmem>> -> memref<1x64xf32, #tpu.memory_space<vmem>>
      %get3A_1006 = tpu.memref_squeeze %get3A_1005 : memref<1x64xf32, #tpu.memory_space<vmem>> -> memref<64xf32, #tpu.memory_space<vmem>>
      %get3A_1007 = arith.constant 16 : index
      %get3A_1008 = tpu.vector_load %get3A_1006[%get3A_1007] {strides = array<i32>} : memref<64xf32, #tpu.memory_space<vmem>>, vector<16xf32>,
      %get3A_1009 = arith.constant 0 : i32
      %get3A_1010 = tpu.memref_slice %arg10[%add3A_992, %get3A_1009] : memref<512x64xf32, #tpu.memory_space<vmem>> -> memref<1x64xf32, #tpu.memory_space<vmem>>
      %get3A_1011 = tpu.memref_squeeze %get3A_1010 : memref<1x64xf32, #tpu.memory_space<vmem>> -> memref<64xf32, #tpu.memory_space<vmem>>
      %get3A_1012 = arith.constant 16 : index
      %get3A_1013 = tpu.vector_load %get3A_1011[%get3A_1012] {strides = array<i32>} : memref<64xf32, #tpu.memory_space<vmem>>, vector<16xf32>,
      %mul3A_1014 = arith.mulf %get3A_1008, %get3A_1013 : vector<16xf32>
      %add3A_1015 = arith.addf %mul3A_1003, %mul3A_1014 : vector<16xf32>
      %get3A_1016 = arith.constant 0 : i32
      %get3A_1017 = tpu.memref_slice %arg9[%add3A_988, %get3A_1016] : memref<512x64xf32, #tpu.memory_space<vmem>> -> memref<1x64xf32, #tpu.memory_space<vmem>>
      %get3A_1018 = tpu.memref_squeeze %get3A_1017 : memref<1x64xf32, #tpu.memory_space<vmem>> -> memref<64xf32, #tpu.memory_space<vmem>>
      %get3A_1019 = arith.constant 32 : index
      %get3A_1020 = tpu.vector_load %get3A_1018[%get3A_1019] {strides = array<i32>} : memref<64xf32, #tpu.memory_space<vmem>>, vector<16xf32>,
      %get3A_1021 = arith.constant 0 : i32
      %get3A_1022 = tpu.memref_slice %arg10[%add3A_992, %get3A_1021] : memref<512x64xf32, #tpu.memory_space<vmem>> -> memref<1x64xf32, #tpu.memory_space<vmem>>
      %get3A_1023 = tpu.memref_squeeze %get3A_1022 : memref<1x64xf32, #tpu.memory_space<vmem>> -> memref<64xf32, #tpu.memory_space<vmem>>
      %get3A_1024 = arith.constant 32 : index
      %get3A_1025 = tpu.vector_load %get3A_1023[%get3A_1024] {strides = array<i32>} : memref<64xf32, #tpu.memory_space<vmem>>, vector<16xf32>,
      %mul3A_1026 = arith.mulf %get3A_1020, %get3A_1025 : vector<16xf32>
      %add3A_1027 = arith.addf %add3A_1015, %mul3A_1026 : vector<16xf32>
      %get3A_1028 = arith.constant 0 : i32
      %get3A_1029 = tpu.memref_slice %arg9[%add3A_988, %get3A_1028] : memref<512x64xf32, #tpu.memory_space<vmem>> -> memref<1x64xf32, #tpu.memory_space<vmem>>
      %get3A_1030 = tpu.memref_squeeze %get3A_1029 : memref<1x64xf32, #tpu.memory_space<vmem>> -> memref<64xf32, #tpu.memory_space<vmem>>
      %get3A_1031 = arith.constant 48 : index
      %get3A_1032 = tpu.vector_load %get3A_1030[%get3A_1031] {strides = array<i32>} : memref<64xf32, #tpu.memory_space<vmem>>, vector<16xf32>,
      %get3A_1033 = arith.constant 0 : i32
      %get3A_1034 = tpu.memref_slice %arg10[%add3A_992, %get3A_1033] : memref<512x64xf32, #tpu.memory_space<vmem>> -> memref<1x64xf32, #tpu.memory_space<vmem>>
      %get3A_1035 = tpu.memref_squeeze %get3A_1034 : memref<1x64xf32, #tpu.memory_space<vmem>> -> memref<64xf32, #tpu.memory_space<vmem>>
      %get3A_1036 = arith.constant 48 : index
      %get3A_1037 = tpu.vector_load %get3A_1035[%get3A_1036] {strides = array<i32>} : memref<64xf32, #tpu.memory_space<vmem>>, vector<16xf32>,
      %mul3A_1038 = arith.mulf %get3A_1032, %get3A_1037 : vector<16xf32>
      %add3A_1039 = arith.addf %add3A_1027, %mul3A_1038 : vector<16xf32>
      %mul3A_1040 = arith.constant 16 : i32
      %mul3A_1041 = arith.muli %scan3A_325, %mul3A_1040 : i32
      %add3A_1042 = arith.constant 13 : i32
      %add3A_1043 = arith.addi %mul3A_1041, %add3A_1042 : i32
      %mul3A_1044 = arith.constant 16 : i32
      %mul3A_1045 = arith.muli %scan3A_325, %mul3A_1044 : i32
      %add3A_1046 = arith.constant 13 : i32
      %add3A_1047 = arith.addi %mul3A_1045, %add3A_1046 : i32
      %get3A_1048 = arith.constant 0 : i32
      %get3A_1049 = tpu.memref_slice %arg9[%add3A_1043, %get3A_1048] : memref<512x64xf32, #tpu.memory_space<vmem>> -> memref<1x64xf32, #tpu.memory_space<vmem>>
      %get3A_1050 = tpu.memref_squeeze %get3A_1049 : memref<1x64xf32, #tpu.memory_space<vmem>> -> memref<64xf32, #tpu.memory_space<vmem>>
      %get3A_1051 = arith.constant 0 : index
      %get3A_1052 = tpu.vector_load %get3A_1050[%get3A_1051] {strides = array<i32>} : memref<64xf32, #tpu.memory_space<vmem>>, vector<16xf32>,
      %get3A_1053 = arith.constant 0 : i32
      %get3A_1054 = tpu.memref_slice %arg10[%add3A_1047, %get3A_1053] : memref<512x64xf32, #tpu.memory_space<vmem>> -> memref<1x64xf32, #tpu.memory_space<vmem>>
      %get3A_1055 = tpu.memref_squeeze %get3A_1054 : memref<1x64xf32, #tpu.memory_space<vmem>> -> memref<64xf32, #tpu.memory_space<vmem>>
      %get3A_1056 = arith.constant 0 : index
      %get3A_1057 = tpu.vector_load %get3A_1055[%get3A_1056] {strides = array<i32>} : memref<64xf32, #tpu.memory_space<vmem>>, vector<16xf32>,
      %mul3A_1058 = arith.mulf %get3A_1052, %get3A_1057 : vector<16xf32>
      %get3A_1059 = arith.constant 0 : i32
      %get3A_1060 = tpu.memref_slice %arg9[%add3A_1043, %get3A_1059] : memref<512x64xf32, #tpu.memory_space<vmem>> -> memref<1x64xf32, #tpu.memory_space<vmem>>
      %get3A_1061 = tpu.memref_squeeze %get3A_1060 : memref<1x64xf32, #tpu.memory_space<vmem>> -> memref<64xf32, #tpu.memory_space<vmem>>
      %get3A_1062 = arith.constant 16 : index
      %get3A_1063 = tpu.vector_load %get3A_1061[%get3A_1062] {strides = array<i32>} : memref<64xf32, #tpu.memory_space<vmem>>, vector<16xf32>,
      %get3A_1064 = arith.constant 0 : i32
      %get3A_1065 = tpu.memref_slice %arg10[%add3A_1047, %get3A_1064] : memref<512x64xf32, #tpu.memory_space<vmem>> -> memref<1x64xf32, #tpu.memory_space<vmem>>
      %get3A_1066 = tpu.memref_squeeze %get3A_1065 : memref<1x64xf32, #tpu.memory_space<vmem>> -> memref<64xf32, #tpu.memory_space<vmem>>
      %get3A_1067 = arith.constant 16 : index
      %get3A_1068 = tpu.vector_load %get3A_1066[%get3A_1067] {strides = array<i32>} : memref<64xf32, #tpu.memory_space<vmem>>, vector<16xf32>,
      %mul3A_1069 = arith.mulf %get3A_1063, %get3A_1068 : vector<16xf32>
      %add3A_1070 = arith.addf %mul3A_1058, %mul3A_1069 : vector<16xf32>
      %get3A_1071 = arith.constant 0 : i32
      %get3A_1072 = tpu.memref_slice %arg9[%add3A_1043, %get3A_1071] : memref<512x64xf32, #tpu.memory_space<vmem>> -> memref<1x64xf32, #tpu.memory_space<vmem>>
      %get3A_1073 = tpu.memref_squeeze %get3A_1072 : memref<1x64xf32, #tpu.memory_space<vmem>> -> memref<64xf32, #tpu.memory_space<vmem>>
      %get3A_1074 = arith.constant 32 : index
      %get3A_1075 = tpu.vector_load %get3A_1073[%get3A_1074] {strides = array<i32>} : memref<64xf32, #tpu.memory_space<vmem>>, vector<16xf32>,
      %get3A_1076 = arith.constant 0 : i32
      %get3A_1077 = tpu.memref_slice %arg10[%add3A_1047, %get3A_1076] : memref<512x64xf32, #tpu.memory_space<vmem>> -> memref<1x64xf32, #tpu.memory_space<vmem>>
      %get3A_1078 = tpu.memref_squeeze %get3A_1077 : memref<1x64xf32, #tpu.memory_space<vmem>> -> memref<64xf32, #tpu.memory_space<vmem>>
      %get3A_1079 = arith.constant 32 : index
      %get3A_1080 = tpu.vector_load %get3A_1078[%get3A_1079] {strides = array<i32>} : memref<64xf32, #tpu.memory_space<vmem>>, vector<16xf32>,
      %mul3A_1081 = arith.mulf %get3A_1075, %get3A_1080 : vector<16xf32>
      %add3A_1082 = arith.addf %add3A_1070, %mul3A_1081 : vector<16xf32>
      %get3A_1083 = arith.constant 0 : i32
      %get3A_1084 = tpu.memref_slice %arg9[%add3A_1043, %get3A_1083] : memref<512x64xf32, #tpu.memory_space<vmem>> -> memref<1x64xf32, #tpu.memory_space<vmem>>
      %get3A_1085 = tpu.memref_squeeze %get3A_1084 : memref<1x64xf32, #tpu.memory_space<vmem>> -> memref<64xf32, #tpu.memory_space<vmem>>
      %get3A_1086 = arith.constant 48 : index
      %get3A_1087 = tpu.vector_load %get3A_1085[%get3A_1086] {strides = array<i32>} : memref<64xf32, #tpu.memory_space<vmem>>, vector<16xf32>,
      %get3A_1088 = arith.constant 0 : i32
      %get3A_1089 = tpu.memref_slice %arg10[%add3A_1047, %get3A_1088] : memref<512x64xf32, #tpu.memory_space<vmem>> -> memref<1x64xf32, #tpu.memory_space<vmem>>
      %get3A_1090 = tpu.memref_squeeze %get3A_1089 : memref<1x64xf32, #tpu.memory_space<vmem>> -> memref<64xf32, #tpu.memory_space<vmem>>
      %get3A_1091 = arith.constant 48 : index
      %get3A_1092 = tpu.vector_load %get3A_1090[%get3A_1091] {strides = array<i32>} : memref<64xf32, #tpu.memory_space<vmem>>, vector<16xf32>,
      %mul3A_1093 = arith.mulf %get3A_1087, %get3A_1092 : vector<16xf32>
      %add3A_1094 = arith.addf %add3A_1082, %mul3A_1093 : vector<16xf32>
      %mul3A_1095 = arith.constant 16 : i32
      %mul3A_1096 = arith.muli %scan3A_325, %mul3A_1095 : i32
      %add3A_1097 = arith.constant 14 : i32
      %add3A_1098 = arith.addi %mul3A_1096, %add3A_1097 : i32
      %mul3A_1099 = arith.constant 16 : i32
      %mul3A_1100 = arith.muli %scan3A_325, %mul3A_1099 : i32
      %add3A_1101 = arith.constant 14 : i32
      %add3A_1102 = arith.addi %mul3A_1100, %add3A_1101 : i32
      %get3A_1103 = arith.constant 0 : i32
      %get3A_1104 = tpu.memref_slice %arg9[%add3A_1098, %get3A_1103] : memref<512x64xf32, #tpu.memory_space<vmem>> -> memref<1x64xf32, #tpu.memory_space<vmem>>
      %get3A_1105 = tpu.memref_squeeze %get3A_1104 : memref<1x64xf32, #tpu.memory_space<vmem>> -> memref<64xf32, #tpu.memory_space<vmem>>
      %get3A_1106 = arith.constant 0 : index
      %get3A_1107 = tpu.vector_load %get3A_1105[%get3A_1106] {strides = array<i32>} : memref<64xf32, #tpu.memory_space<vmem>>, vector<16xf32>,
      %get3A_1108 = arith.constant 0 : i32
      %get3A_1109 = tpu.memref_slice %arg10[%add3A_1102, %get3A_1108] : memref<512x64xf32, #tpu.memory_space<vmem>> -> memref<1x64xf32, #tpu.memory_space<vmem>>
      %get3A_1110 = tpu.memref_squeeze %get3A_1109 : memref<1x64xf32, #tpu.memory_space<vmem>> -> memref<64xf32, #tpu.memory_space<vmem>>
      %get3A_1111 = arith.constant 0 : index
      %get3A_1112 = tpu.vector_load %get3A_1110[%get3A_1111] {strides = array<i32>} : memref<64xf32, #tpu.memory_space<vmem>>, vector<16xf32>,
      %mul3A_1113 = arith.mulf %get3A_1107, %get3A_1112 : vector<16xf32>
      %get3A_1114 = arith.constant 0 : i32
      %get3A_1115 = tpu.memref_slice %arg9[%add3A_1098, %get3A_1114] : memref<512x64xf32, #tpu.memory_space<vmem>> -> memref<1x64xf32, #tpu.memory_space<vmem>>
      %get3A_1116 = tpu.memref_squeeze %get3A_1115 : memref<1x64xf32, #tpu.memory_space<vmem>> -> memref<64xf32, #tpu.memory_space<vmem>>
      %get3A_1117 = arith.constant 16 : index
      %get3A_1118 = tpu.vector_load %get3A_1116[%get3A_1117] {strides = array<i32>} : memref<64xf32, #tpu.memory_space<vmem>>, vector<16xf32>,
      %get3A_1119 = arith.constant 0 : i32
      %get3A_1120 = tpu.memref_slice %arg10[%add3A_1102, %get3A_1119] : memref<512x64xf32, #tpu.memory_space<vmem>> -> memref<1x64xf32, #tpu.memory_space<vmem>>
      %get3A_1121 = tpu.memref_squeeze %get3A_1120 : memref<1x64xf32, #tpu.memory_space<vmem>> -> memref<64xf32, #tpu.memory_space<vmem>>
      %get3A_1122 = arith.constant 16 : index
      %get3A_1123 = tpu.vector_load %get3A_1121[%get3A_1122] {strides = array<i32>} : memref<64xf32, #tpu.memory_space<vmem>>, vector<16xf32>,
      %mul3A_1124 = arith.mulf %get3A_1118, %get3A_1123 : vector<16xf32>
      %add3A_1125 = arith.addf %mul3A_1113, %mul3A_1124 : vector<16xf32>
      %get3A_1126 = arith.constant 0 : i32
      %get3A_1127 = tpu.memref_slice %arg9[%add3A_1098, %get3A_1126] : memref<512x64xf32, #tpu.memory_space<vmem>> -> memref<1x64xf32, #tpu.memory_space<vmem>>
      %get3A_1128 = tpu.memref_squeeze %get3A_1127 : memref<1x64xf32, #tpu.memory_space<vmem>> -> memref<64xf32, #tpu.memory_space<vmem>>
      %get3A_1129 = arith.constant 32 : index
      %get3A_1130 = tpu.vector_load %get3A_1128[%get3A_1129] {strides = array<i32>} : memref<64xf32, #tpu.memory_space<vmem>>, vector<16xf32>,
      %get3A_1131 = arith.constant 0 : i32
      %get3A_1132 = tpu.memref_slice %arg10[%add3A_1102, %get3A_1131] : memref<512x64xf32, #tpu.memory_space<vmem>> -> memref<1x64xf32, #tpu.memory_space<vmem>>
      %get3A_1133 = tpu.memref_squeeze %get3A_1132 : memref<1x64xf32, #tpu.memory_space<vmem>> -> memref<64xf32, #tpu.memory_space<vmem>>
      %get3A_1134 = arith.constant 32 : index
      %get3A_1135 = tpu.vector_load %get3A_1133[%get3A_1134] {strides = array<i32>} : memref<64xf32, #tpu.memory_space<vmem>>, vector<16xf32>,
      %mul3A_1136 = arith.mulf %get3A_1130, %get3A_1135 : vector<16xf32>
      %add3A_1137 = arith.addf %add3A_1125, %mul3A_1136 : vector<16xf32>
      %get3A_1138 = arith.constant 0 : i32
      %get3A_1139 = tpu.memref_slice %arg9[%add3A_1098, %get3A_1138] : memref<512x64xf32, #tpu.memory_space<vmem>> -> memref<1x64xf32, #tpu.memory_space<vmem>>
      %get3A_1140 = tpu.memref_squeeze %get3A_1139 : memref<1x64xf32, #tpu.memory_space<vmem>> -> memref<64xf32, #tpu.memory_space<vmem>>
      %get3A_1141 = arith.constant 48 : index
      %get3A_1142 = tpu.vector_load %get3A_1140[%get3A_1141] {strides = array<i32>} : memref<64xf32, #tpu.memory_space<vmem>>, vector<16xf32>,
      %get3A_1143 = arith.constant 0 : i32
      %get3A_1144 = tpu.memref_slice %arg10[%add3A_1102, %get3A_1143] : memref<512x64xf32, #tpu.memory_space<vmem>> -> memref<1x64xf32, #tpu.memory_space<vmem>>
      %get3A_1145 = tpu.memref_squeeze %get3A_1144 : memref<1x64xf32, #tpu.memory_space<vmem>> -> memref<64xf32, #tpu.memory_space<vmem>>
      %get3A_1146 = arith.constant 48 : index
      %get3A_1147 = tpu.vector_load %get3A_1145[%get3A_1146] {strides = array<i32>} : memref<64xf32, #tpu.memory_space<vmem>>, vector<16xf32>,
      %mul3A_1148 = arith.mulf %get3A_1142, %get3A_1147 : vector<16xf32>
      %add3A_1149 = arith.addf %add3A_1137, %mul3A_1148 : vector<16xf32>
      %mul3A_1150 = arith.constant 16 : i32
      %mul3A_1151 = arith.muli %scan3A_325, %mul3A_1150 : i32
      %add3A_1152 = arith.constant 15 : i32
      %add3A_1153 = arith.addi %mul3A_1151, %add3A_1152 : i32
      %mul3A_1154 = arith.constant 16 : i32
      %mul3A_1155 = arith.muli %scan3A_325, %mul3A_1154 : i32
      %add3A_1156 = arith.constant 15 : i32
      %add3A_1157 = arith.addi %mul3A_1155, %add3A_1156 : i32
      %get3A_1158 = arith.constant 0 : i32
      %get3A_1159 = tpu.memref_slice %arg9[%add3A_1153, %get3A_1158] : memref<512x64xf32, #tpu.memory_space<vmem>> -> memref<1x64xf32, #tpu.memory_space<vmem>>
      %get3A_1160 = tpu.memref_squeeze %get3A_1159 : memref<1x64xf32, #tpu.memory_space<vmem>> -> memref<64xf32, #tpu.memory_space<vmem>>
      %get3A_1161 = arith.constant 0 : index
      %get3A_1162 = tpu.vector_load %get3A_1160[%get3A_1161] {strides = array<i32>} : memref<64xf32, #tpu.memory_space<vmem>>, vector<16xf32>,
      %get3A_1163 = arith.constant 0 : i32
      %get3A_1164 = tpu.memref_slice %arg10[%add3A_1157, %get3A_1163] : memref<512x64xf32, #tpu.memory_space<vmem>> -> memref<1x64xf32, #tpu.memory_space<vmem>>
      %get3A_1165 = tpu.memref_squeeze %get3A_1164 : memref<1x64xf32, #tpu.memory_space<vmem>> -> memref<64xf32, #tpu.memory_space<vmem>>
      %get3A_1166 = arith.constant 0 : index
      %get3A_1167 = tpu.vector_load %get3A_1165[%get3A_1166] {strides = array<i32>} : memref<64xf32, #tpu.memory_space<vmem>>, vector<16xf32>,
      %mul3A_1168 = arith.mulf %get3A_1162, %get3A_1167 : vector<16xf32>
      %get3A_1169 = arith.constant 0 : i32
      %get3A_1170 = tpu.memref_slice %arg9[%add3A_1153, %get3A_1169] : memref<512x64xf32, #tpu.memory_space<vmem>> -> memref<1x64xf32, #tpu.memory_space<vmem>>
      %get3A_1171 = tpu.memref_squeeze %get3A_1170 : memref<1x64xf32, #tpu.memory_space<vmem>> -> memref<64xf32, #tpu.memory_space<vmem>>
      %get3A_1172 = arith.constant 16 : index
      %get3A_1173 = tpu.vector_load %get3A_1171[%get3A_1172] {strides = array<i32>} : memref<64xf32, #tpu.memory_space<vmem>>, vector<16xf32>,
      %get3A_1174 = arith.constant 0 : i32
      %get3A_1175 = tpu.memref_slice %arg10[%add3A_1157, %get3A_1174] : memref<512x64xf32, #tpu.memory_space<vmem>> -> memref<1x64xf32, #tpu.memory_space<vmem>>
      %get3A_1176 = tpu.memref_squeeze %get3A_1175 : memref<1x64xf32, #tpu.memory_space<vmem>> -> memref<64xf32, #tpu.memory_space<vmem>>
      %get3A_1177 = arith.constant 16 : index
      %get3A_1178 = tpu.vector_load %get3A_1176[%get3A_1177] {strides = array<i32>} : memref<64xf32, #tpu.memory_space<vmem>>, vector<16xf32>,
      %mul3A_1179 = arith.mulf %get3A_1173, %get3A_1178 : vector<16xf32>
      %add3A_1180 = arith.addf %mul3A_1168, %mul3A_1179 : vector<16xf32>
      %get3A_1181 = arith.constant 0 : i32
      %get3A_1182 = tpu.memref_slice %arg9[%add3A_1153, %get3A_1181] : memref<512x64xf32, #tpu.memory_space<vmem>> -> memref<1x64xf32, #tpu.memory_space<vmem>>
      %get3A_1183 = tpu.memref_squeeze %get3A_1182 : memref<1x64xf32, #tpu.memory_space<vmem>> -> memref<64xf32, #tpu.memory_space<vmem>>
      %get3A_1184 = arith.constant 32 : index
      %get3A_1185 = tpu.vector_load %get3A_1183[%get3A_1184] {strides = array<i32>} : memref<64xf32, #tpu.memory_space<vmem>>, vector<16xf32>,
      %get3A_1186 = arith.constant 0 : i32
      %get3A_1187 = tpu.memref_slice %arg10[%add3A_1157, %get3A_1186] : memref<512x64xf32, #tpu.memory_space<vmem>> -> memref<1x64xf32, #tpu.memory_space<vmem>>
      %get3A_1188 = tpu.memref_squeeze %get3A_1187 : memref<1x64xf32, #tpu.memory_space<vmem>> -> memref<64xf32, #tpu.memory_space<vmem>>
      %get3A_1189 = arith.constant 32 : index
      %get3A_1190 = tpu.vector_load %get3A_1188[%get3A_1189] {strides = array<i32>} : memref<64xf32, #tpu.memory_space<vmem>>, vector<16xf32>,
      %mul3A_1191 = arith.mulf %get3A_1185, %get3A_1190 : vector<16xf32>
      %add3A_1192 = arith.addf %add3A_1180, %mul3A_1191 : vector<16xf32>
      %get3A_1193 = arith.constant 0 : i32
      %get3A_1194 = tpu.memref_slice %arg9[%add3A_1153, %get3A_1193] : memref<512x64xf32, #tpu.memory_space<vmem>> -> memref<1x64xf32, #tpu.memory_space<vmem>>
      %get3A_1195 = tpu.memref_squeeze %get3A_1194 : memref<1x64xf32, #tpu.memory_space<vmem>> -> memref<64xf32, #tpu.memory_space<vmem>>
      %get3A_1196 = arith.constant 48 : index
      %get3A_1197 = tpu.vector_load %get3A_1195[%get3A_1196] {strides = array<i32>} : memref<64xf32, #tpu.memory_space<vmem>>, vector<16xf32>,
      %get3A_1198 = arith.constant 0 : i32
      %get3A_1199 = tpu.memref_slice %arg10[%add3A_1157, %get3A_1198] : memref<512x64xf32, #tpu.memory_space<vmem>> -> memref<1x64xf32, #tpu.memory_space<vmem>>
      %get3A_1200 = tpu.memref_squeeze %get3A_1199 : memref<1x64xf32, #tpu.memory_space<vmem>> -> memref<64xf32, #tpu.memory_space<vmem>>
      %get3A_1201 = arith.constant 48 : index
      %get3A_1202 = tpu.vector_load %get3A_1200[%get3A_1201] {strides = array<i32>} : memref<64xf32, #tpu.memory_space<vmem>>, vector<16xf32>,
      %mul3A_1203 = arith.mulf %get3A_1197, %get3A_1202 : vector<16xf32>
      %add3A_1204 = arith.addf %add3A_1192, %mul3A_1203 : vector<16xf32>
      %xor3A = arith.constant 1 : i32
      %xor3A_1205 = vector.broadcast %xor3A : i32 to vector<16xi32>
      %xor3A_1206 = arith.xori %iota3A, %xor3A_1205 : vector<16xi32>
      %and3A = arith.constant 1 : i32
      %and3A_1207 = vector.broadcast %and3A : i32 to vector<16xi32>
      %and3A_1208 = arith.andi %iota3A, %and3A_1207 : vector<16xi32>
      %eq3A = arith.constant 0 : i32
      %eq3A_1209 = vector.broadcast %eq3A : i32 to vector<16xi32>
      %eq3A_1210 = arith.cmpi eq, %and3A_1208, %eq3A_1209 : vector<16xi32>
      %lt3A = arith.constant 0 : i32
      %lt3A_1211 = vector.broadcast %lt3A : i32 to vector<16xi32>
      %lt3A_1212 = arith.cmpi slt, %xor3A_1206, %lt3A_1211 : vector<16xi32>
      %add3A_1213 = arith.constant 16 : i32
      %add3A_1214 = vector.broadcast %add3A_1213 : i32 to vector<16xi32>
      %add3A_1215 = arith.addi %xor3A_1206, %add3A_1214 : vector<16xi32>
      %select_n3A = arith.select %lt3A_1212, %add3A_1215, %xor3A_1206 : vector<16xi1>, vector<16xi32>
      %broadcast_in_dim3A = vector.shape_cast %select_n3A : vector<16xi32> to vector<16x1xi32>
      %gather3A = vector.shape_cast %broadcast_in_dim3A : vector<16x1xi32> to vector<16xi32>
      %gather3A_1216 = tpu.dynamic_gather %add3A_379[%gather3A] in [0] : vector<16xf32>, vector<16xi32> -> vector<16xf32>
      %lt3A_1217 = arith.constant 0 : i32
      %lt3A_1218 = vector.broadcast %lt3A_1217 : i32 to vector<16xi32>
      %lt3A_1219 = arith.cmpi slt, %xor3A_1206, %lt3A_1218 : vector<16xi32>
      %add3A_1220 = arith.constant 16 : i32
      %add3A_1221 = vector.broadcast %add3A_1220 : i32 to vector<16xi32>
      %add3A_1222 = arith.addi %xor3A_1206, %add3A_1221 : vector<16xi32>
      %select_n3A_1223 = arith.select %lt3A_1219, %add3A_1222, %xor3A_1206 : vector<16xi1>, vector<16xi32>
      %broadcast_in_dim3A_1224 = vector.shape_cast %select_n3A_1223 : vector<16xi32> to vector<16x1xi32>
      %gather3A_1225 = vector.shape_cast %broadcast_in_dim3A_1224 : vector<16x1xi32> to vector<16xi32>
      %gather3A_1226 = tpu.dynamic_gather %add3A_434[%gather3A_1225] in [0] : vector<16xf32>, vector<16xi32> -> vector<16xf32>
      %add3A_1227 = arith.addf %add3A_379, %gather3A_1216 : vector<16xf32>
      %add3A_1228 = arith.addf %add3A_434, %gather3A_1226 : vector<16xf32>
      %select_n3A_1229 = arith.select %eq3A_1210, %add3A_1227, %add3A_1228 : vector<16xi1>, vector<16xf32>
      %lt3A_1230 = arith.constant 0 : i32
      %lt3A_1231 = vector.broadcast %lt3A_1230 : i32 to vector<16xi32>
      %lt3A_1232 = arith.cmpi slt, %xor3A_1206, %lt3A_1231 : vector<16xi32>
      %add3A_1233 = arith.constant 16 : i32
      %add3A_1234 = vector.broadcast %add3A_1233 : i32 to vector<16xi32>
      %add3A_1235 = arith.addi %xor3A_1206, %add3A_1234 : vector<16xi32>
      %select_n3A_1236 = arith.select %lt3A_1232, %add3A_1235, %xor3A_1206 : vector<16xi1>, vector<16xi32>
      %broadcast_in_dim3A_1237 = vector.shape_cast %select_n3A_1236 : vector<16xi32> to vector<16x1xi32>
      %gather3A_1238 = vector.shape_cast %broadcast_in_dim3A_1237 : vector<16x1xi32> to vector<16xi32>
      %gather3A_1239 = tpu.dynamic_gather %add3A_489[%gather3A_1238] in [0] : vector<16xf32>, vector<16xi32> -> vector<16xf32>
      %lt3A_1240 = arith.constant 0 : i32
      %lt3A_1241 = vector.broadcast %lt3A_1240 : i32 to vector<16xi32>
      %lt3A_1242 = arith.cmpi slt, %xor3A_1206, %lt3A_1241 : vector<16xi32>
      %add3A_1243 = arith.constant 16 : i32
      %add3A_1244 = vector.broadcast %add3A_1243 : i32 to vector<16xi32>
      %add3A_1245 = arith.addi %xor3A_1206, %add3A_1244 : vector<16xi32>
      %select_n3A_1246 = arith.select %lt3A_1242, %add3A_1245, %xor3A_1206 : vector<16xi1>, vector<16xi32>
      %broadcast_in_dim3A_1247 = vector.shape_cast %select_n3A_1246 : vector<16xi32> to vector<16x1xi32>
      %gather3A_1248 = vector.shape_cast %broadcast_in_dim3A_1247 : vector<16x1xi32> to vector<16xi32>
      %gather3A_1249 = tpu.dynamic_gather %add3A_544[%gather3A_1248] in [0] : vector<16xf32>, vector<16xi32> -> vector<16xf32>
      %add3A_1250 = arith.addf %add3A_489, %gather3A_1239 : vector<16xf32>
      %add3A_1251 = arith.addf %add3A_544, %gather3A_1249 : vector<16xf32>
      %select_n3A_1252 = arith.select %eq3A_1210, %add3A_1250, %add3A_1251 : vector<16xi1>, vector<16xf32>
      %lt3A_1253 = arith.constant 0 : i32
      %lt3A_1254 = vector.broadcast %lt3A_1253 : i32 to vector<16xi32>
      %lt3A_1255 = arith.cmpi slt, %xor3A_1206, %lt3A_1254 : vector<16xi32>
      %add3A_1256 = arith.constant 16 : i32
      %add3A_1257 = vector.broadcast %add3A_1256 : i32 to vector<16xi32>
      %add3A_1258 = arith.addi %xor3A_1206, %add3A_1257 : vector<16xi32>
      %select_n3A_1259 = arith.select %lt3A_1255, %add3A_1258, %xor3A_1206 : vector<16xi1>, vector<16xi32>
      %broadcast_in_dim3A_1260 = vector.shape_cast %select_n3A_1259 : vector<16xi32> to vector<16x1xi32>
      %gather3A_1261 = vector.shape_cast %broadcast_in_dim3A_1260 : vector<16x1xi32> to vector<16xi32>
      %gather3A_1262 = tpu.dynamic_gather %add3A_599[%gather3A_1261] in [0] : vector<16xf32>, vector<16xi32> -> vector<16xf32>
      %lt3A_1263 = arith.constant 0 : i32
      %lt3A_1264 = vector.broadcast %lt3A_1263 : i32 to vector<16xi32>
      %lt3A_1265 = arith.cmpi slt, %xor3A_1206, %lt3A_1264 : vector<16xi32>
      %add3A_1266 = arith.constant 16 : i32
      %add3A_1267 = vector.broadcast %add3A_1266 : i32 to vector<16xi32>
      %add3A_1268 = arith.addi %xor3A_1206, %add3A_1267 : vector<16xi32>
      %select_n3A_1269 = arith.select %lt3A_1265, %add3A_1268, %xor3A_1206 : vector<16xi1>, vector<16xi32>
      %broadcast_in_dim3A_1270 = vector.shape_cast %select_n3A_1269 : vector<16xi32> to vector<16x1xi32>
      %gather3A_1271 = vector.shape_cast %broadcast_in_dim3A_1270 : vector<16x1xi32> to vector<16xi32>
      %gather3A_1272 = tpu.dynamic_gather %add3A_654[%gather3A_1271] in [0] : vector<16xf32>, vector<16xi32> -> vector<16xf32>
      %add3A_1273 = arith.addf %add3A_599, %gather3A_1262 : vector<16xf32>
      %add3A_1274 = arith.addf %add3A_654, %gather3A_1272 : vector<16xf32>
      %select_n3A_1275 = arith.select %eq3A_1210, %add3A_1273, %add3A_1274 : vector<16xi1>, vector<16xf32>
      %lt3A_1276 = arith.constant 0 : i32
      %lt3A_1277 = vector.broadcast %lt3A_1276 : i32 to vector<16xi32>
      %lt3A_1278 = arith.cmpi slt, %xor3A_1206, %lt3A_1277 : vector<16xi32>
      %add3A_1279 = arith.constant 16 : i32
      %add3A_1280 = vector.broadcast %add3A_1279 : i32 to vector<16xi32>
      %add3A_1281 = arith.addi %xor3A_1206, %add3A_1280 : vector<16xi32>
      %select_n3A_1282 = arith.select %lt3A_1278, %add3A_1281, %xor3A_1206 : vector<16xi1>, vector<16xi32>
      %broadcast_in_dim3A_1283 = vector.shape_cast %select_n3A_1282 : vector<16xi32> to vector<16x1xi32>
      %gather3A_1284 = vector.shape_cast %broadcast_in_dim3A_1283 : vector<16x1xi32> to vector<16xi32>
      %gather3A_1285 = tpu.dynamic_gather %add3A_709[%gather3A_1284] in [0] : vector<16xf32>, vector<16xi32> -> vector<16xf32>
      %lt3A_1286 = arith.constant 0 : i32
      %lt3A_1287 = vector.broadcast %lt3A_1286 : i32 to vector<16xi32>
      %lt3A_1288 = arith.cmpi slt, %xor3A_1206, %lt3A_1287 : vector<16xi32>
      %add3A_1289 = arith.constant 16 : i32
      %add3A_1290 = vector.broadcast %add3A_1289 : i32 to vector<16xi32>
      %add3A_1291 = arith.addi %xor3A_1206, %add3A_1290 : vector<16xi32>
      %select_n3A_1292 = arith.select %lt3A_1288, %add3A_1291, %xor3A_1206 : vector<16xi1>, vector<16xi32>
      %broadcast_in_dim3A_1293 = vector.shape_cast %select_n3A_1292 : vector<16xi32> to vector<16x1xi32>
      %gather3A_1294 = vector.shape_cast %broadcast_in_dim3A_1293 : vector<16x1xi32> to vector<16xi32>
      %gather3A_1295 = tpu.dynamic_gather %add3A_764[%gather3A_1294] in [0] : vector<16xf32>, vector<16xi32> -> vector<16xf32>
      %add3A_1296 = arith.addf %add3A_709, %gather3A_1285 : vector<16xf32>
      %add3A_1297 = arith.addf %add3A_764, %gather3A_1295 : vector<16xf32>
      %select_n3A_1298 = arith.select %eq3A_1210, %add3A_1296, %add3A_1297 : vector<16xi1>, vector<16xf32>
      %lt3A_1299 = arith.constant 0 : i32
      %lt3A_1300 = vector.broadcast %lt3A_1299 : i32 to vector<16xi32>
      %lt3A_1301 = arith.cmpi slt, %xor3A_1206, %lt3A_1300 : vector<16xi32>
      %add3A_1302 = arith.constant 16 : i32
      %add3A_1303 = vector.broadcast %add3A_1302 : i32 to vector<16xi32>
      %add3A_1304 = arith.addi %xor3A_1206, %add3A_1303 : vector<16xi32>
      %select_n3A_1305 = arith.select %lt3A_1301, %add3A_1304, %xor3A_1206 : vector<16xi1>, vector<16xi32>
      %broadcast_in_dim3A_1306 = vector.shape_cast %select_n3A_1305 : vector<16xi32> to vector<16x1xi32>
      %gather3A_1307 = vector.shape_cast %broadcast_in_dim3A_1306 : vector<16x1xi32> to vector<16xi32>
      %gather3A_1308 = tpu.dynamic_gather %add3A_819[%gather3A_1307] in [0] : vector<16xf32>, vector<16xi32> -> vector<16xf32>
      %lt3A_1309 = arith.constant 0 : i32
      %lt3A_1310 = vector.broadcast %lt3A_1309 : i32 to vector<16xi32>
      %lt3A_1311 = arith.cmpi slt, %xor3A_1206, %lt3A_1310 : vector<16xi32>
      %add3A_1312 = arith.constant 16 : i32
      %add3A_1313 = vector.broadcast %add3A_1312 : i32 to vector<16xi32>
      %add3A_1314 = arith.addi %xor3A_1206, %add3A_1313 : vector<16xi32>
      %select_n3A_1315 = arith.select %lt3A_1311, %add3A_1314, %xor3A_1206 : vector<16xi1>, vector<16xi32>
      %broadcast_in_dim3A_1316 = vector.shape_cast %select_n3A_1315 : vector<16xi32> to vector<16x1xi32>
      %gather3A_1317 = vector.shape_cast %broadcast_in_dim3A_1316 : vector<16x1xi32> to vector<16xi32>
      %gather3A_1318 = tpu.dynamic_gather %add3A_874[%gather3A_1317] in [0] : vector<16xf32>, vector<16xi32> -> vector<16xf32>
      %add3A_1319 = arith.addf %add3A_819, %gather3A_1308 : vector<16xf32>
      %add3A_1320 = arith.addf %add3A_874, %gather3A_1318 : vector<16xf32>
      %select_n3A_1321 = arith.select %eq3A_1210, %add3A_1319, %add3A_1320 : vector<16xi1>, vector<16xf32>
      %lt3A_1322 = arith.constant 0 : i32
      %lt3A_1323 = vector.broadcast %lt3A_1322 : i32 to vector<16xi32>
      %lt3A_1324 = arith.cmpi slt, %xor3A_1206, %lt3A_1323 : vector<16xi32>
      %add3A_1325 = arith.constant 16 : i32
      %add3A_1326 = vector.broadcast %add3A_1325 : i32 to vector<16xi32>
      %add3A_1327 = arith.addi %xor3A_1206, %add3A_1326 : vector<16xi32>
      %select_n3A_1328 = arith.select %lt3A_1324, %add3A_1327, %xor3A_1206 : vector<16xi1>, vector<16xi32>
      %broadcast_in_dim3A_1329 = vector.shape_cast %select_n3A_1328 : vector<16xi32> to vector<16x1xi32>
      %gather3A_1330 = vector.shape_cast %broadcast_in_dim3A_1329 : vector<16x1xi32> to vector<16xi32>
      %gather3A_1331 = tpu.dynamic_gather %add3A_929[%gather3A_1330] in [0] : vector<16xf32>, vector<16xi32> -> vector<16xf32>
      %lt3A_1332 = arith.constant 0 : i32
      %lt3A_1333 = vector.broadcast %lt3A_1332 : i32 to vector<16xi32>
      %lt3A_1334 = arith.cmpi slt, %xor3A_1206, %lt3A_1333 : vector<16xi32>
      %add3A_1335 = arith.constant 16 : i32
      %add3A_1336 = vector.broadcast %add3A_1335 : i32 to vector<16xi32>
      %add3A_1337 = arith.addi %xor3A_1206, %add3A_1336 : vector<16xi32>
      %select_n3A_1338 = arith.select %lt3A_1334, %add3A_1337, %xor3A_1206 : vector<16xi1>, vector<16xi32>
      %broadcast_in_dim3A_1339 = vector.shape_cast %select_n3A_1338 : vector<16xi32> to vector<16x1xi32>
      %gather3A_1340 = vector.shape_cast %broadcast_in_dim3A_1339 : vector<16x1xi32> to vector<16xi32>
      %gather3A_1341 = tpu.dynamic_gather %add3A_984[%gather3A_1340] in [0] : vector<16xf32>, vector<16xi32> -> vector<16xf32>
      %add3A_1342 = arith.addf %add3A_929, %gather3A_1331 : vector<16xf32>
      %add3A_1343 = arith.addf %add3A_984, %gather3A_1341 : vector<16xf32>
      %select_n3A_1344 = arith.select %eq3A_1210, %add3A_1342, %add3A_1343 : vector<16xi1>, vector<16xf32>
      %lt3A_1345 = arith.constant 0 : i32
      %lt3A_1346 = vector.broadcast %lt3A_1345 : i32 to vector<16xi32>
      %lt3A_1347 = arith.cmpi slt, %xor3A_1206, %lt3A_1346 : vector<16xi32>
      %add3A_1348 = arith.constant 16 : i32
      %add3A_1349 = vector.broadcast %add3A_1348 : i32 to vector<16xi32>
      %add3A_1350 = arith.addi %xor3A_1206, %add3A_1349 : vector<16xi32>
      %select_n3A_1351 = arith.select %lt3A_1347, %add3A_1350, %xor3A_1206 : vector<16xi1>, vector<16xi32>
      %broadcast_in_dim3A_1352 = vector.shape_cast %select_n3A_1351 : vector<16xi32> to vector<16x1xi32>
      %gather3A_1353 = vector.shape_cast %broadcast_in_dim3A_1352 : vector<16x1xi32> to vector<16xi32>
      %gather3A_1354 = tpu.dynamic_gather %add3A_1039[%gather3A_1353] in [0] : vector<16xf32>, vector<16xi32> -> vector<16xf32>
      %lt3A_1355 = arith.constant 0 : i32
      %lt3A_1356 = vector.broadcast %lt3A_1355 : i32 to vector<16xi32>
      %lt3A_1357 = arith.cmpi slt, %xor3A_1206, %lt3A_1356 : vector<16xi32>
      %add3A_1358 = arith.constant 16 : i32
      %add3A_1359 = vector.broadcast %add3A_1358 : i32 to vector<16xi32>
      %add3A_1360 = arith.addi %xor3A_1206, %add3A_1359 : vector<16xi32>
      %select_n3A_1361 = arith.select %lt3A_1357, %add3A_1360, %xor3A_1206 : vector<16xi1>, vector<16xi32>
      %broadcast_in_dim3A_1362 = vector.shape_cast %select_n3A_1361 : vector<16xi32> to vector<16x1xi32>
      %gather3A_1363 = vector.shape_cast %broadcast_in_dim3A_1362 : vector<16x1xi32> to vector<16xi32>
      %gather3A_1364 = tpu.dynamic_gather %add3A_1094[%gather3A_1363] in [0] : vector<16xf32>, vector<16xi32> -> vector<16xf32>
      %add3A_1365 = arith.addf %add3A_1039, %gather3A_1354 : vector<16xf32>
      %add3A_1366 = arith.addf %add3A_1094, %gather3A_1364 : vector<16xf32>
      %select_n3A_1367 = arith.select %eq3A_1210, %add3A_1365, %add3A_1366 : vector<16xi1>, vector<16xf32>
      %lt3A_1368 = arith.constant 0 : i32
      %lt3A_1369 = vector.broadcast %lt3A_1368 : i32 to vector<16xi32>
      %lt3A_1370 = arith.cmpi slt, %xor3A_1206, %lt3A_1369 : vector<16xi32>
      %add3A_1371 = arith.constant 16 : i32
      %add3A_1372 = vector.broadcast %add3A_1371 : i32 to vector<16xi32>
      %add3A_1373 = arith.addi %xor3A_1206, %add3A_1372 : vector<16xi32>
      %select_n3A_1374 = arith.select %lt3A_1370, %add3A_1373, %xor3A_1206 : vector<16xi1>, vector<16xi32>
      %broadcast_in_dim3A_1375 = vector.shape_cast %select_n3A_1374 : vector<16xi32> to vector<16x1xi32>
      %gather3A_1376 = vector.shape_cast %broadcast_in_dim3A_1375 : vector<16x1xi32> to vector<16xi32>
      %gather3A_1377 = tpu.dynamic_gather %add3A_1149[%gather3A_1376] in [0] : vector<16xf32>, vector<16xi32> -> vector<16xf32>
      %lt3A_1378 = arith.constant 0 : i32
      %lt3A_1379 = vector.broadcast %lt3A_1378 : i32 to vector<16xi32>
      %lt3A_1380 = arith.cmpi slt, %xor3A_1206, %lt3A_1379 : vector<16xi32>
      %add3A_1381 = arith.constant 16 : i32
      %add3A_1382 = vector.broadcast %add3A_1381 : i32 to vector<16xi32>
      %add3A_1383 = arith.addi %xor3A_1206, %add3A_1382 : vector<16xi32>
      %select_n3A_1384 = arith.select %lt3A_1380, %add3A_1383, %xor3A_1206 : vector<16xi1>, vector<16xi32>
      %broadcast_in_dim3A_1385 = vector.shape_cast %select_n3A_1384 : vector<16xi32> to vector<16x1xi32>
      %gather3A_1386 = vector.shape_cast %broadcast_in_dim3A_1385 : vector<16x1xi32> to vector<16xi32>
      %gather3A_1387 = tpu.dynamic_gather %add3A_1204[%gather3A_1386] in [0] : vector<16xf32>, vector<16xi32> -> vector<16xf32>
      %add3A_1388 = arith.addf %add3A_1149, %gather3A_1377 : vector<16xf32>
      %add3A_1389 = arith.addf %add3A_1204, %gather3A_1387 : vector<16xf32>
      %select_n3A_1390 = arith.select %eq3A_1210, %add3A_1388, %add3A_1389 : vector<16xi1>, vector<16xf32>
      %xor3A_1391 = arith.constant 2 : i32
      %xor3A_1392 = vector.broadcast %xor3A_1391 : i32 to vector<16xi32>
      %xor3A_1393 = arith.xori %iota3A, %xor3A_1392 : vector<16xi32>
      %and3A_1394 = arith.constant 2 : i32
      %and3A_1395 = vector.broadcast %and3A_1394 : i32 to vector<16xi32>
      %and3A_1396 = arith.andi %iota3A, %and3A_1395 : vector<16xi32>
      %eq3A_1397 = arith.constant 0 : i32
      %eq3A_1398 = vector.broadcast %eq3A_1397 : i32 to vector<16xi32>
      %eq3A_1399 = arith.cmpi eq, %and3A_1396, %eq3A_1398 : vector<16xi32>
      %lt3A_1400 = arith.constant 0 : i32
      %lt3A_1401 = vector.broadcast %lt3A_1400 : i32 to vector<16xi32>
      %lt3A_1402 = arith.cmpi slt, %xor3A_1393, %lt3A_1401 : vector<16xi32>
      %add3A_1403 = arith.constant 16 : i32
      %add3A_1404 = vector.broadcast %add3A_1403 : i32 to vector<16xi32>
      %add3A_1405 = arith.addi %xor3A_1393, %add3A_1404 : vector<16xi32>
      %select_n3A_1406 = arith.select %lt3A_1402, %add3A_1405, %xor3A_1393 : vector<16xi1>, vector<16xi32>
      %broadcast_in_dim3A_1407 = vector.shape_cast %select_n3A_1406 : vector<16xi32> to vector<16x1xi32>
      %gather3A_1408 = vector.shape_cast %broadcast_in_dim3A_1407 : vector<16x1xi32> to vector<16xi32>
      %gather3A_1409 = tpu.dynamic_gather %select_n3A_1229[%gather3A_1408] in [0] : vector<16xf32>, vector<16xi32> -> vector<16xf32>
      %lt3A_1410 = arith.constant 0 : i32
      %lt3A_1411 = vector.broadcast %lt3A_1410 : i32 to vector<16xi32>
      %lt3A_1412 = arith.cmpi slt, %xor3A_1393, %lt3A_1411 : vector<16xi32>
      %add3A_1413 = arith.constant 16 : i32
      %add3A_1414 = vector.broadcast %add3A_1413 : i32 to vector<16xi32>
      %add3A_1415 = arith.addi %xor3A_1393, %add3A_1414 : vector<16xi32>
      %select_n3A_1416 = arith.select %lt3A_1412, %add3A_1415, %xor3A_1393 : vector<16xi1>, vector<16xi32>
      %broadcast_in_dim3A_1417 = vector.shape_cast %select_n3A_1416 : vector<16xi32> to vector<16x1xi32>
      %gather3A_1418 = vector.shape_cast %broadcast_in_dim3A_1417 : vector<16x1xi32> to vector<16xi32>
      %gather3A_1419 = tpu.dynamic_gather %select_n3A_1252[%gather3A_1418] in [0] : vector<16xf32>, vector<16xi32> -> vector<16xf32>
      %add3A_1420 = arith.addf %select_n3A_1229, %gather3A_1409 : vector<16xf32>
      %add3A_1421 = arith.addf %select_n3A_1252, %gather3A_1419 : vector<16xf32>
      %select_n3A_1422 = arith.select %eq3A_1399, %add3A_1420, %add3A_1421 : vector<16xi1>, vector<16xf32>
      %lt3A_1423 = arith.constant 0 : i32
      %lt3A_1424 = vector.broadcast %lt3A_1423 : i32 to vector<16xi32>
      %lt3A_1425 = arith.cmpi slt, %xor3A_1393, %lt3A_1424 : vector<16xi32>
      %add3A_1426 = arith.constant 16 : i32
      %add3A_1427 = vector.broadcast %add3A_1426 : i32 to vector<16xi32>
      %add3A_1428 = arith.addi %xor3A_1393, %add3A_1427 : vector<16xi32>
      %select_n3A_1429 = arith.select %lt3A_1425, %add3A_1428, %xor3A_1393 : vector<16xi1>, vector<16xi32>
      %broadcast_in_dim3A_1430 = vector.shape_cast %select_n3A_1429 : vector<16xi32> to vector<16x1xi32>
      %gather3A_1431 = vector.shape_cast %broadcast_in_dim3A_1430 : vector<16x1xi32> to vector<16xi32>
      %gather3A_1432 = tpu.dynamic_gather %select_n3A_1275[%gather3A_1431] in [0] : vector<16xf32>, vector<16xi32> -> vector<16xf32>
      %lt3A_1433 = arith.constant 0 : i32
      %lt3A_1434 = vector.broadcast %lt3A_1433 : i32 to vector<16xi32>
      %lt3A_1435 = arith.cmpi slt, %xor3A_1393, %lt3A_1434 : vector<16xi32>
      %add3A_1436 = arith.constant 16 : i32
      %add3A_1437 = vector.broadcast %add3A_1436 : i32 to vector<16xi32>
      %add3A_1438 = arith.addi %xor3A_1393, %add3A_1437 : vector<16xi32>
      %select_n3A_1439 = arith.select %lt3A_1435, %add3A_1438, %xor3A_1393 : vector<16xi1>, vector<16xi32>
      %broadcast_in_dim3A_1440 = vector.shape_cast %select_n3A_1439 : vector<16xi32> to vector<16x1xi32>
      %gather3A_1441 = vector.shape_cast %broadcast_in_dim3A_1440 : vector<16x1xi32> to vector<16xi32>
      %gather3A_1442 = tpu.dynamic_gather %select_n3A_1298[%gather3A_1441] in [0] : vector<16xf32>, vector<16xi32> -> vector<16xf32>
      %add3A_1443 = arith.addf %select_n3A_1275, %gather3A_1432 : vector<16xf32>
      %add3A_1444 = arith.addf %select_n3A_1298, %gather3A_1442 : vector<16xf32>
      %select_n3A_1445 = arith.select %eq3A_1399, %add3A_1443, %add3A_1444 : vector<16xi1>, vector<16xf32>
      %lt3A_1446 = arith.constant 0 : i32
      %lt3A_1447 = vector.broadcast %lt3A_1446 : i32 to vector<16xi32>
      %lt3A_1448 = arith.cmpi slt, %xor3A_1393, %lt3A_1447 : vector<16xi32>
      %add3A_1449 = arith.constant 16 : i32
      %add3A_1450 = vector.broadcast %add3A_1449 : i32 to vector<16xi32>
      %add3A_1451 = arith.addi %xor3A_1393, %add3A_1450 : vector<16xi32>
      %select_n3A_1452 = arith.select %lt3A_1448, %add3A_1451, %xor3A_1393 : vector<16xi1>, vector<16xi32>
      %broadcast_in_dim3A_1453 = vector.shape_cast %select_n3A_1452 : vector<16xi32> to vector<16x1xi32>
      %gather3A_1454 = vector.shape_cast %broadcast_in_dim3A_1453 : vector<16x1xi32> to vector<16xi32>
      %gather3A_1455 = tpu.dynamic_gather %select_n3A_1321[%gather3A_1454] in [0] : vector<16xf32>, vector<16xi32> -> vector<16xf32>
      %lt3A_1456 = arith.constant 0 : i32
      %lt3A_1457 = vector.broadcast %lt3A_1456 : i32 to vector<16xi32>
      %lt3A_1458 = arith.cmpi slt, %xor3A_1393, %lt3A_1457 : vector<16xi32>
      %add3A_1459 = arith.constant 16 : i32
      %add3A_1460 = vector.broadcast %add3A_1459 : i32 to vector<16xi32>
      %add3A_1461 = arith.addi %xor3A_1393, %add3A_1460 : vector<16xi32>
      %select_n3A_1462 = arith.select %lt3A_1458, %add3A_1461, %xor3A_1393 : vector<16xi1>, vector<16xi32>
      %broadcast_in_dim3A_1463 = vector.shape_cast %select_n3A_1462 : vector<16xi32> to vector<16x1xi32>
      %gather3A_1464 = vector.shape_cast %broadcast_in_dim3A_1463 : vector<16x1xi32> to vector<16xi32>
      %gather3A_1465 = tpu.dynamic_gather %select_n3A_1344[%gather3A_1464] in [0] : vector<16xf32>, vector<16xi32> -> vector<16xf32>
      %add3A_1466 = arith.addf %select_n3A_1321, %gather3A_1455 : vector<16xf32>
      %add3A_1467 = arith.addf %select_n3A_1344, %gather3A_1465 : vector<16xf32>
      %select_n3A_1468 = arith.select %eq3A_1399, %add3A_1466, %add3A_1467 : vector<16xi1>, vector<16xf32>
      %lt3A_1469 = arith.constant 0 : i32
      %lt3A_1470 = vector.broadcast %lt3A_1469 : i32 to vector<16xi32>
      %lt3A_1471 = arith.cmpi slt, %xor3A_1393, %lt3A_1470 : vector<16xi32>
      %add3A_1472 = arith.constant 16 : i32
      %add3A_1473 = vector.broadcast %add3A_1472 : i32 to vector<16xi32>
      %add3A_1474 = arith.addi %xor3A_1393, %add3A_1473 : vector<16xi32>
      %select_n3A_1475 = arith.select %lt3A_1471, %add3A_1474, %xor3A_1393 : vector<16xi1>, vector<16xi32>
      %broadcast_in_dim3A_1476 = vector.shape_cast %select_n3A_1475 : vector<16xi32> to vector<16x1xi32>
      %gather3A_1477 = vector.shape_cast %broadcast_in_dim3A_1476 : vector<16x1xi32> to vector<16xi32>
      %gather3A_1478 = tpu.dynamic_gather %select_n3A_1367[%gather3A_1477] in [0] : vector<16xf32>, vector<16xi32> -> vector<16xf32>
      %lt3A_1479 = arith.constant 0 : i32
      %lt3A_1480 = vector.broadcast %lt3A_1479 : i32 to vector<16xi32>
      %lt3A_1481 = arith.cmpi slt, %xor3A_1393, %lt3A_1480 : vector<16xi32>
      %add3A_1482 = arith.constant 16 : i32
      %add3A_1483 = vector.broadcast %add3A_1482 : i32 to vector<16xi32>
      %add3A_1484 = arith.addi %xor3A_1393, %add3A_1483 : vector<16xi32>
      %select_n3A_1485 = arith.select %lt3A_1481, %add3A_1484, %xor3A_1393 : vector<16xi1>, vector<16xi32>
      %broadcast_in_dim3A_1486 = vector.shape_cast %select_n3A_1485 : vector<16xi32> to vector<16x1xi32>
      %gather3A_1487 = vector.shape_cast %broadcast_in_dim3A_1486 : vector<16x1xi32> to vector<16xi32>
      %gather3A_1488 = tpu.dynamic_gather %select_n3A_1390[%gather3A_1487] in [0] : vector<16xf32>, vector<16xi32> -> vector<16xf32>
      %add3A_1489 = arith.addf %select_n3A_1367, %gather3A_1478 : vector<16xf32>
      %add3A_1490 = arith.addf %select_n3A_1390, %gather3A_1488 : vector<16xf32>
      %select_n3A_1491 = arith.select %eq3A_1399, %add3A_1489, %add3A_1490 : vector<16xi1>, vector<16xf32>
      %xor3A_1492 = arith.constant 4 : i32
      %xor3A_1493 = vector.broadcast %xor3A_1492 : i32 to vector<16xi32>
      %xor3A_1494 = arith.xori %iota3A, %xor3A_1493 : vector<16xi32>
      %and3A_1495 = arith.constant 4 : i32
      %and3A_1496 = vector.broadcast %and3A_1495 : i32 to vector<16xi32>
      %and3A_1497 = arith.andi %iota3A, %and3A_1496 : vector<16xi32>
      %eq3A_1498 = arith.constant 0 : i32
      %eq3A_1499 = vector.broadcast %eq3A_1498 : i32 to vector<16xi32>
      %eq3A_1500 = arith.cmpi eq, %and3A_1497, %eq3A_1499 : vector<16xi32>
      %lt3A_1501 = arith.constant 0 : i32
      %lt3A_1502 = vector.broadcast %lt3A_1501 : i32 to vector<16xi32>
      %lt3A_1503 = arith.cmpi slt, %xor3A_1494, %lt3A_1502 : vector<16xi32>
      %add3A_1504 = arith.constant 16 : i32
      %add3A_1505 = vector.broadcast %add3A_1504 : i32 to vector<16xi32>
      %add3A_1506 = arith.addi %xor3A_1494, %add3A_1505 : vector<16xi32>
      %select_n3A_1507 = arith.select %lt3A_1503, %add3A_1506, %xor3A_1494 : vector<16xi1>, vector<16xi32>
      %broadcast_in_dim3A_1508 = vector.shape_cast %select_n3A_1507 : vector<16xi32> to vector<16x1xi32>
      %gather3A_1509 = vector.shape_cast %broadcast_in_dim3A_1508 : vector<16x1xi32> to vector<16xi32>
      %gather3A_1510 = tpu.dynamic_gather %select_n3A_1422[%gather3A_1509] in [0] : vector<16xf32>, vector<16xi32> -> vector<16xf32>
      %lt3A_1511 = arith.constant 0 : i32
      %lt3A_1512 = vector.broadcast %lt3A_1511 : i32 to vector<16xi32>
      %lt3A_1513 = arith.cmpi slt, %xor3A_1494, %lt3A_1512 : vector<16xi32>
      %add3A_1514 = arith.constant 16 : i32
      %add3A_1515 = vector.broadcast %add3A_1514 : i32 to vector<16xi32>
      %add3A_1516 = arith.addi %xor3A_1494, %add3A_1515 : vector<16xi32>
      %select_n3A_1517 = arith.select %lt3A_1513, %add3A_1516, %xor3A_1494 : vector<16xi1>, vector<16xi32>
      %broadcast_in_dim3A_1518 = vector.shape_cast %select_n3A_1517 : vector<16xi32> to vector<16x1xi32>
      %gather3A_1519 = vector.shape_cast %broadcast_in_dim3A_1518 : vector<16x1xi32> to vector<16xi32>
      %gather3A_1520 = tpu.dynamic_gather %select_n3A_1445[%gather3A_1519] in [0] : vector<16xf32>, vector<16xi32> -> vector<16xf32>
      %add3A_1521 = arith.addf %select_n3A_1422, %gather3A_1510 : vector<16xf32>
      %add3A_1522 = arith.addf %select_n3A_1445, %gather3A_1520 : vector<16xf32>
      %select_n3A_1523 = arith.select %eq3A_1500, %add3A_1521, %add3A_1522 : vector<16xi1>, vector<16xf32>
      %lt3A_1524 = arith.constant 0 : i32
      %lt3A_1525 = vector.broadcast %lt3A_1524 : i32 to vector<16xi32>
      %lt3A_1526 = arith.cmpi slt, %xor3A_1494, %lt3A_1525 : vector<16xi32>
      %add3A_1527 = arith.constant 16 : i32
      %add3A_1528 = vector.broadcast %add3A_1527 : i32 to vector<16xi32>
      %add3A_1529 = arith.addi %xor3A_1494, %add3A_1528 : vector<16xi32>
      %select_n3A_1530 = arith.select %lt3A_1526, %add3A_1529, %xor3A_1494 : vector<16xi1>, vector<16xi32>
      %broadcast_in_dim3A_1531 = vector.shape_cast %select_n3A_1530 : vector<16xi32> to vector<16x1xi32>
      %gather3A_1532 = vector.shape_cast %broadcast_in_dim3A_1531 : vector<16x1xi32> to vector<16xi32>
      %gather3A_1533 = tpu.dynamic_gather %select_n3A_1468[%gather3A_1532] in [0] : vector<16xf32>, vector<16xi32> -> vector<16xf32>
      %lt3A_1534 = arith.constant 0 : i32
      %lt3A_1535 = vector.broadcast %lt3A_1534 : i32 to vector<16xi32>
      %lt3A_1536 = arith.cmpi slt, %xor3A_1494, %lt3A_1535 : vector<16xi32>
      %add3A_1537 = arith.constant 16 : i32
      %add3A_1538 = vector.broadcast %add3A_1537 : i32 to vector<16xi32>
      %add3A_1539 = arith.addi %xor3A_1494, %add3A_1538 : vector<16xi32>
      %select_n3A_1540 = arith.select %lt3A_1536, %add3A_1539, %xor3A_1494 : vector<16xi1>, vector<16xi32>
      %broadcast_in_dim3A_1541 = vector.shape_cast %select_n3A_1540 : vector<16xi32> to vector<16x1xi32>
      %gather3A_1542 = vector.shape_cast %broadcast_in_dim3A_1541 : vector<16x1xi32> to vector<16xi32>
      %gather3A_1543 = tpu.dynamic_gather %select_n3A_1491[%gather3A_1542] in [0] : vector<16xf32>, vector<16xi32> -> vector<16xf32>
      %add3A_1544 = arith.addf %select_n3A_1468, %gather3A_1533 : vector<16xf32>
      %add3A_1545 = arith.addf %select_n3A_1491, %gather3A_1543 : vector<16xf32>
      %select_n3A_1546 = arith.select %eq3A_1500, %add3A_1544, %add3A_1545 : vector<16xi1>, vector<16xf32>
      %xor3A_1547 = arith.constant 8 : i32
      %xor3A_1548 = vector.broadcast %xor3A_1547 : i32 to vector<16xi32>
      %xor3A_1549 = arith.xori %iota3A, %xor3A_1548 : vector<16xi32>
      %and3A_1550 = arith.constant 8 : i32
      %and3A_1551 = vector.broadcast %and3A_1550 : i32 to vector<16xi32>
      %and3A_1552 = arith.andi %iota3A, %and3A_1551 : vector<16xi32>
      %eq3A_1553 = arith.constant 0 : i32
      %eq3A_1554 = vector.broadcast %eq3A_1553 : i32 to vector<16xi32>
      %eq3A_1555 = arith.cmpi eq, %and3A_1552, %eq3A_1554 : vector<16xi32>
      %lt3A_1556 = arith.constant 0 : i32
      %lt3A_1557 = vector.broadcast %lt3A_1556 : i32 to vector<16xi32>
      %lt3A_1558 = arith.cmpi slt, %xor3A_1549, %lt3A_1557 : vector<16xi32>
      %add3A_1559 = arith.constant 16 : i32
      %add3A_1560 = vector.broadcast %add3A_1559 : i32 to vector<16xi32>
      %add3A_1561 = arith.addi %xor3A_1549, %add3A_1560 : vector<16xi32>
      %select_n3A_1562 = arith.select %lt3A_1558, %add3A_1561, %xor3A_1549 : vector<16xi1>, vector<16xi32>
      %broadcast_in_dim3A_1563 = vector.shape_cast %select_n3A_1562 : vector<16xi32> to vector<16x1xi32>
      %gather3A_1564 = vector.shape_cast %broadcast_in_dim3A_1563 : vector<16x1xi32> to vector<16xi32>
      %gather3A_1565 = tpu.dynamic_gather %select_n3A_1523[%gather3A_1564] in [0] : vector<16xf32>, vector<16xi32> -> vector<16xf32>
      %lt3A_1566 = arith.constant 0 : i32
      %lt3A_1567 = vector.broadcast %lt3A_1566 : i32 to vector<16xi32>
      %lt3A_1568 = arith.cmpi slt, %xor3A_1549, %lt3A_1567 : vector<16xi32>
      %add3A_1569 = arith.constant 16 : i32
      %add3A_1570 = vector.broadcast %add3A_1569 : i32 to vector<16xi32>
      %add3A_1571 = arith.addi %xor3A_1549, %add3A_1570 : vector<16xi32>
      %select_n3A_1572 = arith.select %lt3A_1568, %add3A_1571, %xor3A_1549 : vector<16xi1>, vector<16xi32>
      %broadcast_in_dim3A_1573 = vector.shape_cast %select_n3A_1572 : vector<16xi32> to vector<16x1xi32>
      %gather3A_1574 = vector.shape_cast %broadcast_in_dim3A_1573 : vector<16x1xi32> to vector<16xi32>
      %gather3A_1575 = tpu.dynamic_gather %select_n3A_1546[%gather3A_1574] in [0] : vector<16xf32>, vector<16xi32> -> vector<16xf32>
      %add3A_1576 = arith.addf %select_n3A_1523, %gather3A_1565 : vector<16xf32>
      %add3A_1577 = arith.addf %select_n3A_1546, %gather3A_1575 : vector<16xf32>
      %select_n3A_1578 = arith.select %eq3A_1555, %add3A_1576, %add3A_1577 : vector<16xi1>, vector<16xf32>
      %neg3A = arith.constant 0.000000e+00 : f32
      %neg3A_1579 = vector.broadcast %neg3A : f32 to vector<16xf32>
      %neg3A_1580 = arith.subf %neg3A_1579, %select_n3A_1578 : vector<16xf32>
      %exp3A = math.exp %neg3A_1580 : vector<16xf32>
      %add3A_1581 = arith.constant 1.000000e+00 : f32
      %add3A_1582 = vector.broadcast %add3A_1581 : f32 to vector<16xf32>
      %add3A_1583 = arith.addf %add3A_1582, %exp3A : vector<16xf32>
      %div3A = arith.constant 1.000000e+01 : f32
      %div3A_1584 = vector.broadcast %div3A : f32 to vector<16xf32>
      %div3A_1585 = arith.divf %div3A_1584, %add3A_1583 : vector<16xf32>
      %mul3A_1586 = arith.constant 16 : i32
      %mul3A_1587 = arith.muli %scan3A_325, %mul3A_1586 : i32
      %swap3A = arith.index_cast %mul3A_1587 : i32 to index
      %swap3A_1588 = tpu.vector_load %arg11[%swap3A] {strides = array<i32>} : memref<512xf32, #tpu.memory_space<vmem>>, vector<16xf32>,
      tpu.vector_store %arg11[%swap3A], %div3A_1585 {strides = array<i32>} : memref<512xf32, #tpu.memory_space<vmem>>, vector<16xf32>,
    }
    %scan3A_324 = arith.constant 32 : i32
    "tpu.region"() ({
      %run_scoped3A = tpu.sem_alloc : memref<!tpu.dma_semaphore, #tpu.memory_space<semaphore_mem>>
      %dma_start3A_325 = tpu.memref_slice %arg6[%mul3A_2] : memref<16384xf32, #tpu.memory_space<hbm>> -> memref<512xf32, #tpu.memory_space<hbm>>
      %dma_start3A_326 = tpu.memref_slice %arg6[%mul3A_2] : memref<16384xf32, #tpu.memory_space<hbm>> -> memref<512xf32, #tpu.memory_space<hbm>>
      tpu.enqueue_dma source(%arg11 : memref<512xf32, #tpu.memory_space<vmem>>) target(%dma_start3A_326 : memref<512xf32, #tpu.memory_space<hbm>>) target_semaphore(%run_scoped3A : memref<!tpu.dma_semaphore, #tpu.memory_space<semaphore_mem>>)
      %dma_wait3A_327 = tpu.memref_slice %arg6[%mul3A_2] : memref<16384xf32, #tpu.memory_space<hbm>> -> memref<512xf32, #tpu.memory_space<hbm>>
      %dma_wait3A_328 = tpu.memref_slice %arg6[%mul3A_2] : memref<16384xf32, #tpu.memory_space<hbm>> -> memref<512xf32, #tpu.memory_space<hbm>>
      tpu.wait_dma2 semaphore(%run_scoped3A : memref<!tpu.dma_semaphore, #tpu.memory_space<semaphore_mem>>) src(%arg11 : memref<512xf32, #tpu.memory_space<vmem>>) dst(%dma_wait3A_328 : memref<512xf32, #tpu.memory_space<hbm>>)
      tpu.yield
    }) : () -> ()
    return
  }
}

</mosaic_0001>

<sc_bundles>
// kernel: kernel.3.cloned.1.call-start
scs
__scs_entry_jumppad:
0x0: {  	(pc) =	sbr.rel $0x88, $3  }
0x1: {  	(tag) =	ssettag $0x0;
	lr =	simm.s32 $0x1  }
0x2: {  	[smem:$0x3F9D] =	sst lr;
	_ =	strace $0xD0000000  }
0x3: {  	_ = 	snop  }
0x4: {  	_ = 	snop  }
0x5: {  	_ = 	snop  }
0x6: {  	_ = 	snop  }
0x7: {  	_ = 	snop  }
__scs_overlays_trampoline_lowered:
0x8: {  	[smem:$0x3FAC] =	sst s0  }
0x9: {  	[smem:$0x3FAD] =	sst s1  }
0xa: {  	[smem:$0x3FAE] =	sst s2  }
0xb: {  	[smem:$0x3FAF] =	sst s3  }
0xc: {  	[smem:$0x3FB0] =	sst s4  }
0xd: {  	[smem:$0x3FB1] =	sst s5  }
0xe: {  	[smem:$0x3FB2] =	sst s6  }
0xf: {  	[smem:$0x3FB3] =	sst s7  }
0x10: {  	[smem:$0x3FB4] =	sst s8  }
0x11: {  	[smem:$0x3FB5] =	sst s9;
	s0 =	simm.s32 @!p0 $0x0  }
0x12: {  	s1 =	sld [smem:$0x3F9B];
	s0 =	simm.s32 @p0 $0x1  }
0x13: {  	[smem:$0x3FB6] =	sst s0;
	s0 =	simm.s32 @!p1 $0x0  }
0x14: {  	s2 =	sld [smem:$0x3F9A];
	s0 =	simm.s32 @p1 $0x1  }
0x15: {  	[smem:$0x3FB7] =	sst s0;
	s0 =	simm.s32 @!p2 $0x0  }
0x16: {  	s3 =	sld [smem:$0x3FDB];
	s0 =	simm.s32 @p2 $0x1  }
0x17: {  	s4 =	simm.s32 $0x1BF5;
	[smem:$0x3FB9] =	sst s0  }
0x18: {  	s0 =	sld [smem:$0x3F9C];
	_ =	swait.ge [sflag:s4], $0x0  }
0x19: {  	s7 =	sld [smem:$0x3F9D]  }
0x1a: {  	s8 =	sadd.s32 $0xFFFFE003, lr  }
0x1b: {  	s9 =	sadd.s32 $0xFFFFFEF7, lr;
	s5 =	simm.s32 $0xFFFFFFFF;
	p2 =	slt.u32 s8, $0xFFFFF086  }
0x1c: {  	p1 =	slt.u32 s9, $0xF7A;
	s5 =	simm.s32 @!p2 $0x0  }
0x1d: {  	s5 =	simm.s32 @p1 $0x1;
	p0 =	seq.s32 s7, s2  }
0x1e: {  	s7 =	smul.u32 @!p0 $0xF7A, s2;
	p2 =	seq.s32 @!p0 s5, $0x0  }
0x1f: {  	s9 =	smul.u32 $0xF7A, s1;
	s8 =	simm.s32 @!p0 $0x1BF5;
	p2 =	por !p2, p0  }
0x20: {  	[sflag:s8] =	ssyncset.s32 @!p0 $0xFFFFF086;
	s6 =	sadd.s32 @!p0 s3, s7;
	s7 =	simm.s32 @!p0 $0x108  }
0x21: {  	s3 =	sadd.s32 s3, s9;
	s6 =	sadd.s32 @!p0 $0x88, s6;
	s7 =	simm.s32 @p2 $0x1082  }
0x22: {  	[simem:s7], [sflag:s8] =	dma.local @!p0 [hbm:s6], $0xF7A  }
0x23: {  	s9 =	sor.u32 $0xD0000000, s2;
	s6 =	simm.s32 $0x108;
	_ =	swait.ge @!p0 [sflag:s8], $0x0  }
0x24: {  	s3 =	sadd.s32 $0x88, s3;
	s6 =	simm.s32 @!p1 $0x1082;
	[sflag:s4] =	ssyncset.s32 $0xFFFFF086  }
0x25: {  	[simem:s6], [sflag:s4] =	dma.local [hbm:s3], $0xF7A  }
0x26: {  	[smem:$0x3F9D] =	sst s1;
	(tag) =	ssettag s2;
	_ =	strace s9  }
0x27: {  	s1 =	sld [smem:$0x3FAD]  }
0x28: {  	s2 =	sld [smem:$0x3FAE]  }
0x29: {  	s4 =	sld [smem:$0x3FB0]  }
0x2a: {  	p0 =	seq.s32 s5, $0x0;
	s5 =	sld [smem:$0x3FB1]  }
0x2b: {  	s6 =	sld [smem:$0x3FB2]  }
0x2c: {  	s7 =	sld [smem:$0x3FB3]  }
0x2d: {  	s3 =	simm.s32 $0x108;
	s8 =	sld [smem:$0x3FB4]  }
0x2e: {  	s3 =	simm.s32 @!p0 $0x1082;
	s9 =	sld [smem:$0x3FB5]  }
0x2f: {  	lr =	sadd.s32 s0, s3;
	s0 =	sld [smem:$0x3FAC]  }
0x30: {  	s3 =	sld [smem:$0x3FAF]  }
0x31: {  	[smem:$0x3FB8] =	sst s10  }
0x32: {  	s10 =	sld [smem:$0x3FB6];
	_ =	sdelay $0x3  }
0x33: {  	p0 =	seq.s32 s10, $0x1;
	s10 =	sld [smem:$0x3FB8];
	_ =	sdelay $0x3  }
0x34: {  	[smem:$0x3FB8] =	sst s10  }
0x35: {  	s10 =	sld [smem:$0x3FB7];
	_ =	sdelay $0x3  }
0x36: {  	p1 =	seq.s32 s10, $0x1;
	s10 =	sld [smem:$0x3FB8];
	_ =	sdelay $0x3  }
0x37: {  	[smem:$0x3FB8] =	sst s10  }
0x38: {  	s10 =	sld [smem:$0x3FB9]  }
0x39: {  	_ = 	snop;
	(pc) =	sbr.ind lr, $3  }
0x3a: {  	_ = 	snop  }
0x3b: {  	_ = 	snop  }
0x3c: {  	p2 =	seq.s32 s10, $0x1;
	s10 =	sld [smem:$0x3FB8]  }
0x3d: {  	_ =	shalt  }
0x3e: {  	_ =	shalt  }
0x3f: {  	_ =	shalt  }
0x40: {  	_ =	shalt  }
0x41: {  	_ =	shalt  }
0x42: {  	_ =	shalt  }
0x43: {  	_ =	shalt  }
0x44: {  	_ =	shalt  }
0x45: {  	_ =	shalt  }
0x46: {  	_ =	shalt  }
0x47: {  	_ =	shalt  }
0x48: {  	_ =	shalt  }
0x49: {  	_ =	shalt  }
0x4a: {  	_ =	shalt  }
0x4b: {  	_ =	shalt  }
0x4c: {  	_ =	shalt  }
0x4d: {  	_ =	shalt  }
0x4e: {  	_ =	shalt  }
0x4f: {  	_ =	shalt  }
0x50: {  	_ =	shalt  }
0x51: {  	_ =	shalt  }
0x52: {  	_ =	shalt  }
0x53: {  	_ =	shalt  }
0x54: {  	_ =	shalt  }
0x55: {  	_ =	shalt  }
0x56: {  	_ =	shalt  }
0x57: {  	_ =	shalt  }
0x58: {  	_ =	shalt  }
0x59: {  	_ =	shalt  }
0x5a: {  	_ =	shalt  }
0x5b: {  	_ =	shalt  }
0x5c: {  	_ =	shalt  }
0x5d: {  	_ =	shalt  }
0x5e: {  	_ =	shalt  }
0x5f: {  	_ =	shalt  }
0x60: {  	_ =	shalt  }
0x61: {  	_ =	shalt  }
0x62: {  	_ =	shalt  }
0x63: {  	_ =	shalt  }
0x64: {  	_ =	shalt  }
0x65: {  	_ =	shalt  }
0x66: {  	_ =	shalt  }
0x67: {  	_ =	shalt  }
0x68: {  	_ =	shalt  }
0x69: {  	_ =	shalt  }
0x6a: {  	_ =	shalt  }
0x6b: {  	_ =	shalt  }
0x6c: {  	_ =	shalt  }
0x6d: {  	_ =	shalt  }
0x6e: {  	_ =	shalt  }
0x6f: {  	_ =	shalt  }
0x70: {  	_ =	shalt  }
0x71: {  	_ =	shalt  }
0x72: {  	_ =	shalt  }
0x73: {  	_ =	shalt  }
0x74: {  	_ =	shalt  }
0x75: {  	_ =	shalt  }
0x76: {  	_ =	shalt  }
0x77: {  	_ =	shalt  }
0x78: {  	_ =	shalt  }
0x79: {  	_ =	shalt  }
0x7a: {  	_ =	shalt  }
0x7b: {  	_ =	shalt  }
0x7c: {  	_ =	shalt  }
0x7d: {  	_ =	shalt  }
0x7e: {  	_ =	shalt  }
0x7f: {  	_ =	shalt  }
0x80: {  	_ =	shalt  }
0x81: {  	_ =	shalt  }
0x82: {  	_ =	shalt  }
0x83: {  	_ =	shalt  }
0x84: {  	_ =	shalt  }
0x85: {  	_ =	shalt  }
0x86: {  	_ =	shalt  }
0x87: {  	_ =	shalt  }
.Lfunc_end0:
.L_simem_size_0:
called_computation_lowered:
.L_overlay_start_0:
0x88: {  	s2 =	sld [smem:$0x3FD9]  }
0x89: {  	s3 =	sld [smem:$0x3FFE];
	_ =	sdelay $0x1  }
0x8a: {  	s1 =	srdreg.scid  }
0x8b: {  	s0 =	sand.u32 $0x1, s1  }
0x8c: {  	s17 =	sshll.u32 s0, $0xA;
	s2 =	sadd.s32 s3, s2  }
0x8d: {  	s2 =	sadd.s32 s2, s17  }
0x8e: {  	[smem:$0x3FC4] =	sst s2  }
0x8f: {  	_ = 	snop  }
0x90: {  	s2 =	sld [smem:$0x3FC9]  }
0x91: {  	s18 =	sld [smem:$0x3FC8]  }
0x92: {  	s4 =	sld [smem:$0x3FD0];
	(tm) =	ssettm $0x1  }
0x93: {  	s5 =	sld [smem:$0x3FFB];
	_ =	sdelay $0x3  }
0x94: {  	_ =	strace s5  }
0x95: {  	s5 =	sld [smem:$0x3FFC];
	_ =	sdelay $0x3  }
0x96: {  	_ =	strace s5  }
0x97: {  	s5 =	sld [smem:$0x3FFD];
	_ =	sdelay $0x3  }
0x98: {  	_ =	strace s5  }
0x99: {  	_ =	strace $0x8FFFFFFF  }
0x9a: {  	s19 =	sld [smem:$0x3FDB];
	_ =	sdelay $0x1  }
0x9b: {  	s6 =	simm.s32 $_scs_section_size  }
0x9c: {  	s7 =	simm.s32 $_size__tile_overlayer_lowered;
	s8 =	simm.s32 $_tile_overlayer_lowered  }
0x9d: {  	s22 =	simm.s32 $0x1BFF;
	s21 =	sshll.u32 s8, $0x1;
	s5 =	sadd.s32 s6, s19  }
0x9e: {  	s9 =	simm.s32 $0x0;
	s20 =	sshll.u32 s7, $0x1;
	s7 =	sadd.s32 s21, s5  }
0x9f: {  	[timem:s9], [sflag:s22] =	dma.local [hbm:s7], s20  }
0xa0: {  	_ =	swait.ge [sflag:s22], s20  }
0xa1: {  	s6 =	ssub.s32 $0x0, s20;
	[sflag:s22] =	ssyncset.done $0x0  }
0xa2: {  	[sflag:s22] =	ssyncadd.s32 s6;
	_ =	sdelay $0x1  }
0xa3: {  	s23 =	simm.s32 $0x1B8B  }
0xa4: {  	_ =	swait.ge [sflag:s23], $0x1  }
0xa5: {  	[sflag:s23] =	ssyncset.done $0x0  }
0xa6: {  	s25 =	simm.s32 $0x1B8E;
	s24 =	sld [smem:$0x3FFE];
	[sflag:s23] =	ssyncadd.s32 $0xFFFFFFFF  }
0xa7: {  	s26 =	simm.s32 $execute0_lowered;
	[smem:$0x3FD2] =	sst s25  }
0xa8: {  	s7 =	sshll.u32 s26, $0x1;
	_ =	strace $0x80000046;
	[dreg:$0x1] =	wrdreg $0xFFFFFFFF  }
0xa9: {  	s28 =	simm.s32 $_size_execute0_lowered;
	s5 =	sadd.s32 s5, s7;
	[dreg:$0x0] =	wrdreg $0x0  }
0xaa: {  	s7 =	sshll.u32 s28, $0x1;
	[dreg:$0x2] =	wrdreg s5  }
0xab: {  	[dreg:$0x3] =	wrdreg s7  }
0xac: {  	[dreg:$0x4] =	wrdreg $0xC0  }
0xad: {  	_ =	task [dreg:s9], $0x5FFFF  }
0xae: {  	[dreg:$0x1] =	wrdreg $0xFFFFFFFF  }
0xaf: {  	[dreg:$0x0] =	wrdreg $0x60  }
0xb0: {  	[dreg:$0x2] =	wrdreg s2  }
0xb1: {  	[dreg:$0x3] =	wrdreg s18  }
0xb2: {  	[dreg:$0x4] =	wrdreg s24  }
0xb3: {  	[dreg:$0x5] =	wrdreg s4  }
0xb4: {  	[dreg:$0x6] =	wrdreg $0x9  }
0xb5: {  	_ =	task.clear_ibuf [dreg:s9], $0x7FFFF;
	_ =	strace $0x90000046  }
0xb6: {  	s29 =	simm.s32 $0x9;
	_ =	strace $0x80000048  }
0xb7: {  	_ =	swait.ge [sflag:s29], $0x1  }
0xb8: {  	[sflag:s29] =	ssyncadd.s32 $0xFFFFFFFF  }
0xb9: {  	_ =	strace $0x90000048  }
0xba: {  	_ =	sfence  }
0xbb: {  	s30 =	sld [smem:$0x0];
	_ =	sdelay $0x2  }
0xbc: {  	s31 =	sshll.u32 s1, $0xD;
	s1 =	sshrl.u32 s1, $0x2  }
0xbd: {  	s3 =	sand.u32 $0x4000, s31;
	s1 =	sadd.s32 s1, s30  }
0xbe: {  	s0 =	sor.u32 s3, s0;
	s1 =	sshll.u32 s1, $0x11  }
0xbf: {  	s0 =	sor.u32 s1, s0  }
0xc0: {  	s0 =	sadd.s32 $0x8F2B, s0  }
0xc1: {  	[sflag:s0] =	ssyncadd.remote.s32 $0x1  }
0xc2: {  	_ =	sfence.sel $0xFFFF  }
0xc3: {  	[dreg:$0x0] =	wrdreg $0xFFFFFFFF;
	(pc) =	sbr.abs _section_cstart, $3  }
0xc4: {  	[dreg:$0x1] =	wrdreg $0xFFFFFFFF  }
0xc5: {  	_ =	task.clear_ibuf [dreg:s9], $0x2FFFF;
	_ =	strace $0x9FFFFFFF  }
0xc6: {  	(tm) =	ssettm $0x7FFFFFFF  }
0xc7: {  	_ =	shalt  }
tec
execute0_lowered:
.L_overlay_start_1:
0x0: {  	(tag) =	ssettag $0x1  }
0x1: {  	v0 =	vimm.s32 $0xEFCDAB89  }
0x2: {  	vm0 =	vcmask $0xB08;
	vm1 =	vcmask $0x300;
	v1 =	vimm.s32 $0x67452301  }
0x3: {  	s0 =	rddreg [dreg:$0x0];
	v2 =	vimm.s32 $0xDCFE98BA;
	v3 =	vimm.s32 $0x54761032;
	vm2 =	vcmask $0x700  }
0x4: {  	s2 =	rddreg [dreg:$0x1];
	vm3 =	vcmask $0x3B38;
	v58 =	vimm.s32 $0xBA98FEDC;
	v59 =	vimm.s32 $0x32107654  }
0x5: {  	s4 =	rddreg [dreg:$0x2];
	v4 =	vimm.s32 $0xFEDCBA98;
	v5 =	vimm.s32 $0x76543210;
	v0 =	vunpack.c.l.s4.s8 v0  }
0x6: {  	s13 =	rddreg [dreg:$0x3];
	vm0 =	vmor vm1, vm0;
	vm1 =	vcmask $0x1310;
	v1 =	vunpack.c.l.s4.s8 v1  }
0x7: {  	s1 =	simm.s32 $0x0;
	s3 =	srdreg.scid;
	s6 =	stileid.u32;
	v2 =	vunpack.c.l.s4.s8 v2;
	v3 =	vunpack.c.l.s4.s8 v3;
	v4 =	vunpack.c.l.s4.s8 v4  }
0x8: {  	s16 =	simm.s32 $0x80;
	s17 =	simm.s32 $0x280;
	s18 =	simm.s32 $0x100;
	v5 =	vunpack.c.l.s4.s8 v5;
	vm0 =	vmor vm0, vm1;
	vm1 =	vcmask $0x1B18  }
0x9: {  	s19 =	simm.s32 $0x300;
	s20 =	simm.s32 $0x180;
	s21 =	simm.s32 $0x380;
	v0 =	vunpack.c.0.s8.s32 v0;
	vm0 =	vmor vm0, vm1;
	vm1 =	vcmask $0x2320  }
0xa: {  	s22 =	simm.s32 $0x1;
	s30 =	simm.s32 $0xC400;
	s31 =	simm.s32 $0xE400;
	v1 =	vunpack.c.0.s8.s32 v1;
	v56 =	vunpack.c.0.s8.s32 v2;
	v57 =	vunpack.c.0.s8.s32 v3  }
0xb: {  	s23 =	simm.s32 $0x10400;
	s24 =	simm.s32 $0x4;
	s25 =	simm.s32 $0x0;
	v2 =	vunpack.c.l.s4.s8 v58;
	v3 =	vunpack.c.l.s4.s8 v59;
	v4 =	vunpack.c.0.s8.s32 v4  }
0xc: {  	[smem:$0x7FF] =	sst s1;
	s3 =	sand.u32 $0x1, s3;
	s6 =	sshll.u32 s6, $0x7;
	v60 =	vunpack.c.0.s8.s32 v5;
	vm0 =	vmor vm0, vm1;
	vm1 =	vcmask $0x2B28  }
0xd: {  	_ =	strace $0x80000047;
	s5 =	ssub.s32 $0x2, s3;
	s7 =	sshll.u32 s3, $0x6;
	vm0 =	vmor vm0, vm1;
	vm1 =	vcmask $0x3330;
	v0 =	vcombine.low v1, v0  }
0xe: {  	s3 =	sadd.s32 $0x187000, s4;
	s8 =	sshrl.u32 s5, $0x1;
	s14 =	sor.u32 s7, s6;
	v1 =	vcombine.low v57, v56;
	v2 =	vunpack.c.0.s8.s32 v2;
	v3 =	vunpack.c.0.s8.s32 v3  }
0xf: {  	s4 =	sadd.s32 $0xF42A00, s4;
	s15 =	ssub.s32 s5, s8;
	s29 =	sor.u32 $0x10, s14;
	v4 =	vand.u32 $0xF, v4;
	vm0 =	vmor vm0, vm1;
	vm1 =	vcmask $0x1710  }
0x10: {  	s5 =	sadd.s32 s0, s14;
	s6 =	sadd.s32 s2, s14;
	s10 =	sor.u32 $0x20, s14;
	v63 =	vcombine.low v4, v60;
	vm1 =	vmor vm2, vm1;
	vm2 =	vcmask $0x2720  }
0x11: {  	s12 =	sor.u32 $0x30, s14;
	s13 =	sadd.s32 s13, s14;
	s7 =	sadd.s32 s0, s29;
	vm0 =	vmor vm0, vm3;
	v2 =	vcombine.low v3, v2;
	v61 =	vand.u32 $0xF, v1  }
0x12: {  	s8 =	sadd.s32 s2, s29;
	s9 =	sadd.s32 s0, s10;
	s10 =	sadd.s32 s2, s10;
	vm3 =	vcmask $0xF00;
	vm1 =	vmor vm1, vm2;
	vm2 =	vcmask $0x3730;
	[tilespmem:$0x1FFD0] =	vst v61  }
0x13: {  	s11 =	sadd.s32 s0, s12;
	s12 =	sadd.s32 s2, s12;
	s14 =	smax.u32 s15, $0x1;
	[tilespmem:$0x1FFF0] =	vst v63;
	vm1 =	vmor vm1, vm2;
	vm2 =	vcmask $0x2F20;
	v62 =	vand.u32 $0xF, v2  }
0x14: {  	s15 =	simm.s32 $0x200;
	s0 =	simm.s32 $0x2;
	s2 =	simm.s32 $0x3;
	v59 =	vand.u32 $0xF, v0;
	vm2 =	vmor vm3, vm2;
	[tilespmem:$0x1FFE0] =	vst v62;
	vm3 =	vmmov $0xff  }
.LBB2_1:
0x15: {  	[tilespmem:s1], [sflag:$0x1] =	stream.linear.gather [hbm4b:s5+s1], $0x80, $0x38;
	[tilespmem:$0x10600] =	vst v63  }
0x16: {  	_ = 	snop  }
0x17: {  	[tilespmem:s15], [sflag:$0x1] =	stream.linear.gather [hbm4b:s6+s1], $0x80, $0x38;
	[tilespmem:$0x10600] =	vst v63  }
0x18: {  	_ = 	snop  }
0x19: {  	[tilespmem:s16], [sflag:$0x1] =	stream.linear.gather [hbm4b:s7+s1], $0x80, $0x38;
	[tilespmem:$0x10600] =	vst v63  }
0x1a: {  	_ = 	snop  }
0x1b: {  	[tilespmem:s17], [sflag:$0x1] =	stream.linear.gather [hbm4b:s8+s1], $0x80, $0x38;
	[tilespmem:$0x10600] =	vst v63  }
0x1c: {  	_ = 	snop  }
0x1d: {  	[tilespmem:s18], [sflag:$0x1] =	stream.linear.gather [hbm4b:s9+s1], $0x80, $0x38;
	[tilespmem:$0x10600] =	vst v63  }
0x1e: {  	_ = 	snop  }
0x1f: {  	[tilespmem:s19], [sflag:$0x1] =	stream.linear.gather [hbm4b:s10+s1], $0x80, $0x38;
	[tilespmem:$0x10600] =	vst v63  }
0x20: {  	_ = 	snop  }
0x21: {  	[tilespmem:s20], [sflag:$0x1] =	stream.linear.gather [hbm4b:s11+s1], $0x80, $0x38;
	[tilespmem:$0x10600] =	vst v63  }
0x22: {  	_ = 	snop  }
0x23: {  	[tilespmem:s21], [sflag:$0x1] =	stream.linear.gather [hbm4b:s12+s1], $0x80, $0x38;
	[tilespmem:$0x10600] =	vst v63  }
0x24: {  	_ =	swait.ge [sflag:s22], $0x80  }
0x25: {  	[sflag:s22] =	ssyncset.done $0x0  }
0x26: {  	[sflag:s22] =	ssyncadd.s32 $0xFFFFFF80  }
0x27: {  	_ =	swait.ge [sflag:s22], $0x80  }
0x28: {  	[sflag:s22] =	ssyncset.done $0x0  }
0x29: {  	[sflag:s22] =	ssyncadd.s32 $0xFFFFFF80  }
0x2a: {  	_ =	swait.ge [sflag:s22], $0x80  }
0x2b: {  	[sflag:s22] =	ssyncset.done $0x0  }
0x2c: {  	[sflag:s22] =	ssyncadd.s32 $0xFFFFFF80  }
0x2d: {  	_ =	swait.ge [sflag:s22], $0x80  }
0x2e: {  	[sflag:s22] =	ssyncset.done $0x0  }
0x2f: {  	[sflag:s22] =	ssyncadd.s32 $0xFFFFFF80  }
0x30: {  	_ =	swait.ge [sflag:s22], $0x80  }
0x31: {  	[sflag:s22] =	ssyncset.done $0x0  }
0x32: {  	[sflag:s22] =	ssyncadd.s32 $0xFFFFFF80  }
0x33: {  	_ =	swait.ge [sflag:s22], $0x80  }
0x34: {  	[sflag:s22] =	ssyncset.done $0x0  }
0x35: {  	[sflag:s22] =	ssyncadd.s32 $0xFFFFFF80  }
0x36: {  	_ =	swait.ge [sflag:s22], $0x80  }
0x37: {  	[sflag:s22] =	ssyncset.done $0x0  }
0x38: {  	[sflag:s22] =	ssyncadd.s32 $0xFFFFFF80  }
0x39: {  	_ =	swait.ge [sflag:s22], $0x80  }
0x3a: {  	[sflag:s22] =	ssyncset.done $0x0  }
0x3b: {  	s26 =	simm.s32 $0x400;
	[sflag:s22] =	ssyncadd.s32 $0xFFFFFF80  }
0x3c: {  	[tilespmem:s26], [sflag:$0x2] =	stream.indirect.gather [hbm4b:s3+s16], $0x40, s1, s16, $0xb8;
	[tilespmem:$0x10600] =	vst v63  }
0x3d: {  	s26 =	simm.s32 $0x2400  }
0x3e: {  	[tilespmem:s26], [sflag:$0x2] =	stream.indirect.gather [hbm4b:s3+s16], $0x40, s16, s16, $0xb8;
	[tilespmem:$0x10600] =	vst v63  }
0x3f: {  	s26 =	simm.s32 $0x4400  }
0x40: {  	[tilespmem:s26], [sflag:$0x2] =	stream.indirect.gather [hbm4b:s3+s16], $0x40, s18, s16, $0xb8;
	[tilespmem:$0x10600] =	vst v63  }
0x41: {  	s26 =	simm.s32 $0x6400  }
0x42: {  	[tilespmem:s26], [sflag:$0x2] =	stream.indirect.gather [hbm4b:s3+s16], $0x40, s20, s16, $0xb8;
	[tilespmem:$0x10600] =	vst v63  }
0x43: {  	s26 =	simm.s32 $0x8400  }
0x44: {  	[tilespmem:s26], [sflag:$0x3] =	stream.indirect.gather [hbm4b:s4+s16], $0x40, s15, s16, $0xb8;
	[tilespmem:$0x10600] =	vst v63  }
0x45: {  	s26 =	simm.s32 $0xA400  }
0x46: {  	[tilespmem:s26], [sflag:$0x3] =	stream.indirect.gather [hbm4b:s4+s16], $0x40, s17, s16, $0xb8;
	[tilespmem:$0x10600] =	vst v63  }
0x47: {  	_ = 	snop  }
0x48: {  	[tilespmem:s30], [sflag:$0x3] =	stream.indirect.gather [hbm4b:s4+s16], $0x40, s19, s16, $0xb8;
	[tilespmem:$0x10600] =	vst v63  }
0x49: {  	_ = 	snop  }
0x4a: {  	[tilespmem:s31], [sflag:$0x3] =	stream.indirect.gather [hbm4b:s4+s16], $0x40, s21, s16, $0xb8;
	[tilespmem:$0x10600] =	vst v63  }
0x4b: {  	_ =	swait.ge [sflag:s0], $0x2000  }
0x4c: {  	[sflag:s0] =	ssyncset.done $0x0  }
0x4d: {  	[sflag:s0] =	ssyncadd.s32 $0xFFFFE000  }
0x4e: {  	_ =	swait.ge [sflag:s0], $0x2000  }
0x4f: {  	[sflag:s0] =	ssyncset.done $0x0  }
0x50: {  	[sflag:s0] =	ssyncadd.s32 $0xFFFFE000  }
0x51: {  	_ =	swait.ge [sflag:s0], $0x2000  }
0x52: {  	[sflag:s0] =	ssyncset.done $0x0  }
0x53: {  	[sflag:s0] =	ssyncadd.s32 $0xFFFFE000  }
0x54: {  	_ =	swait.ge [sflag:s0], $0x2000  }
0x55: {  	[sflag:s0] =	ssyncset.done $0x0  }
0x56: {  	[sflag:s0] =	ssyncadd.s32 $0xFFFFE000  }
0x57: {  	_ =	swait.ge [sflag:s2], $0x2000  }
0x58: {  	[sflag:s2] =	ssyncset.done $0x0  }
0x59: {  	[sflag:s2] =	ssyncadd.s32 $0xFFFFE000  }
0x5a: {  	_ =	swait.ge [sflag:s2], $0x2000  }
0x5b: {  	[sflag:s2] =	ssyncset.done $0x0  }
0x5c: {  	[sflag:s2] =	ssyncadd.s32 $0xFFFFE000  }
0x5d: {  	_ =	swait.ge [sflag:s2], $0x2000  }
0x5e: {  	[sflag:s2] =	ssyncset.done $0x0  }
0x5f: {  	[sflag:s2] =	ssyncadd.s32 $0xFFFFE000  }
0x60: {  	_ =	swait.ge [sflag:s2], $0x2000  }
0x61: {  	[sflag:s2] =	ssyncset.done $0x0  }
0x62: {  	s26 =	simm.s32 $0x0;
	[sflag:s2] =	ssyncadd.s32 $0xFFFFE000  }
0x63: {  	v52 =	vld [tilespmem:s26+$0x430]  }
0x64: {  	v43 =	vld [tilespmem:s26+$0x8430]  }
0x65: {  	v48 =	vld [tilespmem:s26+$0x470]  }
0x66: {  	v38 =	vld [tilespmem:s26+$0x8470]  }
0x67: {  	v42 =	vld [tilespmem:s26+$0x4B0]  }
0x68: {  	v39 =	vld [tilespmem:s26+$0x84B0]  }
0x69: {  	v40 =	vld [tilespmem:s26+$0x4F0]  }
0x6a: {  	v34 =	vld [tilespmem:s26+$0x84F0]  }
0x6b: {  	v41 =	vld [tilespmem:s26+$0x530]  }
0x6c: {  	v35 =	vld [tilespmem:s26+$0x8530]  }
0x6d: {  	v36 =	vld [tilespmem:s26+$0x570]  }
0x6e: {  	v28 =	vld [tilespmem:s26+$0x8570]  }
0x6f: {  	v37 =	vld [tilespmem:s26+$0x5B0]  }
0x70: {  	v29 =	vld [tilespmem:s26+$0x85B0]  }
0x71: {  	v30 =	vld [tilespmem:s26+$0x5F0]  }
0x72: {  	v31 =	vld [tilespmem:s26+$0x85F0]  }
0x73: {  	v32 =	vld [tilespmem:s26+$0x630]  }
0x74: {  	v33 =	vld [tilespmem:s26+$0x8630]  }
0x75: {  	v55 =	vld [tilespmem:s26+$0x670]  }
0x76: {  	v54 =	vld [tilespmem:s26+$0x8670]  }
0x77: {  	v0 =	vld [tilespmem:s26+$0x6B0]  }
0x78: {  	v61 =	vld [tilespmem:s26+$0x86B0]  }
0x79: {  	v63 =	vld [tilespmem:s26+$0x6F0]  }
0x7a: {  	v60 =	vld [tilespmem:s26+$0x86F0]  }
0x7b: {  	v53 =	vld [tilespmem:s26+$0x730]  }
0x7c: {  	v62 =	vld [tilespmem:s26+$0x8730]  }
0x7d: {  	v56 =	vld [tilespmem:s26+$0x770]  }
0x7e: {  	v57 =	vld [tilespmem:s26+$0x8770]  }
0x7f: {  	v44 =	vld [tilespmem:s26+$0x420]  }
0x80: {  	v45 =	vld [tilespmem:s26+$0x8420]  }
0x81: {  	v1 =	vld [tilespmem:s26+$0x8460]  }
0x82: {  	v2 =	vld [tilespmem:s26+$0x4A0]  }
0x83: {  	v3 =	vld [tilespmem:s26+$0x84A0]  }
0x84: {  	v46 =	vld [tilespmem:s26+$0x4E0]  }
0x85: {  	v47 =	vld [tilespmem:s26+$0x84E0]  }
0x86: {  	v49 =	vld [tilespmem:s26+$0x8520]  }
0x87: {  	v50 =	vld [tilespmem:s26+$0x560]  }
0x88: {  	v51 =	vld [tilespmem:s26+$0x8560]  }
0x89: {  	v4 =	vld [tilespmem:s26+$0x5A0]  }
0x8a: {  	v58 =	vld [tilespmem:s26+$0x85A0]  }
0x8b: {  	v8 =	vld [tilespmem:s26+$0x5E0]  }
0x8c: {  	v9 =	vld [tilespmem:s26+$0x85E0]  }
0x8d: {  	v10 =	vld [tilespmem:s26+$0x620]  }
0x8e: {  	v11 =	vld [tilespmem:s26+$0x8620]  }
0x8f: {  	v12 =	vld [tilespmem:s26+$0x660]  }
0x90: {  	v13 =	vld [tilespmem:s26+$0x8660]  }
0x91: {  	v14 =	vld [tilespmem:s26+$0x6A0]  }
0x92: {  	v7 =	vld [tilespmem:s26+$0x400]  }
0x93: {  	v6 =	vld [tilespmem:s26+$0x440]  }
0x94: {  	v5 =	vld [tilespmem:s26+$0x8450]  }
0x95: {  	v25 =	vld [tilespmem:s26+$0x480]  }
0x96: {  	v16 =	vld [tilespmem:s26+$0x490]  }
0x97: {  	v15 =	vld [tilespmem:s26+$0x4C0]  }
0x98: {  	v22 =	vld [tilespmem:s26+$0x4D0]  }
0x99: {  	v17 =	vld [tilespmem:s26+$0x84D0]  }
0x9a: {  	v27 =	vld [tilespmem:s26+$0x500]  }
0x9b: {  	v20 =	vld [tilespmem:s26+$0x8500]  }
0x9c: {  	v21 =	vld [tilespmem:s26+$0x510]  }
0x9d: {  	v18 =	vld [tilespmem:s26+$0x8510]  }
0x9e: {  	v26 =	vld [tilespmem:s26+$0x540]  }
0x9f: {  	v23 =	vld [tilespmem:s26+$0x8540]  }
0xa0: {  	v24 =	vld [tilespmem:s26+$0x550]  }
0xa1: {  	v19 =	vld [tilespmem:s26+$0x8550]  }
0xa2: {  	[tilespmem:$0x1FD30] =	vst v56;
	v56 =	vld [tilespmem:s26+$0x7B0]  }
0xa3: {  	[tilespmem:$0x1FD40] =	vst v57;
	v57 =	vld [tilespmem:s26+$0x87B0]  }
0xa4: {  	[tilespmem:$0x1FD10] =	vst v0;
	v0 =	vld [tilespmem:s26+$0x460]  }
0xa5: {  	[tilespmem:$0x1FD20] =	vst v53;
	v53 =	vld [tilespmem:s26+$0x520]  }
0xa6: {  	[tilespmem:$0x1FD60] =	vst v58;
	v58 =	vld [tilespmem:s26+$0x86A0]  }
0xa7: {  	[tilespmem:$0x1FD70] =	vst v8;
	v8 =	vld [tilespmem:s26+$0x6E0]  }
0xa8: {  	[tilespmem:$0x1FD80] =	vst v9;
	v9 =	vld [tilespmem:s26+$0x86E0]  }
0xa9: {  	[tilespmem:$0x1FD90] =	vst v10;
	v10 =	vld [tilespmem:s26+$0x720]  }
0xaa: {  	[tilespmem:$0x1FDA0] =	vst v11;
	v11 =	vld [tilespmem:s26+$0x8720]  }
0xab: {  	[tilespmem:$0x1FDB0] =	vst v12;
	v12 =	vld [tilespmem:s26+$0x760]  }
0xac: {  	[tilespmem:$0x1FDC0] =	vst v13;
	v13 =	vld [tilespmem:s26+$0x8760]  }
0xad: {  	[tilespmem:$0x1FDD0] =	vst v14;
	v14 =	vld [tilespmem:s26+$0x87A0]  }
0xae: {  	[tilespmem:$0x1FD50] =	vst v4;
	v4 =	vld [tilespmem:s26+$0x8440]  }
0xaf: {  	v38 =	vmul.f32 v38, v48;
	v48 =	vld [tilespmem:s26+$0x580]  }
0xb0: {  	v34 =	vmul.f32 v34, v40;
	v40 =	vld [tilespmem:s26+$0x8580]  }
0xb1: {  	v28 =	vmul.f32 v28, v36;
	v36 =	vld [tilespmem:s26+$0x590]  }
0xb2: {  	v30 =	vmul.f32 v31, v30;
	v31 =	vld [tilespmem:s26+$0x8590]  }
0xb3: {  	v32 =	vmul.f32 v33, v32;
	v33 =	vld [tilespmem:s26+$0x5D0]  }
0xb4: {  	v39 =	vmul.f32 v39, v42;
	v42 =	vld [tilespmem:s26+$0x85D0]  }
0xb5: {  	v43 =	vmul.f32 v43, v52;
	v52 =	vmul.f32 v45, v44;
	v44 =	vld [tilespmem:s26+$0x600]  }
0xb6: {  	v45 =	vld [tilespmem:s26+$0x8600]  }
0xb7: {  	v18 =	vmul.f32 v18, v21;
	v21 =	vmul.f32 v23, v26;
	v23 =	vld [tilespmem:s26+$0x680]  }
0xb8: {  	v19 =	vmul.f32 v19, v24;
	v24 =	vld [tilespmem:s26+$0x8690]  }
0xb9: {  	v20 =	vmul.f32 v20, v27;
	v27 =	vld [tilespmem:s26+$0x6C0]  }
0xba: {  	v51 =	vmul.f32 v51, v50;
	v50 =	vld [tilespmem:$0x1FFD0]  }
0xbb: {  	v29 =	vmul.f32 v29, v37;
	v37 =	vmul.f32 v54, v55;
	v55 =	vld [tilespmem:$0x1FD10]  }
0xbc: {  	v18 =	vadd.f32 v18, v20;
	v20 =	vld [tilespmem:$0x1FD70]  }
0xbd: {  	v19 =	vadd.f32 v19, v21;
	v21 =	vld [tilespmem:$0x1FD80]  }
0xbe: {  	[tilespmem:$0x1FDE0] =	vst v58;
	v58 =	vld [tilespmem:s26+$0x7A0]  }
0xbf: {  	[tilespmem:$0x1FE20] =	vst v11;
	v11 =	vld [tilespmem:s26+$0x8400]  }
0xc0: {  	[tilespmem:$0x1FE10] =	vst v10;
	v10 =	vld [tilespmem:s26+$0x410]  }
0xc1: {  	[tilespmem:$0x1FE00] =	vst v9;
	v9 =	vld [tilespmem:s26+$0x8410]  }
0xc2: {  	[tilespmem:$0x1FDF0] =	vst v8;
	v8 =	vld [tilespmem:s26+$0x450]  }
0xc3: {  	[tilespmem:$0x1FE50] =	vst v14;
	v14 =	vld [tilespmem:s26+$0x8480]  }
0xc4: {  	[tilespmem:$0x1FE30] =	vst v12;
	v12 =	vld [tilespmem:s26+$0x8490]  }
0xc5: {  	[tilespmem:$0x1FE40] =	vst v13;
	v13 =	vld [tilespmem:s26+$0x84C0]  }
0xc6: {  	v4 =	vmul.f32 v4, v6;
	v6 =	vmul.f32 v60, v63;
	v63 =	vld [tilespmem:$0x1FD30]  }
0xc7: {  	v54 =	vmul.f32 v1, v0;
	v1 =	vld [tilespmem:s26+$0x610]  }
0xc8: {  	v49 =	vmul.f32 v49, v53;
	v60 =	vld [tilespmem:$0x1FDB0]  }
0xc9: {  	v31 =	vmul.f32 v31, v36;
	v36 =	vld [tilespmem:s26+$0x8700]  }
0xca: {  	v35 =	vmul.f32 v35, v41;
	v20 =	vmul.f32 v21, v20;
	v21 =	vld [tilespmem:s26+$0x690];
	v18 =	vadd.f32 v49, v18  }
0xcb: {  	v49 =	vmul.f32 v42, v33;
	v33 =	vld [tilespmem:s26+$0x710]  }
0xcc: {  	v18 =	vadd.f32 v35, v18;
	v35 =	vld [tilespmem:s26+$0x86D0]  }
0xcd: {  	v7 =	vmul.f32 v11, v7;
	v11 =	vld [tilespmem:s26+$0x5C0]  }
0xce: {  	v9 =	vmul.f32 v9, v10;
	v10 =	vld [tilespmem:s26+$0x85C0]  }
0xcf: {  	v17 =	vmul.f32 v17, v22;
	v12 =	vmul.f32 v12, v16;
	v16 =	vld [tilespmem:s26+$0x640]  }
0xd0: {  	v14 =	vmul.f32 v14, v25;
	v13 =	vmul.f32 v13, v15;
	v25 =	vld [tilespmem:s26+$0x8640]  }
0xd1: {  	v5 =	vmul.f32 v5, v8;
	v9 =	vadd.f32 v9, v7;
	v7 =	vmul.f32 v61, v55;
	v61 =	vld [tilespmem:$0x1FD20]  }
0xd2: {  	v47 =	vmul.f32 v47, v46;
	v46 =	vperm.xlane v18, v59;
	v13 =	vadd.f32 v17, v13;
	v17 =	vld [tilespmem:$0x1FD60]  }
0xd3: {  	v5 =	vadd.f32 v5, v4;
	v55 =	vld [tilespmem:$0x1FDA0]  }
0xd4: {  	v18 =	vadd.f32 v46, v18;
	v46 =	vld [tilespmem:$0x1FE10]  }
0xd5: {  	v19 =	vadd.f32 v51, v19;
	v41 =	vadd.f32 v54, v5;
	v5 =	vld [tilespmem:$0x1FD40]  }
0xd6: {  	v8 =	vadd.f32 v52, v9;
	v52 =	vld [tilespmem:$0x1FD50]  }
0xd7: {  	v19 =	vadd.f32 v28, v19;
	v54 =	vld [tilespmem:$0x1FD90]  }
0xd8: {  	v16 =	vmul.f32 v25, v16;
	v25 =	vld [tilespmem:s26+$0x740]  }
0xd9: {  	v53 =	vadd.f32 v47, v13;
	v47 =	vperm.xlane v19, v59;
	v38 =	vadd.f32 v38, v41;
	v41 =	vld [tilespmem:s26+$0x650]  }
0xda: {  	v8 =	vadd.f32 v43, v8;
	v43 =	vld [tilespmem:s26+$0x700]  }
0xdb: {  	v10 =	vmul.f32 v10, v11;
	v19 =	vadd.f32 v47, v19;
	v47 =	vld [tilespmem:$0x1FE20]  }
0xdc: {  	v4 =	vmul.f32 v62, v61;
	v62 =	vmul.f32 v3, v2;
	v3 =	vld [tilespmem:s26+$0x8610]  }
0xdd: {  	v61 =	vld [tilespmem:$0x1FDC0]  }
0xde: {  	v10 =	vadd.f32 v49, v10;
	v49 =	vld [tilespmem:$0x1FE40]  }
0xdf: {  	v12 =	vadd.f32 v12, v14;
	v18 =	vsel vm0, v18, v19;
	v19 =	vld [tilespmem:s26+$0x790]  }
0xe0: {  	v14 =	vmul.f32 v17, v52;
	v17 =	vld [tilespmem:s26+$0x8680]  }
0xe1: {  	v9 =	vadd.f32 v62, v12;
	v12 =	vadd.f32 v34, v53;
	v34 =	vld [tilespmem:s26+$0x86C0]  }
0xe2: {  	v53 =	vld [tilespmem:s26+$0x8710]  }
0xe3: {  	v13 =	vmul.f32 v55, v54;
	v54 =	vld [tilespmem:$0x1FDD0]  }
0xe4: {  	v15 =	vperm.xlane v8, v59;
	v22 =	vperm.xlane v38, v59;
	v55 =	vld [tilespmem:$0x1FDE0]  }
0xe5: {  	v51 =	vmul.f32 v45, v44;
	v21 =	vmul.f32 v24, v21;
	v10 =	vadd.f32 v20, v10;
	v20 =	vld [tilespmem:s26+$0x8750]  }
0xe6: {  	v5 =	vmul.f32 v5, v63;
	v8 =	vadd.f32 v15, v8;
	v15 =	vld [tilespmem:s26+$0x8650];
	v22 =	vadd.f32 v22, v38  }
0xe7: {  	v9 =	vadd.f32 v39, v9;
	v63 =	vperm.xlane v12, v59;
	v10 =	vadd.f32 v30, v10;
	v30 =	vld [tilespmem:s26+$0x8790]  }
0xe8: {  	v26 =	vmul.f32 v61, v60;
	v8 =	vsel vm0, v8, v22;
	v22 =	vld [tilespmem:s26+$0x6D0];
	v52 =	vmul.f32 v3, v1  }
0xe9: {  	v61 =	vld [tilespmem:$0x1FDF0];
	v28 =	vperm.xlane v8, v50;
	v62 =	vperm.xlane v9, v59  }
0xea: {  	v12 =	vadd.f32 v63, v12;
	v63 =	vld [tilespmem:s26+$0x750];
	v3 =	vperm.xlane v10, v59;
	v60 =	vmul.f32 v55, v54  }
0xeb: {  	v38 =	vadd.f32 v52, v51;
	v17 =	vmul.f32 v17, v23;
	v23 =	vld [tilespmem:s26+$0x87C0];
	v24 =	vmul.f32 v34, v27  }
0xec: {  	v27 =	vld [tilespmem:s26+$0x7D0];
	v8 =	vadd.f32 v28, v8;
	v28 =	vmul.f32 v40, v48;
	v9 =	vadd.f32 v62, v9  }
0xed: {  	v51 =	vld [tilespmem:s26+$0x7E0];
	v15 =	vmul.f32 v15, v41;
	v10 =	vadd.f32 v3, v10;
	v0 =	vadd.f32 v13, v38  }
0xee: {  	v33 =	vmul.f32 v53, v33;
	v62 =	vld [tilespmem:$0x1FE00];
	v17 =	vadd.f32 v21, v17;
	v28 =	vadd.f32 v31, v28  }
0xef: {  	v48 =	vld [tilespmem:$0x1FE30];
	v21 =	vmul.f32 v47, v46;
	v15 =	vadd.f32 v15, v16;
	v9 =	vsel vm0, v9, v12  }
0xf0: {  	v31 =	vld [tilespmem:s26+$0x8740];
	v22 =	vmul.f32 v35, v22;
	v12 =	vadd.f32 v32, v0;
	v14 =	vadd.f32 v14, v28  }
0xf1: {  	v11 =	vadd.f32 v60, v17;
	v1 =	vadd.f32 v26, v15;
	v15 =	vld [tilespmem:s26+$0x780];
	v26 =	vperm.xlane v9, v50  }
0xf2: {  	v17 =	vmul.f32 v36, v43;
	v28 =	vld [tilespmem:s26+$0x8780];
	v14 =	vadd.f32 v29, v14;
	v29 =	vperm.xlane v18, v50  }
0xf3: {  	v20 =	vmul.f32 v20, v63;
	v22 =	vadd.f32 v22, v24;
	v9 =	vadd.f32 v26, v9;
	v26 =	vld [tilespmem:s26+$0x7C0]  }
0xf4: {  	v16 =	vmul.f32 v62, v61;
	v44 =	vperm.xlane v12, v59;
	v18 =	vadd.f32 v29, v18;
	v29 =	vld [tilespmem:s26+$0x87D0]  }
0xf5: {  	v54 =	vld [tilespmem:$0x1FE50];
	v24 =	vmul.f32 v49, v48;
	v7 =	vadd.f32 v7, v11;
	v17 =	vadd.f32 v33, v17  }
0xf6: {  	v52 =	vld [tilespmem:s26+$0x87E0];
	v13 =	vadd.f32 v37, v1;
	v16 =	vadd.f32 v16, v22;
	v22 =	vmul.f32 v31, v25  }
0xf7: {  	v25 =	vld [tilespmem:s26+$0x7F0];
	v17 =	vadd.f32 v21, v17;
	v21 =	vmul.f32 v57, v56;
	v2 =	vperm.xlane v14, v59  }
0xf8: {  	v12 =	vadd.f32 v44, v12;
	v53 =	vmul.f32 v28, v15;
	v15 =	vmul.f32 v30, v19;
	v19 =	vld [tilespmem:s26+$0x87F0]  }
0xf9: {  	v6 =	vadd.f32 v6, v16;
	v16 =	vmul.f32 v23, v26;
	v23 =	vmul.f32 v29, v27  }
0xfa: {  	v20 =	vadd.f32 v20, v22;
	v22 =	vmul.f32 v54, v58;
	v4 =	vadd.f32 v4, v17  }
0xfb: {  	v11 =	vadd.f32 v15, v53;
	v15 =	vadd.f32 v23, v16;
	v16 =	vmul.f32 v52, v51  }
0xfc: {  	v45 =	vperm.xlane v13, v59;
	v14 =	vadd.f32 v2, v14;
	v20 =	vadd.f32 v24, v20  }
0xfd: {  	v11 =	vadd.f32 v22, v11;
	v15 =	vadd.f32 v16, v15;
	v16 =	vmul.f32 v19, v25  }
0xfe: {  	v17 =	vperm.xlane v7, v59;
	v13 =	vadd.f32 v45, v13;
	v5 =	vadd.f32 v5, v20  }
0xff: {  	v11 =	vadd.f32 v21, v11;
	v15 =	vadd.f32 v16, v15;
	v16 =	vperm.xlane v6, v59  }
0x100: {  	v7 =	vadd.f32 v17, v7;
	v17 =	vperm.xlane v4, v59;
	v19 =	vperm.xlane v5, v59  }
0x101: {  	v6 =	vadd.f32 v16, v6;
	v16 =	vperm.xlane v11, v59;
	v20 =	vperm.xlane v15, v59  }
0x102: {  	v10 =	vsel vm0, v14, v10;
	v4 =	vadd.f32 v17, v4;
	v5 =	vadd.f32 v19, v5  }
0x103: {  	v12 =	vsel vm0, v12, v13;
	v11 =	vadd.f32 v16, v11;
	v55 =	vadd.f32 v20, v15  }
0x104: {  	v62 =	vld [tilespmem:$0x1FFE0];
	v56 =	vperm.xlane v10, v50;
	v57 =	vperm.xlane v12, v50;
	v4 =	vsel vm0, v4, v5  }
0x105: {  	v61 =	vperm.xlane v4, v50;
	v6 =	vsel vm0, v7, v6;
	v58 =	vsel vm0, v11, v55  }
0x106: {  	v12 =	vadd.f32 v57, v12;
	v60 =	vperm.xlane v6, v50;
	v13 =	vperm.xlane v58, v50  }
0x107: {  	v7 =	vadd.f32 v56, v10;
	v4 =	vadd.f32 v61, v4  }
0x108: {  	v8 =	vsel vm1, v8, v9;
	v6 =	vadd.f32 v60, v6;
	v5 =	vadd.f32 v13, v58  }
0x109: {  	v9 =	vperm.xlane v8, v62;
	v7 =	vsel vm1, v18, v7  }
0x10a: {  	v63 =	vperm.xlane v7, v62;
	v6 =	vsel vm1, v12, v6;
	v4 =	vsel vm1, v4, v5  }
0x10b: {  	v12 =	vld [tilespmem:$0x1FFF0];
	v1 =	vperm.xlane v6, v62;
	v2 =	vperm.xlane v4, v62  }
0x10c: {  	v8 =	vadd.f32 v9, v8;
	v5 =	vadd.f32 v63, v7  }
0x10d: {  	v6 =	vadd.f32 v1, v6;
	v4 =	vadd.f32 v2, v4;
	_ =	sdelay $0x1  }
0x10e: {  	v5 =	vsel vm2, v8, v5;
	v4 =	vsel vm2, v6, v4  }
0x10f: {  	v13 =	vperm.xlane v5, v12;
	v14 =	vperm.xlane v4, v12;
	_ =	sdelay $0x1  }
0x110: {  	v5 =	vadd.f32 v13, v5;
	v4 =	vadd.f32 v14, v4;
	_ =	sdelay $0x1  }
0x111: {  	v4 =	vsel vm3, v5, v4  }
0x112: {  	v4 =	vsub.f32 $0.0e+00, v4;
	_ =	sdelay $0x1  }
0x113: {  	v4 =	vmul.f32 $1.442695020e+00, v4;
	_ =	sdelay $0x1  }
0x114: {  	(erf) = vpow2.f32 v4;
	_ =	sdelay $0x8  }
0x115: {  	v4 =	vpop (erf)  }
0x116: {  	v4 =	vadd.f32 $1.000000000e+00, v4;
	_ =	sdelay $0x1  }
0x117: {  	(erf) = vrcp.f32 v4;
	_ =	sdelay $0x8  }
0x118: {  	v4 =	vpop (erf)  }
0x119: {  	v4 =	vmul.f32 $1.000000000e+01, v4;
	_ =	sdelay $0x1  }
0x11a: {  	s26 =	simm.s32 $0x400;
	[tilespmem:s23+$0x0] =	vst v4  }
0x11b: {  	v61 =	vld [tilespmem:s26+$0x430]  }
0x11c: {  	v9 =	vld [tilespmem:s26+$0x8430]  }
0x11d: {  	v60 =	vld [tilespmem:s26+$0x470]  }
0x11e: {  	v49 =	vld [tilespmem:s26+$0x8470]  }
0x11f: {  	v7 =	vld [tilespmem:s26+$0x4B0]  }
0x120: {  	v45 =	vld [tilespmem:s26+$0x84B0]  }
0x121: {  	v47 =	vld [tilespmem:s26+$0x4F0]  }
0x122: {  	v44 =	vld [tilespmem:s26+$0x84F0]  }
0x123: {  	v4 =	vld [tilespmem:s26+$0x530]  }
0x124: {  	v40 =	vld [tilespmem:s26+$0x8530]  }
0x125: {  	v6 =	vld [tilespmem:s26+$0x570]  }
0x126: {  	v41 =	vld [tilespmem:s26+$0x8570]  }
0x127: {  	v42 =	vld [tilespmem:s26+$0x5B0]  }
0x128: {  	v39 =	vld [tilespmem:s26+$0x85B0]  }
0x129: {  	v43 =	vld [tilespmem:s26+$0x5F0]  }
0x12a: {  	v37 =	vld [tilespmem:s26+$0x85F0]  }
0x12b: {  	v38 =	vld [tilespmem:s26+$0x630]  }
0x12c: {  	v36 =	vld [tilespmem:s26+$0x8630]  }
0x12d: {  	v32 =	vld [tilespmem:s26+$0x670]  }
0x12e: {  	v33 =	vld [tilespmem:s26+$0x8670]  }
0x12f: {  	v62 =	vld [tilespmem:s26+$0x6B0]  }
0x130: {  	v34 =	vld [tilespmem:s26+$0x86B0]  }
0x131: {  	v35 =	vld [tilespmem:s26+$0x6F0]  }
0x132: {  	v46 =	vld [tilespmem:s26+$0x86F0]  }
0x133: {  	v48 =	vld [tilespmem:s26+$0x730]  }
0x134: {  	v51 =	vld [tilespmem:s26+$0x8730]  }
0x135: {  	v63 =	vld [tilespmem:s26+$0x770]  }
0x136: {  	v52 =	vld [tilespmem:s26+$0x8770]  }
0x137: {  	v0 =	vld [tilespmem:s26+$0x420]  }
0x138: {  	v1 =	vld [tilespmem:s26+$0x8420]  }
0x139: {  	v2 =	vld [tilespmem:s26+$0x460]  }
0x13a: {  	v3 =	vld [tilespmem:s26+$0x8460]  }
0x13b: {  	v5 =	vld [tilespmem:s26+$0x84A0]  }
0x13c: {  	v8 =	vld [tilespmem:s26+$0x4E0]  }
0x13d: {  	v10 =	vld [tilespmem:s26+$0x84E0]  }
0x13e: {  	v58 =	vld [tilespmem:s26+$0x520]  }
0x13f: {  	v11 =	vld [tilespmem:s26+$0x8520]  }
0x140: {  	v53 =	vld [tilespmem:s26+$0x560]  }
0x141: {  	v54 =	vld [tilespmem:s26+$0x8560]  }
0x142: {  	v55 =	vld [tilespmem:s26+$0x5A0]  }
0x143: {  	v56 =	vld [tilespmem:s26+$0x85A0]  }
0x144: {  	v57 =	vld [tilespmem:s26+$0x5E0]  }
0x145: {  	v19 =	vld [tilespmem:s26+$0x8400]  }
0x146: {  	v17 =	vld [tilespmem:s26+$0x400]  }
0x147: {  	v16 =	vld [tilespmem:s26+$0x410]  }
0x148: {  	v15 =	vld [tilespmem:s26+$0x8410]  }
0x149: {  	v18 =	vld [tilespmem:s26+$0x440]  }
0x14a: {  	v13 =	vld [tilespmem:s26+$0x8440]  }
0x14b: {  	v14 =	vld [tilespmem:s26+$0x450]  }
0x14c: {  	v12 =	vld [tilespmem:s26+$0x8450]  }
0x14d: {  	v22 =	vld [tilespmem:s26+$0x8480]  }
0x14e: {  	v24 =	vld [tilespmem:s26+$0x490]  }
0x14f: {  	v20 =	vld [tilespmem:s26+$0x8490]  }
0x150: {  	v23 =	vld [tilespmem:s26+$0x4C0]  }
0x151: {  	v21 =	vld [tilespmem:s26+$0x84C0]  }
0x152: {  	v30 =	vld [tilespmem:s26+$0x4D0]  }
0x153: {  	v25 =	vld [tilespmem:s26+$0x84D0]  }
0x154: {  	v28 =	vld [tilespmem:s26+$0x8500]  }
0x155: {  	v29 =	vld [tilespmem:s26+$0x510]  }
0x156: {  	v26 =	vld [tilespmem:s26+$0x8510]  }
0x157: {  	v31 =	vld [tilespmem:s26+$0x8540]  }
0x158: {  	v27 =	vld [tilespmem:s26+$0x8550]  }
0x159: {  	[tilespmem:$0x1FED0] =	vst v51;
	v51 =	vld [tilespmem:s26+$0x7B0]  }
0x15a: {  	[tilespmem:$0x1FEE0] =	vst v52;
	v52 =	vld [tilespmem:s26+$0x87B0]  }
0x15b: {  	[tilespmem:$0x1FEC0] =	vst v48;
	v48 =	vld [tilespmem:s26+$0x4A0]  }
0x15c: {  	[tilespmem:$0x1FE70] =	vst v32;
	v32 =	vld [tilespmem:s26+$0x85E0]  }
0x15d: {  	[tilespmem:$0x1FE80] =	vst v33;
	v33 =	vld [tilespmem:s26+$0x620]  }
0x15e: {  	[tilespmem:$0x1FE90] =	vst v34;
	v34 =	vld [tilespmem:s26+$0x8620]  }
0x15f: {  	[tilespmem:$0x1FEA0] =	vst v35;
	v35 =	vld [tilespmem:s26+$0x660]  }
0x160: {  	[tilespmem:$0x1FEB0] =	vst v46;
	v46 =	vld [tilespmem:s26+$0x8660]  }
0x161: {  	[tilespmem:$0x1FEF0] =	vst v53;
	v53 =	vld [tilespmem:s26+$0x6A0]  }
0x162: {  	[tilespmem:$0x1FF00] =	vst v54;
	v54 =	vld [tilespmem:s26+$0x86A0]  }
0x163: {  	[tilespmem:$0x1FF10] =	vst v55;
	v55 =	vld [tilespmem:s26+$0x6E0]  }
0x164: {  	[tilespmem:$0x1FF20] =	vst v56;
	v56 =	vld [tilespmem:s26+$0x86E0]  }
0x165: {  	[tilespmem:$0x1FF30] =	vst v57;
	v57 =	vld [tilespmem:s26+$0x8720]  }
0x166: {  	v45 =	vmul.f32 v45, v7;
	v7 =	vld [tilespmem:s26+$0x8580]  }
0x167: {  	v40 =	vmul.f32 v40, v4;
	v4 =	vld [tilespmem:s26+$0x590]  }
0x168: {  	v39 =	vmul.f32 v39, v42;
	v42 =	vld [tilespmem:s26+$0x8590]  }
0x169: {  	v36 =	vmul.f32 v36, v38;
	v38 =	vld [tilespmem:s26+$0x5C0]  }
0x16a: {  	v17 =	vmul.f32 v19, v17;
	v19 =	vld [tilespmem:s26+$0x85C0]  }
0x16b: {  	v13 =	vmul.f32 v13, v18;
	v18 =	vld [tilespmem:s26+$0x5D0]  }
0x16c: {  	v15 =	vmul.f32 v15, v16;
	v16 =	vmul.f32 v1, v0;
	v0 =	vld [tilespmem:s26+$0x85D0]  }
0x16d: {  	v1 =	vmul.f32 v3, v2;
	v2 =	vld [tilespmem:s26+$0x600]  }
0x16e: {  	v20 =	vmul.f32 v20, v24;
	v24 =	vmul.f32 v25, v30;
	v30 =	vld [tilespmem:s26+$0x650]  }
0x16f: {  	v9 =	vmul.f32 v9, v61;
	v61 =	vld [tilespmem:$0x1FE70]  }
0x170: {  	v41 =	vmul.f32 v41, v6;
	v6 =	vld [tilespmem:$0x1FE80]  }
0x171: {  	v12 =	vmul.f32 v12, v14;
	v14 =	vld [tilespmem:$0x1FEA0]  }
0x172: {  	v44 =	vmul.f32 v44, v47;
	v47 =	vld [tilespmem:$0x1FEB0]  }
0x173: {  	v49 =	vmul.f32 v49, v60;
	v60 =	vld [tilespmem:$0x1FEC0];
	v17 =	vadd.f32 v15, v17  }
0x174: {  	v13 =	vadd.f32 v12, v13;
	v12 =	vld [tilespmem:$0x1FE90]  }
0x175: {  	v16 =	vadd.f32 v16, v17;
	v17 =	vld [tilespmem:s26+$0x8600]  }
0x176: {  	[tilespmem:$0x1FFC0] =	vst v56;
	v56 =	vld [tilespmem:s26+$0x720]  }
0x177: {  	[tilespmem:$0x1FFB0] =	vst v55;
	v55 =	vld [tilespmem:s26+$0x760]  }
0x178: {  	[tilespmem:$0x1FE60] =	vst v57;
	v57 =	vld [tilespmem:s26+$0x8760]  }
0x179: {  	[tilespmem:$0x1FF90] =	vst v53;
	v53 =	vld [tilespmem:s26+$0x7A0]  }
0x17a: {  	[tilespmem:$0x1FFA0] =	vst v54;
	v54 =	vld [tilespmem:s26+$0x87A0]  }
0x17b: {  	[tilespmem:$0x1FF50] =	vst v33;
	v33 =	vld [tilespmem:s26+$0x480]  }
0x17c: {  	[tilespmem:$0x1FF70] =	vst v35;
	v35 =	vld [tilespmem:s26+$0x500]  }
0x17d: {  	[tilespmem:$0x1FF60] =	vst v34;
	v34 =	vld [tilespmem:s26+$0x540]  }
0x17e: {  	[tilespmem:$0x1FF40] =	vst v32;
	v32 =	vld [tilespmem:s26+$0x550]  }
0x17f: {  	[tilespmem:$0x1FF80] =	vst v46;
	v46 =	vld [tilespmem:s26+$0x580]  }
0x180: {  	v3 =	vmul.f32 v5, v48;
	v5 =	vld [tilespmem:s26+$0x610]  }
0x181: {  	v48 =	vld [tilespmem:$0x1FF10]  }
0x182: {  	v37 =	vmul.f32 v37, v43;
	v1 =	vadd.f32 v1, v13;
	v16 =	vadd.f32 v9, v16;
	v9 =	vld [tilespmem:s26+$0x8610]  }
0x183: {  	v43 =	vmul.f32 v6, v61;
	v6 =	vmul.f32 v10, v8;
	v10 =	vld [tilespmem:s26+$0x8640]  }
0x184: {  	v1 =	vadd.f32 v49, v1;
	v49 =	vld [tilespmem:$0x1FF20]  }
0x185: {  	v8 =	vmul.f32 v11, v58;
	v11 =	vld [tilespmem:s26+$0x690]  }
0x186: {  	v21 =	vmul.f32 v21, v23;
	v58 =	vld [tilespmem:$0x1FF30]  }
0x187: {  	v61 =	vmul.f32 v12, v62;
	v12 =	vld [tilespmem:$0x1FED0]  }
0x188: {  	v21 =	vadd.f32 v24, v21;
	v62 =	vmul.f32 v47, v14;
	v14 =	vld [tilespmem:$0x1FEE0]  }
0x189: {  	v47 =	vld [tilespmem:$0x1FF00]  }
0x18a: {  	v23 =	vperm.xlane v16, v59;
	v21 =	vadd.f32 v6, v21;
	v6 =	vld [tilespmem:s26+$0x6C0]  }
0x18b: {  	v22 =	vmul.f32 v22, v33;
	v33 =	vld [tilespmem:s26+$0x640]  }
0x18c: {  	v16 =	vadd.f32 v23, v16;
	v23 =	vld [tilespmem:s26+$0x8650]  }
0x18d: {  	v25 =	vperm.xlane v1, v59;
	v28 =	vmul.f32 v28, v35;
	v35 =	vld [tilespmem:s26+$0x680]  }
0x18e: {  	v26 =	vmul.f32 v26, v29;
	v29 =	vmul.f32 v31, v34;
	v34 =	vld [tilespmem:$0x1FEF0]  }
0x18f: {  	v27 =	vmul.f32 v27, v32;
	v25 =	vadd.f32 v25, v1;
	v1 =	vld [tilespmem:s26+$0x8680]  }
0x190: {  	v32 =	vmul.f32 v49, v48;
	v48 =	vld [tilespmem:$0x1FF60]  }
0x191: {  	v24 =	vadd.f32 v27, v29;
	v27 =	vmul.f32 v7, v46;
	v7 =	vld [tilespmem:s26+$0x86D0]  }
0x192: {  	v60 =	vmul.f32 v12, v60;
	v12 =	vld [tilespmem:$0x1FF80]  }
0x193: {  	v63 =	vmul.f32 v14, v63;
	v20 =	vadd.f32 v20, v22;
	v14 =	vld [tilespmem:$0x1FF90]  }
0x194: {  	v22 =	vadd.f32 v26, v28;
	v26 =	vadd.f32 v44, v21;
	v44 =	vld [tilespmem:$0x1FFA0]  }
0x195: {  	v46 =	vld [tilespmem:$0x1FFB0]  }
0x196: {  	v16 =	vsel vm0, v16, v25;
	v20 =	vadd.f32 v3, v20;
	v3 =	vld [tilespmem:s26+$0x8690]  }
0x197: {  	v21 =	vperm.xlane v16, v50;
	v31 =	vmul.f32 v47, v34;
	v34 =	vld [tilespmem:$0x1FF40]  }
0x198: {  	v47 =	vld [tilespmem:$0x1FF50]  }
0x199: {  	v19 =	vmul.f32 v19, v38;
	v22 =	vadd.f32 v8, v22;
	v16 =	vadd.f32 v21, v16;
	v21 =	vld [tilespmem:s26+$0x700]  }
0x19a: {  	v18 =	vmul.f32 v0, v18;
	v30 =	vmul.f32 v23, v30;
	v23 =	vld [tilespmem:s26+$0x8740];
	v20 =	vadd.f32 v45, v20  }
0x19b: {  	v45 =	vld [tilespmem:s26+$0x86C0];
	v25 =	vadd.f32 v40, v22;
	v24 =	vadd.f32 v31, v24;
	v31 =	vmul.f32 v42, v4  }
0x19c: {  	v17 =	vmul.f32 v17, v2;
	v40 =	vld [tilespmem:s26+$0x6D0];
	v22 =	vperm.xlane v20, v59  }
0x19d: {  	v31 =	vadd.f32 v31, v27;
	v27 =	vld [tilespmem:s26+$0x740];
	v28 =	vmul.f32 v34, v58;
	v58 =	vperm.xlane v25, v59  }
0x19e: {  	v9 =	vmul.f32 v9, v5;
	v29 =	vadd.f32 v41, v24;
	v20 =	vadd.f32 v22, v20;
	v22 =	vld [tilespmem:s26+$0x8700]  }
0x19f: {  	v24 =	vperm.xlane v26, v59;
	v38 =	vadd.f32 v58, v25;
	v25 =	vmul.f32 v10, v33;
	v10 =	vld [tilespmem:$0x1FF70]  }
0x1a0: {  	v18 =	vadd.f32 v18, v19;
	v17 =	vadd.f32 v9, v17;
	v49 =	vmul.f32 v48, v47;
	v47 =	vld [tilespmem:$0x1FFC0]  }
0x1a1: {  	v34 =	vld [tilespmem:s26+$0x8790];
	v4 =	vadd.f32 v24, v26;
	v8 =	vperm.xlane v29, v59  }
0x1a2: {  	v24 =	vld [tilespmem:s26+$0x710];
	v18 =	vadd.f32 v28, v18;
	v17 =	vadd.f32 v49, v17  }
0x1a3: {  	v26 =	vld [tilespmem:s26+$0x8710];
	v42 =	vadd.f32 v8, v29;
	v29 =	vmul.f32 v44, v14;
	v20 =	vsel vm0, v20, v4  }
0x1a4: {  	v33 =	vld [tilespmem:s26+$0x780];
	v44 =	vmul.f32 v3, v11;
	v19 =	vadd.f32 v30, v25;
	v13 =	vmul.f32 v12, v10  }
0x1a5: {  	v28 =	vld [tilespmem:s26+$0x790];
	v30 =	vadd.f32 v32, v31;
	v49 =	vadd.f32 v37, v18;
	v18 =	vperm.xlane v20, v50  }
0x1a6: {  	v25 =	vld [tilespmem:s26+$0x750];
	v31 =	vmul.f32 v47, v46;
	v38 =	vsel vm0, v38, v42;
	v19 =	vadd.f32 v13, v19  }
0x1a7: {  	v32 =	vld [tilespmem:s26+$0x8750];
	v42 =	vmul.f32 v1, v35;
	v48 =	vadd.f32 v39, v30;
	v39 =	vadd.f32 v36, v17  }
0x1a8: {  	v35 =	vld [tilespmem:s26+$0x7C0];
	v58 =	vperm.xlane v49, v59;
	v37 =	vadd.f32 v43, v19;
	v19 =	vperm.xlane v38, v50  }
0x1a9: {  	v30 =	vld [tilespmem:s26+$0x8780];
	v17 =	vadd.f32 v18, v20;
	v20 =	vperm.xlane v48, v59;
	v41 =	vperm.xlane v39, v59  }
0x1aa: {  	v36 =	vld [tilespmem:s26+$0x87C0];
	v43 =	vmul.f32 v45, v6;
	v45 =	vmul.f32 v7, v40;
	v18 =	vadd.f32 v19, v38  }
0x1ab: {  	s29 =	simm.s32 $0x2000;
	s28 =	simm.s32 $0x10400;
	v19 =	vadd.f32 v20, v48;
	v40 =	vperm.xlane v37, v59;
	v20 =	vadd.f32 v58, v49;
	v38 =	vld [tilespmem:s26+$0x7D0]  }
.LBB2_2:
0x1ac: {  	v0 =	vld [tilespmem:$0x1FE60];
	_ =	sdelay $0x3  }
0x1ad: {  	v11 =	vld [tilespmem:s26+$0x87D0];
	v8 =	vmul.f32 v57, v55;
	v42 =	vadd.f32 v44, v42;
	v39 =	vadd.f32 v41, v39  }
0x1ae: {  	v10 =	vld [tilespmem:s26+$0x7E0];
	v37 =	vadd.f32 v40, v37;
	v9 =	vmul.f32 v0, v56;
	v56 =	vadd.f32 v45, v43  }
0x1af: {  	v29 =	vadd.f32 v29, v42;
	v21 =	vmul.f32 v22, v21;
	v22 =	vmul.f32 v26, v24;
	v24 =	vld [tilespmem:s26+$0x87E0]  }
0x1b0: {  	v23 =	vmul.f32 v23, v27;
	v25 =	vmul.f32 v32, v25;
	v27 =	vld [tilespmem:s26+$0x7F0];
	v26 =	vadd.f32 v31, v56  }
0x1b1: {  	v28 =	vmul.f32 v34, v28;
	v15 =	vadd.f32 v61, v29;
	v29 =	vmul.f32 v30, v33;
	v30 =	vld [tilespmem:s26+$0x87F0]  }
0x1b2: {  	v11 =	vmul.f32 v11, v38;
	v14 =	vadd.f32 v62, v26;
	v26 =	vmul.f32 v36, v35  }
0x1b3: {  	v6 =	vmul.f32 v54, v53;
	v21 =	vadd.f32 v22, v21;
	v22 =	vadd.f32 v25, v23  }
0x1b4: {  	v7 =	vadd.f32 v28, v29;
	v10 =	vmul.f32 v24, v10;
	v11 =	vadd.f32 v11, v26  }
0x1b5: {  	v4 =	vmul.f32 v52, v51;
	v9 =	vadd.f32 v9, v21;
	v8 =	vadd.f32 v8, v22  }
0x1b6: {  	v5 =	vadd.f32 v6, v7;
	v58 =	vmul.f32 v30, v27;
	v57 =	vadd.f32 v10, v11  }
0x1b7: {  	v9 =	vadd.f32 v60, v9;
	v8 =	vadd.f32 v63, v8;
	v60 =	vperm.xlane v15, v59  }
0x1b8: {  	v36 =	vld [tilespmem:$0x1FFD0];
	v4 =	vadd.f32 v4, v5;
	v62 =	vperm.xlane v14, v59;
	v61 =	vadd.f32 v58, v57  }
0x1b9: {  	v63 =	vadd.f32 v60, v15;
	v0 =	vperm.xlane v9, v59;
	v1 =	vperm.xlane v8, v59  }
0x1ba: {  	v6 =	vadd.f32 v62, v14;
	v12 =	vperm.xlane v4, v59;
	v13 =	vperm.xlane v61, v59  }
0x1bb: {  	v2 =	vsel vm0, v19, v20;
	v9 =	vadd.f32 v0, v9;
	v8 =	vadd.f32 v1, v8  }
0x1bc: {  	v32 =	vsel vm0, v39, v37;
	v4 =	vadd.f32 v12, v4;
	v5 =	vadd.f32 v13, v61  }
0x1bd: {  	v39 =	vld [tilespmem:$0x1FFE0];
	v33 =	vperm.xlane v2, v36;
	v34 =	vperm.xlane v32, v36;
	v8 =	vsel vm0, v9, v8  }
0x1be: {  	v6 =	vsel vm0, v63, v6;
	v9 =	vperm.xlane v8, v36;
	v4 =	vsel vm0, v4, v5  }
0x1bf: {  	v35 =	vperm.xlane v6, v36;
	v7 =	vadd.f32 v33, v2;
	v37 =	vperm.xlane v4, v36  }
0x1c0: {  	v10 =	vadd.f32 v34, v32;
	v8 =	vadd.f32 v9, v8  }
0x1c1: {  	v38 =	vsel vm1, v16, v17;
	v5 =	vadd.f32 v35, v6;
	v4 =	vadd.f32 v37, v4  }
0x1c2: {  	v40 =	vperm.xlane v38, v39;
	v7 =	vsel vm1, v18, v7  }
0x1c3: {  	v41 =	vperm.xlane v7, v39;
	v5 =	vsel vm1, v10, v5;
	v4 =	vsel vm1, v8, v4  }
0x1c4: {  	v43 =	vld [tilespmem:$0x1FFF0];
	v10 =	vperm.xlane v5, v39;
	v42 =	vperm.xlane v4, v39  }
0x1c5: {  	v6 =	vadd.f32 v40, v38;
	v7 =	vadd.f32 v41, v7  }
0x1c6: {  	v5 =	vadd.f32 v10, v5;
	v4 =	vadd.f32 v42, v4;
	_ =	sdelay $0x1  }
0x1c7: {  	v6 =	vsel vm2, v6, v7;
	v4 =	vsel vm2, v5, v4  }
0x1c8: {  	v44 =	vperm.xlane v6, v43;
	v45 =	vperm.xlane v4, v43;
	_ =	sdelay $0x1  }
0x1c9: {  	v5 =	vadd.f32 v44, v6;
	v4 =	vadd.f32 v45, v4;
	_ =	sdelay $0x1  }
0x1ca: {  	v4 =	vsel vm3, v5, v4  }
0x1cb: {  	v4 =	vsub.f32 $0.0e+00, v4;
	_ =	sdelay $0x1  }
0x1cc: {  	v4 =	vmul.f32 $1.442695020e+00, v4;
	_ =	sdelay $0x1  }
0x1cd: {  	(erf) = vpow2.f32 v4;
	_ =	sdelay $0x8  }
0x1ce: {  	v4 =	vpop (erf)  }
0x1cf: {  	v4 =	vadd.f32 $1.000000000e+00, v4;
	_ =	sdelay $0x1  }
0x1d0: {  	(erf) = vrcp.f32 v4;
	_ =	sdelay $0x8  }
0x1d1: {  	v4 =	vpop (erf)  }
0x1d2: {  	v4 =	vmul.f32 $1.000000000e+01, v4  }
0x1d3: {  	s28 =	sadd.s32 $0x10, s28  }
0x1d4: {  	s26 =	sshra.s32 s29, $0x2;
	[tilespmem:s28+$0x0] =	vst v4  }
0x1d5: {  	v56 =	vld [tilespmem:s26+$0x430]  }
0x1d6: {  	v25 =	vld [tilespmem:s26+$0x8430]  }
0x1d7: {  	v46 =	vld [tilespmem:s26+$0x470]  }
0x1d8: {  	v47 =	vld [tilespmem:s26+$0x8470]  }
0x1d9: {  	v48 =	vld [tilespmem:s26+$0x4B0]  }
0x1da: {  	v34 =	vld [tilespmem:s26+$0x84B0]  }
0x1db: {  	v30 =	vld [tilespmem:s26+$0x4F0]  }
0x1dc: {  	v12 =	vld [tilespmem:s26+$0x84F0]  }
0x1dd: {  	v40 =	vld [tilespmem:s26+$0x530]  }
0x1de: {  	v44 =	vld [tilespmem:s26+$0x8530]  }
0x1df: {  	v42 =	vld [tilespmem:s26+$0x570]  }
0x1e0: {  	v13 =	vld [tilespmem:s26+$0x8570]  }
0x1e1: {  	v39 =	vld [tilespmem:s26+$0x5B0]  }
0x1e2: {  	v22 =	vld [tilespmem:s26+$0x85B0]  }
0x1e3: {  	v27 =	vld [tilespmem:s26+$0x5F0]  }
0x1e4: {  	v45 =	vld [tilespmem:s26+$0x85F0]  }
0x1e5: {  	v24 =	vld [tilespmem:s26+$0x630]  }
0x1e6: {  	v23 =	vld [tilespmem:s26+$0x8630]  }
0x1e7: {  	v37 =	vld [tilespmem:s26+$0x670]  }
0x1e8: {  	v43 =	vld [tilespmem:s26+$0x8670]  }
0x1e9: {  	v49 =	vld [tilespmem:s26+$0x6B0]  }
0x1ea: {  	v50 =	vld [tilespmem:s26+$0x86B0]  }
0x1eb: {  	v32 =	vld [tilespmem:s26+$0x6F0]  }
0x1ec: {  	v41 =	vld [tilespmem:s26+$0x86F0]  }
0x1ed: {  	v51 =	vld [tilespmem:s26+$0x730]  }
0x1ee: {  	v38 =	vld [tilespmem:s26+$0x8730]  }
0x1ef: {  	v52 =	vld [tilespmem:s26+$0x770]  }
0x1f0: {  	v31 =	vld [tilespmem:s26+$0x8770]  }
0x1f1: {  	v53 =	vld [tilespmem:s26+$0x7B0]  }
0x1f2: {  	v54 =	vld [tilespmem:s26+$0x87B0]  }
0x1f3: {  	v61 =	vld [tilespmem:s26+$0x420]  }
0x1f4: {  	v63 =	vld [tilespmem:s26+$0x8420]  }
0x1f5: {  	v60 =	vld [tilespmem:s26+$0x460]  }
0x1f6: {  	v62 =	vld [tilespmem:s26+$0x8460]  }
0x1f7: {  	v18 =	vld [tilespmem:s26+$0x4A0]  }
0x1f8: {  	v14 =	vld [tilespmem:s26+$0x84A0]  }
0x1f9: {  	v21 =	vld [tilespmem:s26+$0x4E0]  }
0x1fa: {  	v17 =	vld [tilespmem:s26+$0x84E0]  }
0x1fb: {  	v20 =	vld [tilespmem:s26+$0x520]  }
0x1fc: {  	v16 =	vld [tilespmem:s26+$0x8520]  }
0x1fd: {  	v19 =	vld [tilespmem:s26+$0x560]  }
0x1fe: {  	v15 =	vld [tilespmem:s26+$0x8560]  }
0x1ff: {  	v55 =	vld [tilespmem:s26+$0x5A0]  }
0x200: {  	v57 =	vld [tilespmem:s26+$0x85A0]  }
0x201: {  	v58 =	vld [tilespmem:s26+$0x5E0]  }
0x202: {  	v4 =	vld [tilespmem:s26+$0x85E0]  }
0x203: {  	v5 =	vld [tilespmem:s26+$0x620]  }
0x204: {  	v6 =	vld [tilespmem:s26+$0x8620]  }
0x205: {  	v7 =	vld [tilespmem:s26+$0x660]  }
0x206: {  	v8 =	vld [tilespmem:s26+$0x8660]  }
0x207: {  	v9 =	vld [tilespmem:s26+$0x6A0]  }
0x208: {  	v10 =	vld [tilespmem:s26+$0x86A0]  }
0x209: {  	v11 =	vld [tilespmem:s26+$0x6E0]  }
0x20a: {  	v33 =	vld [tilespmem:s26+$0x86E0]  }
0x20b: {  	v26 =	vld [tilespmem:s26+$0x720]  }
0x20c: {  	v35 =	vld [tilespmem:s26+$0x8720]  }
0x20d: {  	v29 =	vld [tilespmem:s26+$0x7A0]  }
0x20e: {  	v3 =	vld [tilespmem:s26+$0x8400]  }
0x20f: {  	v2 =	vld [tilespmem:s26+$0x400]  }
0x210: {  	v1 =	vld [tilespmem:s26+$0x410]  }
0x211: {  	v0 =	vld [tilespmem:s26+$0x8490]  }
0x212: {  	[tilespmem:$0x1FE60] =	vst v35;
	v35 =	vld [tilespmem:s26+$0x760]  }
0x213: {  	[tilespmem:$0x1FC70] =	vst v58;
	v58 =	vld [tilespmem:s26+$0x8760]  }
0x214: {  	[tilespmem:$0x1FD00] =	vst v33;
	v33 =	vld [tilespmem:s26+$0x87A0]  }
0x215: {  	[tilespmem:$0x1FC80] =	vst v4;
	v4 =	vld [tilespmem:s26+$0x8410]  }
0x216: {  	[tilespmem:$0x1FC90] =	vst v5;
	v5 =	vld [tilespmem:s26+$0x440]  }
0x217: {  	[tilespmem:$0x1FCA0] =	vst v6;
	v6 =	vld [tilespmem:s26+$0x8440]  }
0x218: {  	[tilespmem:$0x1FCB0] =	vst v7;
	v7 =	vld [tilespmem:s26+$0x450]  }
0x219: {  	[tilespmem:$0x1FCC0] =	vst v8;
	v8 =	vld [tilespmem:s26+$0x8450]  }
0x21a: {  	[tilespmem:$0x1FCD0] =	vst v9;
	v9 =	vld [tilespmem:s26+$0x480]  }
0x21b: {  	[tilespmem:$0x1FCE0] =	vst v10;
	v10 =	vld [tilespmem:s26+$0x8480]  }
0x21c: {  	[tilespmem:$0x1FCF0] =	vst v11;
	v11 =	vld [tilespmem:s26+$0x490]  }
0x21d: {  	[tilespmem:$0x1FBC0] =	vst v46;
	v46 =	vld [tilespmem:s26+$0x4C0]  }
0x21e: {  	[tilespmem:$0x1FBD0] =	vst v47;
	v47 =	vld [tilespmem:s26+$0x84C0]  }
0x21f: {  	[tilespmem:$0x1FBE0] =	vst v48;
	v48 =	vld [tilespmem:s26+$0x4D0]  }
0x220: {  	[tilespmem:$0x1FBF0] =	vst v49;
	v49 =	vld [tilespmem:s26+$0x84D0]  }
0x221: {  	[tilespmem:$0x1FC00] =	vst v50;
	v50 =	vld [tilespmem:s26+$0x500]  }
0x222: {  	[tilespmem:$0x1FC10] =	vst v51;
	v51 =	vld [tilespmem:s26+$0x8500]  }
0x223: {  	[tilespmem:$0x1FC20] =	vst v52;
	v52 =	vld [tilespmem:s26+$0x510]  }
0x224: {  	[tilespmem:$0x1FC30] =	vst v53;
	v53 =	vld [tilespmem:s26+$0x8510]  }
0x225: {  	[tilespmem:$0x1FC40] =	vst v54;
	v54 =	vld [tilespmem:s26+$0x540]  }
0x226: {  	[tilespmem:$0x1FC50] =	vst v55;
	v55 =	vld [tilespmem:s26+$0x8540]  }
0x227: {  	[tilespmem:$0x1FC60] =	vst v57;
	v57 =	vld [tilespmem:s26+$0x550]  }
0x228: {  	v44 =	vmul.f32 v44, v40;
	v40 =	vld [tilespmem:s26+$0x580]  }
0x229: {  	v30 =	vmul.f32 v12, v30;
	v12 =	vmul.f32 v13, v42;
	v13 =	vld [tilespmem:s26+$0x8580]  }
0x22a: {  	v42 =	vmul.f32 v22, v39;
	v22 =	vld [tilespmem:s26+$0x590]  }
0x22b: {  	v2 =	vmul.f32 v3, v2;
	v3 =	vld [tilespmem:s26+$0x8590]  }
0x22c: {  	v39 =	vmul.f32 v23, v24;
	v23 =	vld [tilespmem:s26+$0x85D0]  }
0x22d: {  	v15 =	vmul.f32 v15, v19;
	v19 =	vld [tilespmem:s26+$0x8610]  }
0x22e: {  	v37 =	vmul.f32 v43, v37;
	v16 =	vmul.f32 v16, v20;
	v20 =	vld [tilespmem:s26+$0x640]  }
0x22f: {  	v43 =	vmul.f32 v62, v60;
	v62 =	vmul.f32 v41, v32;
	v32 =	vld [tilespmem:s26+$0x8650]  }
0x230: {  	v56 =	vmul.f32 v25, v56;
	v25 =	vld [tilespmem:$0x1FBC0]  }
0x231: {  	v28 =	vld [tilespmem:$0x1FBD0]  }
0x232: {  	v24 =	vld [tilespmem:$0x1FBF0]  }
0x233: {  	v45 =	vmul.f32 v45, v27;
	v27 =	vld [tilespmem:$0x1FC00]  }
0x234: {  	v1 =	vmul.f32 v4, v1;
	v4 =	vmul.f32 v6, v5;
	v6 =	vld [tilespmem:s26+$0x5C0]  }
0x235: {  	v5 =	vmul.f32 v8, v7;
	v8 =	vld [tilespmem:s26+$0x85C0]  }
0x236: {  	v9 =	vmul.f32 v10, v9;
	v10 =	vld [tilespmem:s26+$0x8640]  }
0x237: {  	v47 =	vmul.f32 v47, v46;
	v46 =	vld [tilespmem:s26+$0x690]  }
0x238: {  	v3 =	vmul.f32 v3, v22;
	v22 =	vld [tilespmem:s26+$0x8700]  }
0x239: {  	v25 =	vmul.f32 v28, v25;
	v28 =	vld [tilespmem:$0x1FBE0]  }
0x23a: {  	v7 =	vmul.f32 v63, v61;
	v61 =	vmul.f32 v27, v24;
	v27 =	vld [tilespmem:s26+$0x650]  }
0x23b: {  	v1 =	vadd.f32 v1, v2;
	v2 =	vadd.f32 v5, v4;
	v5 =	vld [tilespmem:s26+$0x5D0]  }
0x23c: {  	v4 =	vld [tilespmem:s26+$0x600]  }
0x23d: {  	v2 =	vadd.f32 v43, v2;
	v43 =	vld [tilespmem:$0x1FC10]  }
0x23e: {  	v1 =	vadd.f32 v7, v1;
	v7 =	vmul.f32 v14, v18;
	v14 =	vld [tilespmem:s26+$0x8600]  }
0x23f: {  	v18 =	vld [tilespmem:$0x1FC20]  }
0x240: {  	v28 =	vmul.f32 v34, v28;
	v34 =	vld [tilespmem:s26+$0x8550]  }
0x241: {  	v1 =	vadd.f32 v56, v1;
	v56 =	vmov v26;
	v26 =	vmul.f32 v51, v50;
	v51 =	vld [tilespmem:$0x1FC30]  }
0x242: {  	v2 =	vadd.f32 v25, v2;
	v25 =	vmul.f32 v49, v48;
	v48 =	vld [tilespmem:s26+$0x6C0]  }
0x243: {  	v32 =	vmul.f32 v32, v27;
	v27 =	vld [tilespmem:s26+$0x740]  }
0x244: {  	v5 =	vmul.f32 v23, v5;
	v23 =	vld [tilespmem:s26+$0x8740]  }
0x245: {  	v50 =	vadd.f32 v25, v47;
	v25 =	vld [tilespmem:$0x1FC70]  }
0x246: {  	v47 =	vld [tilespmem:s26+$0x8690]  }
0x247: {  	v63 =	vmul.f32 v31, v18;
	v18 =	vld [tilespmem:s26+$0x610]  }
0x248: {  	v31 =	vmul.f32 v53, v52;
	v52 =	vld [tilespmem:$0x1FC40]  }
0x249: {  	v24 =	vperm.xlane v2, v59;
	v60 =	vmul.f32 v38, v43;
	v38 =	vld [tilespmem:s26+$0x680]  }
0x24a: {  	v17 =	vmul.f32 v17, v21;
	v21 =	vperm.xlane v1, v59;
	v43 =	vld [tilespmem:s26+$0x8680]  }
0x24b: {  	v2 =	vadd.f32 v24, v2;
	v24 =	vld [tilespmem:$0x1FC60]  }
0x24c: {  	v0 =	vmul.f32 v0, v11;
	v1 =	vadd.f32 v21, v1;
	v21 =	vmul.f32 v55, v54;
	v55 =	vmovc v35;
	v35 =	vld [tilespmem:$0x1FC90]  }
0x24d: {  	v49 =	vmul.f32 v34, v57;
	v57 =	vmov v58;
	v58 =	vld [tilespmem:$0x1FC50]  }
0x24e: {  	v0 =	vadd.f32 v0, v9;
	v34 =	vadd.f32 v17, v50;
	v17 =	vld [tilespmem:$0x1FCA0]  }
0x24f: {  	v50 =	vld [tilespmem:s26+$0x86D0];
	v21 =	vadd.f32 v49, v21  }
0x250: {  	v0 =	vadd.f32 v7, v0;
	v49 =	vld [tilespmem:s26+$0x86C0]  }
0x251: {  	v6 =	vmul.f32 v8, v6;
	v10 =	vmul.f32 v10, v20;
	v15 =	vadd.f32 v15, v21;
	v21 =	vld [tilespmem:$0x1FCC0]  }
0x252: {  	v0 =	vadd.f32 v28, v0;
	v11 =	vmul.f32 v24, v58;
	v24 =	vadd.f32 v31, v26;
	v26 =	vld [tilespmem:$0x1FC80]  }
0x253: {  	v4 =	vmul.f32 v14, v4;
	v7 =	vadd.f32 v30, v34;
	v9 =	vmul.f32 v17, v35;
	v17 =	vld [tilespmem:$0x1FCB0]  }
0x254: {  	v30 =	vld [tilespmem:s26+$0x8780];
	v58 =	vmul.f32 v19, v18;
	v12 =	vadd.f32 v12, v15;
	v16 =	vadd.f32 v16, v24  }
0x255: {  	v1 =	vsel vm0, v1, v2;
	v34 =	vadd.f32 v5, v6;
	v35 =	vld [tilespmem:$0x1FCD0];
	v24 =	vperm.xlane v0, v59  }
0x256: {  	v53 =	vmovc v29;
	v15 =	vld [tilespmem:s26+$0x6D0];
	v4 =	vadd.f32 v58, v4;
	v29 =	vperm.xlane v12, v59;
	v41 =	vadd.f32 v44, v16  }
0x257: {  	v58 =	vld [tilespmem:$0x1FD00];
	v16 =	vperm.xlane v1, v36;
	v44 =	vmul.f32 v13, v40;
	v0 =	vadd.f32 v24, v0  }
0x258: {  	v54 =	vmovc v33;
	v40 =	vld [tilespmem:$0x1FCE0];
	v4 =	vadd.f32 v9, v4;
	v33 =	vmul.f32 v26, v25;
	v17 =	vmul.f32 v21, v17  }
0x259: {  	v24 =	vld [tilespmem:s26+$0x710];
	v25 =	vperm.xlane v7, v59;
	v12 =	vadd.f32 v29, v12;
	v16 =	vadd.f32 v16, v1  }
0x25a: {  	v21 =	vld [tilespmem:s26+$0x700];
	v28 =	vperm.xlane v41, v59;
	v1 =	vadd.f32 v3, v44;
	v39 =	vadd.f32 v39, v4  }
0x25b: {  	v26 =	vld [tilespmem:s26+$0x8710];
	v7 =	vadd.f32 v25, v7;
	v3 =	vadd.f32 v33, v34  }
0x25c: {  	v44 =	vld [tilespmem:$0x1FCF0];
	v2 =	vadd.f32 v28, v41;
	v41 =	vadd.f32 v32, v10  }
0x25d: {  	v25 =	vld [tilespmem:s26+$0x750];
	v1 =	vadd.f32 v11, v1;
	v29 =	vmul.f32 v40, v35;
	v0 =	vsel vm0, v0, v7  }
0x25e: {  	v33 =	vld [tilespmem:s26+$0x780];
	v3 =	vadd.f32 v45, v3;
	v45 =	vmul.f32 v50, v15;
	v5 =	vadd.f32 v17, v41  }
0x25f: {  	p0 =	sne.s32 s29, $0x1F000;
	v34 =	vld [tilespmem:s26+$0x8790];
	v11 =	vperm.xlane v0, v36;
	v1 =	vadd.f32 v42, v1;
	v41 =	vperm.xlane v39, v59  }
.Ltmp0:
0x260: {  	v32 =	vld [tilespmem:s26+$0x8750];
	v2 =	vsel vm0, v2, v12;
	v42 =	vmul.f32 v43, v38;
	v43 =	vmul.f32 v49, v48;
	(pc) =	sbr.rel @p0 .LBB2_2-.Ltmp0, $4  }
0x261: {  	v28 =	vld [tilespmem:s26+$0x790];
	v31 =	vmul.f32 v58, v44;
	v13 =	vperm.xlane v2, v36  }
0x262: {  	v35 =	vld [tilespmem:s26+$0x7C0];
	v58 =	vperm.xlane v3, v59;
	v37 =	vadd.f32 v37, v5;
	v14 =	vperm.xlane v1, v59  }
0x263: {  	v38 =	vld [tilespmem:s26+$0x7D0];
	v44 =	vmul.f32 v47, v46;
	v17 =	vadd.f32 v11, v0;
	v18 =	vadd.f32 v13, v2  }
0x264: {  	s29 =	sadd.s32 $0x1000, s29;
	v36 =	vld [tilespmem:s26+$0x87C0];
	v20 =	vadd.f32 v58, v3;
	v40 =	vperm.xlane v37, v59;
	v19 =	vadd.f32 v14, v1  }
0x265: {  	v1 =	vld [tilespmem:$0x1FE60]  }
0x266: {  	v0 =	vadd.f32 v44, v42;
	v2 =	vld [tilespmem:s26+$0x87D0];
	v3 =	vadd.f32 v41, v39;
	v8 =	vmul.f32 v22, v21  }
0x267: {  	v4 =	vadd.f32 v45, v43;
	v6 =	vld [tilespmem:s26+$0x7E0];
	v9 =	vmul.f32 v26, v24;
	v11 =	vmul.f32 v23, v27  }
0x268: {  	v10 =	vld [tilespmem:s26+$0x87E0];
	v12 =	vmul.f32 v32, v25;
	v14 =	vmul.f32 v30, v33;
	v7 =	vadd.f32 v40, v37  }
0x269: {  	v13 =	vld [tilespmem:s26+$0x7F0];
	v15 =	vmul.f32 v34, v28;
	v0 =	vadd.f32 v29, v0;
	v4 =	vadd.f32 v31, v4  }
0x26a: {  	v5 =	vmul.f32 v57, v55;
	v37 =	vld [tilespmem:s26+$0x87F0];
	v8 =	vadd.f32 v9, v8;
	v40 =	vadd.f32 v12, v11  }
0x26b: {  	v42 =	vadd.f32 v15, v14;
	v39 =	vmul.f32 v36, v35;
	v2 =	vmul.f32 v2, v38  }
0x26c: {  	v41 =	vmul.f32 v54, v53;
	v0 =	vadd.f32 v61, v0;
	v4 =	vadd.f32 v62, v4  }
0x26d: {  	v1 =	vmul.f32 v1, v56;
	v6 =	vmul.f32 v10, v6;
	v2 =	vadd.f32 v2, v39  }
0x26e: {  	v43 =	vmul.f32 v52, v51;
	v5 =	vadd.f32 v5, v40;
	v44 =	vadd.f32 v41, v42  }
0x26f: {  	v45 =	vmul.f32 v37, v13;
	v1 =	vadd.f32 v1, v8;
	v2 =	vadd.f32 v6, v2  }
0x270: {  	v5 =	vadd.f32 v63, v5;
	v46 =	vperm.xlane v0, v59;
	v8 =	vadd.f32 v43, v44  }
0x271: {  	v53 =	vld [tilespmem:$0x1FFD0];
	v47 =	vperm.xlane v4, v59;
	v1 =	vadd.f32 v60, v1;
	v2 =	vadd.f32 v45, v2  }
0x272: {  	v0 =	vadd.f32 v46, v0;
	v49 =	vperm.xlane v5, v59;
	v50 =	vperm.xlane v8, v59  }
0x273: {  	v4 =	vadd.f32 v47, v4;
	v48 =	vperm.xlane v1, v59;
	v51 =	vperm.xlane v2, v59  }
0x274: {  	v52 =	vsel vm0, v19, v20;
	v5 =	vadd.f32 v49, v5;
	v6 =	vadd.f32 v50, v8  }
0x275: {  	v3 =	vsel vm0, v3, v7;
	v1 =	vadd.f32 v48, v1;
	v2 =	vadd.f32 v51, v2  }
0x276: {  	v58 =	vld [tilespmem:$0x1FFE0];
	v54 =	vperm.xlane v52, v53;
	v7 =	vperm.xlane v3, v53;
	v0 =	vsel vm0, v0, v4  }
0x277: {  	v55 =	vperm.xlane v0, v53;
	v1 =	vsel vm0, v1, v5;
	v2 =	vsel vm0, v6, v2  }
0x278: {  	v3 =	vadd.f32 v7, v3;
	v56 =	vperm.xlane v1, v53;
	v8 =	vperm.xlane v2, v53  }
0x279: {  	v4 =	vadd.f32 v54, v52;
	v0 =	vadd.f32 v55, v0  }
0x27a: {  	v57 =	vsel vm1, v16, v17;
	v1 =	vadd.f32 v56, v1;
	v2 =	vadd.f32 v8, v2  }
0x27b: {  	v60 =	vperm.xlane v57, v58;
	v0 =	vsel vm1, v3, v0  }
0x27c: {  	v4 =	vsel vm1, v18, v4;
	v3 =	vperm.xlane v0, v58;
	v1 =	vsel vm1, v1, v2  }
0x27d: {  	v62 =	vld [tilespmem:$0x1FFF0];
	v61 =	vperm.xlane v4, v58;
	v7 =	vperm.xlane v1, v58  }
0x27e: {  	v5 =	vadd.f32 v60, v57;
	v0 =	vadd.f32 v3, v0  }
0x27f: {  	v2 =	vadd.f32 v61, v4;
	v1 =	vadd.f32 v7, v1;
	_ =	sdelay $0x1  }
0x280: {  	v2 =	vsel vm2, v5, v2;
	v0 =	vsel vm2, v0, v1  }
0x281: {  	v63 =	vperm.xlane v2, v62;
	v3 =	vperm.xlane v0, v62;
	_ =	sdelay $0x1  }
0x282: {  	v1 =	vadd.f32 v63, v2;
	v0 =	vadd.f32 v3, v0;
	_ =	sdelay $0x1  }
0x283: {  	v0 =	vsel vm3, v1, v0  }
0x284: {  	v0 =	vsub.f32 $0.0e+00, v0;
	_ =	sdelay $0x1  }
0x285: {  	v0 =	vmul.f32 $1.442695020e+00, v0;
	_ =	sdelay $0x1  }
0x286: {  	(erf) = vpow2.f32 v0;
	_ =	sdelay $0x8  }
0x287: {  	v0 =	vpop (erf)  }
0x288: {  	v0 =	vadd.f32 $1.000000000e+00, v0;
	_ =	sdelay $0x1  }
0x289: {  	(erf) = vrcp.f32 v0;
	_ =	sdelay $0x8  }
0x28a: {  	v0 =	vpop (erf)  }
0x28b: {  	s25 =	sadd.s32 $0x1, s25;
	v0 =	vmul.f32 $1.000000000e+01, v0  }
0x28c: {  	s29 =	sadd.s32 $0x10, s28;
	p0 =	sne.s32 s25, s14  }
.Ltmp1:
0x28d: {  	[tilespmem:s29+$0x0] =	vst v0;
	(pc) =	sbr.rel @p0 .LBB2_1-.Ltmp1, $4  }
0x28e: {  	[hbm4b:s13+s1] =	stream.linear.scatter [tilespmem:s23], [sflag:$0x4], $0x200, $0x38;
	[tilespmem:$0x10600] =	vst v63  }
0x28f: {  	_ =	swait.ge [sflag:s24], $0x200  }
0x290: {  	[sflag:s24] =	ssyncset.done $0x0  }
0x291: {  	[sflag:s24] =	ssyncadd.s32 $0xFFFFFE00  }
0x292: {  	_ =	sfence.sel $0x180000  }
0x293: {  	[bflag:$0x0] =	sbarrier.arrive $0xFFFF  }
0x294: {  	_ =	strace $0x90000047  }
0x295: {  	s0 =	stileid.u32;
	[bflag:$0x2] =	sbarrier.arrive $0xFFFF  }
0x296: {  	p0 =	sne.s32 s0, $0x0;
	s0 =	rddreg [dreg:$0x4]  }
0x297: {  	s0 =	sadd.s32 @!p0 $0x100000, s0  }
0x298: {  	[sflag:s0] =	ssyncadd.tile.s32 @!p0 $0x1;
	_ =	shalt  }
.Lfunc_end2:
_tile_overlayer_lowered:
.L_overlay_start_2:
0x299: {  	(tag) =	ssettag $0x2  }
0x29a: {  	s0 =	rddreg [dreg:$0x0];
	s2 =	stileid.u32  }
0x29b: {  	s1 =	rddreg [dreg:$0x1];
	p0 =	sne.s32 s2, $0x0  }
0x29c: {  	s3 =	rddreg [dreg:$0x2];
	[bflag:$0x3] =	sbarrier.arrive $0xFFFF;
	s2 =	simm.s32 @!p0 $0x1C04  }
0x29d: {  	[timem:s3], [sflag:s2] =	dma.local @!p0 [hbm:s0], s1  }
0x29e: {  	s0 =	simm.s32 @!p0 $0x4  }
0x29f: {  	_ =	swait.ge @!p0 [sflag:s0], s1  }
0x2a0: {  	s1 =	ssub.s32 @!p0 $0x0, s1;
	[sflag:s0] =	ssyncset.done @!p0 $0x0  }
0x2a1: {  	[sflag:s0] =	ssyncadd.s32 @!p0 s1  }
0x2a2: {  	[bflag:$0x3] =	sbarrier.arrive $0xFFFF  }
0x2a3: {  	_ =	shalt  }

</sc_bundles>
